<compile_context>
chip_gen: v7x
topology: tpu7x:2x2x1
jax: 0.10.2.dev20260603
libtpu: 0.0.44.dev20260713+nightly
codegen_flags: <defaults>
</compile_context>

<pallas_src>
import functools

import jax
import jax.numpy as jnp
from jax import lax
from jax.experimental import pallas as pl
from jax.experimental.pallas import tpu as pltpu
from jax.experimental.pallas import tpu_sc as plsc

PREC = jax.lax.Precision.HIGHEST

DEG_PAIRS = ((0, 0), (0, 1), (1, 0), (1, 1))
N = 256
NB = 16
F = 16
HEADS = 2
DH = 16
HID = HEADS * DH
MID = 128
BN = 32
E = BN * NB

W3_WIDTHS = (512, 512, 512, 1536)
W3_OFFS = (0, 512, 1024, 1536, 3072, 3584, 4096, 4608)


def _ln(x, g, b):
    mu = jnp.mean(x, axis=-1, keepdims=True)
    var = jnp.mean((x - mu) ** 2, axis=-1, keepdims=True)
    return (x - mu) / jnp.sqrt(var + 1e-5) * g + b


def _iota(shape, dim):
    return jax.lax.broadcasted_iota(jnp.int32, shape, dim)


SC_CORES = 2
SC_SUBCORES = 16
SC_WORKERS = SC_CORES * SC_SUBCORES
BPW = (N * NB) // SC_WORKERS


def _sc_gather(xtab, idx_flat):
    mesh = plsc.VectorSubcoreMesh(core_axis_name="c", subcore_axis_name="s")

    @functools.partial(
        pl.kernel, mesh=mesh,
        out_type=jax.ShapeDtypeStruct((N * NB, 8 * F), jnp.float32),
        scratch_types=[
            pltpu.VMEM((BPW,), jnp.int32),
            pltpu.VMEM((BPW, 8 * F), jnp.float32),
            pltpu.SemaphoreType.DMA,
        ],
    )
    def k(table_hbm, idx_hbm, out_hbm, idx_v, rows_v, sem):
        wid = lax.axis_index("s") * SC_CORES + lax.axis_index("c")
        base = wid * BPW
        pltpu.sync_copy(idx_hbm.at[pl.ds(base, BPW)], idx_v)
        pltpu.async_copy(table_hbm.at[idx_v], rows_v, sem).wait()
        pltpu.sync_copy(rows_v, out_hbm.at[pl.ds(base, BPW)])

    return k(xtab, idx_flat)


def _mlp_kernel(rel_ref, w1_ref, b1_ref, g1_ref, be1_ref,
                w2_ref, b2_ref, g2_ref, be2_ref, y2_ref):
    f32 = jnp.float32
    rel = rel_ref[...]
    for p in range(8):
        y = rel * w1_ref[p:p + 1, :] + b1_ref[p:p + 1, :]
        y = jax.nn.relu(_ln(y, g1_ref[p:p + 1, :], be1_ref[p:p + 1, :]))
        y = jnp.dot(y.astype(jnp.bfloat16), w2_ref[p],
                    preferred_element_type=f32) + b2_ref[p:p + 1, :]
        y = jax.nn.relu(_ln(y, g2_ref[p:p + 1, :], be2_ref[p:p + 1, :]))
        y2_ref[:, p * MID:(p + 1) * MID] = y.astype(jnp.bfloat16)


def _fused_kernel(xg_ref, rel_ref, b00_ref, b01_ref, b10_ref, b11_ref,
                  madd_ref, f0_ref, f1_ref, y2_ref,
                  w3_ref, b3_ref, wq0_ref, wq1_ref, wo0_ref, wo1_ref,
                  out0_ref, out1_ref):
    f32 = jnp.float32
    xg = xg_ref[...]
    xg0 = xg[:, :F]
    xg1 = [xg[:, F + m * F:F + (m + 1) * F] for m in range(3)]

    y2s = [y2_ref[:, p * MID:(p + 1) * MID] for p in range(8)]

    Ttile = (_iota((F, F * HID), 1) // HID == _iota((F, F * HID), 0)).astype(f32)
    xg0t = jnp.dot(xg0, Ttile, preferred_element_type=f32, precision=PREC)
    xg1t = [jnp.dot(xg1[m], Ttile, preferred_element_type=f32, precision=PREC)
            for m in range(3)]

    def foldsum(prod, fc):
        w = fc
        while w % 2 == 0:
            half = (w // 2) * HID
            prod = prod[:, :half] + prod[:, half:]
            w //= 2
        if w == 3:
            prod = prod[:, :HID] + prod[:, HID:2 * HID] + prod[:, 2 * HID:]
        return prod

    b00 = b00_ref[...]
    b01 = b01_ref[...]
    b10 = b10_ref[...]
    b11 = b11_ref[...]

    kv0 = []
    kv1 = []
    for cv in range(2):
        acc0 = jnp.zeros((E, HID), f32)
        acc1 = [jnp.zeros((E, HID), f32) for _ in range(3)]
        for ip, (di, do) in enumerate(DEG_PAIRS):
            p = cv * 4 + ip
            w3 = w3_ref[:, W3_OFFS[p]:W3_OFFS[p] + W3_WIDTHS[ip]]
            b3 = b3_ref[:, W3_OFFS[p]:W3_OFFS[p] + W3_WIDTHS[ip]]
            y3 = jnp.dot(y2s[p], w3, preferred_element_type=f32) + b3
            if (di, do) == (0, 0):
                acc0 = acc0 + b00 * foldsum(y3 * xg0t, F)
            elif (di, do) == (0, 1):
                Q = foldsum(y3 * xg0t, F)
                for mo in range(3):
                    acc1[mo] = acc1[mo] + b01[:, mo:mo + 1] * Q
            elif (di, do) == (1, 0):
                for mi in range(3):
                    acc0 = acc0 + b10[:, mi:mi + 1] * foldsum(y3 * xg1t[mi], F)
            else:
                P = [[foldsum(y3[:, c * F * HID:(c + 1) * F * HID] * xg1t[mi], F)
                      for mi in range(3)] for c in range(3)]
                for mo in range(3):
                    for c in range(3):
                        for mi in range(3):
                            col = 9 * mo + 3 * mi + c
                            acc1[mo] = acc1[mo] + b11[:, col:col + 1] * P[c][mi]
        kv0.append(acc0)
        kv1.append(acc1)
    K0, V0 = kv0
    K1, V1 = kv1

    scale = DH ** -0.5
    madd = madd_ref[...]
    f0 = f0_ref[...]
    f1 = f1_ref[...]
    q0 = jnp.dot(f0, wq0_ref[...], preferred_element_type=f32, precision=PREC)
    q1 = [jnp.dot(f1[:, m * F:(m + 1) * F], wq1_ref[...], preferred_element_type=f32, precision=PREC)
          for m in range(3)]

    Sh = (_iota((HID, HEADS), 0) // DH == _iota((HID, HEADS), 1)).astype(f32)
    Gn = (_iota((BN, E), 1) // NB == _iota((BN, E), 0)).astype(f32)
    GnT = (_iota((E, BN), 0) // NB == _iota((E, BN), 1)).astype(f32)
    Gk = (_iota((E, NB), 0) % NB == _iota((E, NB), 1)).astype(f32)
    qe0 = jnp.dot(GnT, q0, preferred_element_type=f32, precision=PREC)
    qe1 = [jnp.dot(GnT, q, preferred_element_type=f32, precision=PREC) for q in q1]

    def softmax_full(s):
        sim = jnp.dot(s, Sh, preferred_element_type=f32, precision=PREC) * scale + madd
        cols = []
        for h in range(HEADS):
            mat = jnp.dot(Gn, sim[:, h:h + 1] * Gk, preferred_element_type=f32, precision=PREC)
            mx = mat.max(axis=-1, keepdims=True)
            ex = jnp.exp(mat - mx)
            at = ex / ex.sum(axis=-1, keepdims=True)
            ate = (jnp.dot(GnT, at, preferred_element_type=f32, precision=PREC) * Gk).sum(
                axis=-1, keepdims=True)
            cols.append(jnp.broadcast_to(ate, (E, DH)))
        return jnp.concatenate(cols, axis=1)

    a0 = softmax_full(qe0 * K0)
    o0 = jnp.dot(Gn, a0 * V0, preferred_element_type=f32, precision=PREC)
    out0_ref[...] = jnp.dot(o0, wo0_ref[...], preferred_element_type=f32, precision=PREC)

    s1 = qe1[0] * K1[0] + qe1[1] * K1[1] + qe1[2] * K1[2]
    a1 = softmax_full(s1)
    outs = []
    for m in range(3):
        o1 = jnp.dot(Gn, a1 * V1[m], preferred_element_type=f32, precision=PREC)
        outs.append(jnp.dot(o1, wo1_ref[...], preferred_element_type=f32, precision=PREC))
    out1_ref[...] = jnp.concatenate(outs, axis=1)


def kernel(feat0, feat1, neighbor_indices, neighbor_mask, rel_dist, basis, params):
    B = feat0.shape[0]
    f0 = feat0.reshape(N, F).astype(jnp.float32)
    f1m = feat1.reshape(N, F, 3).transpose(0, 2, 1).reshape(N, 3 * F).astype(jnp.float32)
    xtab = jnp.concatenate([f0, f1m], axis=1)
    idx_flat = neighbor_indices.reshape(N * NB).astype(jnp.int32)
    rel = rel_dist.reshape(N * NB, 1).astype(jnp.float32)
    madd = jnp.where(neighbor_mask.reshape(N * NB, 1), 0.0, -1e30).astype(jnp.float32)
    b00 = basis['0,0'].reshape(N * NB, 1)
    b01 = basis['0,1'].reshape(N * NB, 3)
    b10 = basis['1,0'].reshape(N * NB, 3)
    b11 = basis['1,1'].reshape(N * NB, 27)

    pk, pv = params['to_k'], params['to_v']
    pipes = [pk['0,0'], pk['0,1'], pk['1,0'], pk['1,1'],
             pv['0,0'], pv['0,1'], pv['1,0'], pv['1,1']]

    def permute_w3(p, ip):
        w3, b3 = p['w3'], p['b3']
        if ip == 3:
            w3 = w3.reshape(MID, HID, F, 3).transpose(0, 3, 2, 1).reshape(MID, 1536)
            b3 = b3.reshape(HID, F, 3).transpose(2, 1, 0).reshape(1536)
        else:
            w3 = w3.reshape(MID, HID, F).transpose(0, 2, 1).reshape(MID, 512)
            b3 = b3.reshape(HID, F).transpose(1, 0).reshape(512)
        return w3, b3

    w3b3 = [permute_w3(p, i % 4) for i, p in enumerate(pipes)]
    w1 = jnp.stack([p['w1'].reshape(MID) for p in pipes])
    b1 = jnp.stack([p['b1'] for p in pipes])
    g1 = jnp.stack([p['g1'] for p in pipes])
    be1 = jnp.stack([p['be1'] for p in pipes])
    w2 = jnp.stack([p['w2'] for p in pipes]).astype(jnp.bfloat16)
    b2 = jnp.stack([p['b2'] for p in pipes])
    g2 = jnp.stack([p['g2'] for p in pipes])
    be2 = jnp.stack([p['be2'] for p in pipes])
    w3 = jnp.concatenate([w for w, _ in w3b3], axis=1).astype(jnp.bfloat16)
    b3 = jnp.concatenate([b for _, b in w3b3])[None, :]
    wq0 = params['to_q']['0']
    wq1 = params['to_q']['1']
    wo0 = params['to_out']['0']
    wo1 = params['to_out']['1']

    xtab_pad = jnp.concatenate([xtab, jnp.zeros((N, 4 * F), jnp.float32)], axis=1)
    xg_all = _sc_gather(xtab_pad, idx_flat)

    def blk(shape):
        return pl.BlockSpec(shape, lambda i: (i,) + (0,) * (len(shape) - 1))

    def rep(shape):
        return pl.BlockSpec(shape, lambda i: (0,) * len(shape))

    y2cat = pl.pallas_call(
        _mlp_kernel,
        grid=(N // BN,),
        in_specs=[
            blk((E, 1)),
            rep((8, MID)), rep((8, MID)), rep((8, MID)), rep((8, MID)),
            rep((8, MID, MID)),
            rep((8, MID)), rep((8, MID)), rep((8, MID)),
        ],
        out_specs=blk((E, 8 * MID)),
        out_shape=jax.ShapeDtypeStruct((N * NB, 8 * MID), jnp.bfloat16),
    )(rel, w1, b1, g1, be1, w2, b2, g2, be2)

    out0, out1 = pl.pallas_call(
        _fused_kernel,
        grid=(N // BN,),
        in_specs=[
            blk((E, 8 * F)),
            blk((E, 1)),
            blk((E, 1)),
            blk((E, 3)),
            blk((E, 3)),
            blk((E, 27)),
            blk((E, 1)),
            blk((BN, F)),
            blk((BN, 3 * F)),
            blk((E, 8 * MID)),
            rep((MID, 6144)), rep((1, 6144)),
            rep((F, HID)), rep((F, HID)), rep((HID, F)), rep((HID, F)),
        ],
        out_specs=[blk((BN, F)), blk((BN, 3 * F))],
        out_shape=[jax.ShapeDtypeStruct((N, F), jnp.float32),
                   jax.ShapeDtypeStruct((N, 3 * F), jnp.float32)],
    )(xg_all, rel, b00, b01, b10, b11, madd, f0, f1m, y2cat,
      w3, b3, wq0, wq1, wo0, wo1)

    out1 = out1.reshape(N, 3, F).transpose(0, 2, 1)
    return out0.reshape(B, N, F, 1), out1.reshape(B, N, F, 3)

# --- scband reference (transcript-rebuilt; emitter-appended) ---
"""Pipeline reference for scband-attention-se3-89928025244027 (READ-ONLY COPY).

The authoritative reference and input builder live on the scoring server;
editing this copy changes nothing except your own understanding.
"""

import jax, jax.numpy as jnp
import numpy as np

DEGREES = (0, 1)
FIBER_DIM = 16
HEADS = 2
DIM_HEAD = 16
HIDDEN = HEADS * DIM_HEAD
MID = 128
B, N, NB = 1, 256, 16

def to_order(d):
    return 2 * d + 1

def layer_norm(x, g, b, eps=1e-5):
    mu = jnp.mean(x, axis=-1, keepdims=True)
    var = jnp.mean((x - mu) ** 2, axis=-1, keepdims=True)
    return (x - mu) / jnp.sqrt(var + eps) * g + b

def radial_func(feat, p, nf):
    y = feat @ p['w1'] + p['b1']
    y = jax.nn.relu(layer_norm(y, p['g1'], p['be1']))
    y = y @ p['w2'] + p['b2']
    y = jax.nn.relu(layer_norm(y, p['g2'], p['be2']))
    y = y @ p['w3'] + p['b3']
    b, n, nb = y.shape[:3]
    return y.reshape(b, n, nb, HIDDEN, 1, FIBER_DIM, 1, nf)

def pairwise_conv(feat, p, di, do, basis_dd):
    nf = to_order(min(di, do))
    R = radial_func(feat, p, nf)
    kernel = jnp.sum(R * basis_dd, axis=-1)
    b, n, nb = kernel.shape[:3]
    return kernel.reshape(b, n, nb, to_order(do) * HIDDEN, FIBER_DIM * to_order(di))

def batched_index_select(x, idx):
    return jax.vmap(lambda xb, ib: xb[ib])(x, idx)

def conv_se3(inp, neighbor_indices, rel_dist, basis, cp):
    feat = rel_dist[..., None]
    kernels = {}
    for di in DEGREES:
        for do in DEGREES:
            kk = str(di) + ',' + str(do)
            kernels[(di, do)] = pairwise_conv(feat, cp[kk], di, do, basis[kk])
    out = {}
    for do in DEGREES:
        acc = None
        for di in DEGREES:
            x = inp[str(di)]
            xg = batched_index_select(x, neighbor_indices)
            b, n, nb, m, o = xg.shape
            xv = xg.reshape(b, n, nb, m * o, 1)
            term = jnp.einsum('bnkoi,bnkic->bnkoc', kernels[(di, do)], xv)
            acc = term if acc is None else acc + term
        b, n, nb = acc.shape[:3]
        out[str(do)] = acc.reshape(b, n, nb, HIDDEN, to_order(do))
    return out

def linear_se3(x, ws):
    return {k: jnp.einsum('bndm,de->bnem', x[k], w) for k, w in ws.items()}

def attention_se3(features, neighbor_indices, neighbor_mask, rel_dist, basis, params):
    queries = linear_se3(features, params['to_q'])
    keys = conv_se3(features, neighbor_indices, rel_dist, basis, params['to_k'])
    values = conv_se3(features, neighbor_indices, rel_dist, basis, params['to_v'])
    mask = neighbor_mask[:, None, :, :]
    scale = DIM_HEAD ** -0.5
    hidden_out = {}
    for d in DEGREES:
        kstr = str(d)
        m = to_order(d)
        q = queries[kstr]
        b, n = q.shape[:2]
        q = q.reshape(b, n, HEADS, DIM_HEAD, m).transpose(0, 2, 1, 3, 4)
        kk = keys[kstr].reshape(b, n, NB, HEADS, DIM_HEAD, m).transpose(0, 3, 1, 2, 4, 5)
        vv = values[kstr].reshape(b, n, NB, HEADS, DIM_HEAD, m).transpose(0, 3, 1, 2, 4, 5)
        sim = jnp.einsum('bhidm,bhijdm->bhij', q, kk) * scale
        sim = jnp.where(mask, sim, -jnp.finfo(sim.dtype).max)
        attn = jax.nn.softmax(sim, axis=-1)
        o = jnp.einsum('bhij,bhijdm->bhidm', attn, vv)
        hidden_out[kstr] = o.transpose(0, 2, 1, 3, 4).reshape(b, n, HIDDEN, m)
    outs = linear_se3(hidden_out, params['to_out'])
    return outs['0'], outs['1']

def setup_inputs(seed: int = 0):
    key = jax.random.key(seed)
    counter = [0]
    def nk():
        counter[0] += 1
        return jax.random.fold_in(key, counter[0])
    def nrm(shape, scale=1.0):
        return jax.random.normal(nk(), shape, dtype=jnp.float32) * scale
    feat0 = nrm((B, N, FIBER_DIM, 1))
    feat1 = nrm((B, N, FIBER_DIM, 3))
    neighbor_indices = jax.random.randint(nk(), (B, N, NB), 0, N)
    neighbor_mask = jnp.ones((B, N, NB), dtype=bool)
    rel_dist = jax.random.uniform(nk(), (B, N, NB), dtype=jnp.float32)
    basis = {}
    for di in DEGREES:
        for do in DEGREES:
            nf = to_order(min(di, do))
            basis[str(di) + ',' + str(do)] = nrm((B, N, NB, 1, to_order(do), 1, to_order(di), nf))
    def radial_params(nf):
        return {
            'w1': nrm((1, MID)),
            'b1': jnp.zeros((MID,), dtype=jnp.float32),
            'g1': jnp.ones((MID,), dtype=jnp.float32),
            'be1': jnp.zeros((MID,), dtype=jnp.float32),
            'w2': nrm((MID, MID), MID ** -0.5),
            'b2': jnp.zeros((MID,), dtype=jnp.float32),
            'g2': jnp.ones((MID,), dtype=jnp.float32),
            'be2': jnp.zeros((MID,), dtype=jnp.float32),
            'w3': nrm((MID, nf * FIBER_DIM * HIDDEN), MID ** -0.5),
            'b3': jnp.zeros((nf * FIBER_DIM * HIDDEN,), dtype=jnp.float32),
        }
    def conv_params():
        return {str(di) + ',' + str(do): radial_params(to_order(min(di, do))) for di in DEGREES for do in DEGREES}
    params = {
        'to_q': {str(d): nrm((FIBER_DIM, HIDDEN), FIBER_DIM ** -0.5) for d in DEGREES},
        'to_k': conv_params(),
        'to_v': conv_params(),
        'to_out': {str(d): nrm((HIDDEN, FIBER_DIM), HIDDEN ** -0.5) for d in DEGREES},
    }
    return {'feat0': feat0, 'feat1': feat1, 'neighbor_indices': neighbor_indices, 'neighbor_mask': neighbor_mask, 'rel_dist': rel_dist, 'basis': basis, 'params': params}

def reference(feat0, feat1, neighbor_indices, neighbor_mask, rel_dist, basis, params):
    features = {'0': feat0, '1': feat1}
    return attention_se3(features, neighbor_indices, neighbor_mask, rel_dist, basis, params)

if __name__ == "__main__":
    import jax
    _d = setup_inputs()
    print(jax.jit(kernel)(*tuple(_d.values())))

</pallas_src>

<mosaic_0001>
#map = affine_map<(d0, d1) -> (0, 0)>
#map1 = affine_map<(d0, d1) -> (0)>
module attributes {stable_mosaic.version = 14 : i64} {
  func.func @k(%arg0: i32, %arg1: i32, %arg2: memref<256x128xf32, #tpu.memory_space<hbm>>, %arg3: memref<4096xi32, #tpu.memory_space<hbm>>, %arg4: memref<4096x128xf32, #tpu.memory_space<hbm>>, %arg5: memref<128xi32, #tpu.memory_space<vmem>>, %arg6: memref<128x128xf32, #tpu.memory_space<vmem>>, %arg7: memref<!tpu.dma_semaphore, #tpu.memory_space<semaphore_mem>>) attributes {dimension_semantics = [#tpu.dimension_semantics<core_parallel>, #tpu.dimension_semantics<subcore_parallel>], iteration_bounds = array<i64: 2, 16>, scalar_prefetch = 0 : i64, scratch_operands = 3 : i64, tpu.core_type = #tpu.core_type<sc_vector_subcore>, window_params = [{transform_indices = #map}, {transform_indices = #map1}, {transform_indices = #map}]} {
    %mul3A = arith.constant 2 : i32
    %mul3A_0 = arith.muli %arg1, %mul3A : i32
    %add3A = arith.addi %mul3A_0, %arg0 : i32
    %mul3A_1 = arith.constant 128 : i32
    %mul3A_2 = arith.muli %add3A, %mul3A_1 : i32
    "tpu.region"() ({
      %run_scoped3A = tpu.sem_alloc : memref<!tpu.dma_semaphore, #tpu.memory_space<semaphore_mem>>
      %dma_start3A_7 = tpu.memref_slice %arg3[%mul3A_2] : memref<4096xi32, #tpu.memory_space<hbm>> -> memref<128xi32, #tpu.memory_space<hbm>>
      %dma_start3A_8 = tpu.memref_slice %arg3[%mul3A_2] : memref<4096xi32, #tpu.memory_space<hbm>> -> memref<128xi32, #tpu.memory_space<hbm>>
      tpu.enqueue_dma source(%dma_start3A_8 : memref<128xi32, #tpu.memory_space<hbm>>) target(%arg5 : memref<128xi32, #tpu.memory_space<vmem>>) target_semaphore(%run_scoped3A : memref<!tpu.dma_semaphore, #tpu.memory_space<semaphore_mem>>)
      %dma_wait3A_9 = tpu.memref_slice %arg3[%mul3A_2] : memref<4096xi32, #tpu.memory_space<hbm>> -> memref<128xi32, #tpu.memory_space<hbm>>
      %dma_wait3A_10 = tpu.memref_slice %arg3[%mul3A_2] : memref<4096xi32, #tpu.memory_space<hbm>> -> memref<128xi32, #tpu.memory_space<hbm>>
      tpu.wait_dma2 semaphore(%run_scoped3A : memref<!tpu.dma_semaphore, #tpu.memory_space<semaphore_mem>>) src(%dma_wait3A_10 : memref<128xi32, #tpu.memory_space<hbm>>) dst(%arg5 : memref<128xi32, #tpu.memory_space<vmem>>)
      tpu.yield
    }) : () -> ()
    %dma_start3A = arith.constant 0 : i32
    %dma_start3A_3 = arith.constant 0 : i32
    %dma_start3A_4 = tpu.memref_slice %arg2[%dma_start3A, %dma_start3A_3] : memref<256x128xf32, #tpu.memory_space<hbm>> -> memref<256x128xf32, #tpu.memory_space<hbm>>
    tpu.enqueue_indirect_dma source(%dma_start3A_4 : memref<256x128xf32, #tpu.memory_space<hbm>>) target(%arg6 : memref<128x128xf32, #tpu.memory_space<vmem>>) offsets(%arg5 : memref<128xi32, #tpu.memory_space<vmem>>) semaphore(%arg7 : memref<!tpu.dma_semaphore, #tpu.memory_space<semaphore_mem>>)
    %dma_wait3A = arith.constant 0 : i32
    %dma_wait3A_5 = arith.constant 0 : i32
    %dma_wait3A_6 = tpu.memref_slice %arg2[%dma_wait3A, %dma_wait3A_5] : memref<256x128xf32, #tpu.memory_space<hbm>> -> memref<256x128xf32, #tpu.memory_space<hbm>>
    tpu.wait_indirect_dma semaphore(%arg7 : memref<!tpu.dma_semaphore, #tpu.memory_space<semaphore_mem>>) src(%dma_wait3A_6 : memref<256x128xf32, #tpu.memory_space<hbm>>) dst(%arg6 : memref<128x128xf32, #tpu.memory_space<vmem>>)
    "tpu.region"() ({
      %run_scoped3A = tpu.sem_alloc : memref<!tpu.dma_semaphore, #tpu.memory_space<semaphore_mem>>
      %dma_start3A_7 = arith.constant 0 : i32
      %dma_start3A_8 = tpu.memref_slice %arg4[%mul3A_2, %dma_start3A_7] : memref<4096x128xf32, #tpu.memory_space<hbm>> -> memref<128x128xf32, #tpu.memory_space<hbm>>
      %dma_start3A_9 = arith.constant 0 : i32
      %dma_start3A_10 = tpu.memref_slice %arg4[%mul3A_2, %dma_start3A_9] : memref<4096x128xf32, #tpu.memory_space<hbm>> -> memref<128x128xf32, #tpu.memory_space<hbm>>
      tpu.enqueue_dma source(%arg6 : memref<128x128xf32, #tpu.memory_space<vmem>>) target(%dma_start3A_10 : memref<128x128xf32, #tpu.memory_space<hbm>>) target_semaphore(%run_scoped3A : memref<!tpu.dma_semaphore, #tpu.memory_space<semaphore_mem>>)
      %dma_wait3A_11 = arith.constant 0 : i32
      %dma_wait3A_12 = tpu.memref_slice %arg4[%mul3A_2, %dma_wait3A_11] : memref<4096x128xf32, #tpu.memory_space<hbm>> -> memref<128x128xf32, #tpu.memory_space<hbm>>
      %dma_wait3A_13 = arith.constant 0 : i32
      %dma_wait3A_14 = tpu.memref_slice %arg4[%mul3A_2, %dma_wait3A_13] : memref<4096x128xf32, #tpu.memory_space<hbm>> -> memref<128x128xf32, #tpu.memory_space<hbm>>
      tpu.wait_dma2 semaphore(%run_scoped3A : memref<!tpu.dma_semaphore, #tpu.memory_space<semaphore_mem>>) src(%arg6 : memref<128x128xf32, #tpu.memory_space<vmem>>) dst(%dma_wait3A_14 : memref<128x128xf32, #tpu.memory_space<hbm>>)
      tpu.yield
    }) : () -> ()
    return
  }
}

module attributes {stable_mosaic.version = 14 : i64} {
  func.func @_mlp_kernel(%arg0: i32, %arg1: memref<512x1xf32, #tpu.memory_space<vmem>>, %arg2: memref<8x128xf32, #tpu.memory_space<vmem>>, %arg3: memref<8x128xf32, #tpu.memory_space<vmem>>, %arg4: memref<8x128xf32, #tpu.memory_space<vmem>>, %arg5: memref<8x128xf32, #tpu.memory_space<vmem>>, %arg6: memref<8x128x128xbf16, #tpu.memory_space<vmem>>, %arg7: memref<8x128xf32, #tpu.memory_space<vmem>>, %arg8: memref<8x128xf32, #tpu.memory_space<vmem>>, %arg9: memref<8x128xf32, #tpu.memory_space<vmem>>, %arg10: memref<512x1024xbf16, #tpu.memory_space<vmem>>) attributes {dimension_semantics = [#tpu.dimension_semantics<arbitrary>], iteration_bounds = array<i64: 8>, scalar_prefetch = 0 : i64, scratch_operands = 0 : i64, tpu.core_type = #tpu.core_type<tc>, window_params = [{transform_indices = @transform_0, window_bounds = array<i64: 512, 1>}, {pipeline_mode = #tpu.pipeline_mode<synchronous>, transform_indices = @transform_1, window_bounds = array<i64: 8, 128>}, {pipeline_mode = #tpu.pipeline_mode<synchronous>, transform_indices = @transform_2, window_bounds = array<i64: 8, 128>}, {pipeline_mode = #tpu.pipeline_mode<synchronous>, transform_indices = @transform_3, window_bounds = array<i64: 8, 128>}, {pipeline_mode = #tpu.pipeline_mode<synchronous>, transform_indices = @transform_4, window_bounds = array<i64: 8, 128>}, {pipeline_mode = #tpu.pipeline_mode<synchronous>, transform_indices = @transform_5, window_bounds = array<i64: 8, 128, 128>}, {pipeline_mode = #tpu.pipeline_mode<synchronous>, transform_indices = @transform_6, window_bounds = array<i64: 8, 128>}, {pipeline_mode = #tpu.pipeline_mode<synchronous>, transform_indices = @transform_7, window_bounds = array<i64: 8, 128>}, {pipeline_mode = #tpu.pipeline_mode<synchronous>, transform_indices = @transform_8, window_bounds = array<i64: 8, 128>}, {transform_indices = @transform_9, window_bounds = array<i64: 512, 1024>}]} {
    %get3A = arith.constant 0 : index
    %get3A_0 = arith.constant 0 : index
    %get3A_1 = vector.load %arg1[%get3A, %get3A_0] : memref<512x1xf32, #tpu.memory_space<vmem>>, vector<512x1xf32>
    %get3A_2 = arith.constant 0 : index
    %get3A_3 = arith.constant 0 : index
    %get3A_4 = vector.load %arg2[%get3A_2, %get3A_3] : memref<8x128xf32, #tpu.memory_space<vmem>>, vector<1x128xf32>
    %mul3A = vector.broadcast %get3A_1 : vector<512x1xf32> to vector<512x128xf32>
    %mul3A_5 = vector.broadcast %get3A_4 : vector<1x128xf32> to vector<512x128xf32>
    %mul3A_6 = arith.mulf %mul3A, %mul3A_5 : vector<512x128xf32>
    %get3A_7 = arith.constant 0 : index
    %get3A_8 = arith.constant 0 : index
    %get3A_9 = vector.load %arg3[%get3A_7, %get3A_8] : memref<8x128xf32, #tpu.memory_space<vmem>>, vector<1x128xf32>
    %add3A = vector.broadcast %get3A_9 : vector<1x128xf32> to vector<512x128xf32>
    %add3A_10 = arith.addf %mul3A_6, %add3A : vector<512x128xf32>
    %get3A_11 = arith.constant 0 : index
    %get3A_12 = arith.constant 0 : index
    %get3A_13 = vector.load %arg4[%get3A_11, %get3A_12] : memref<8x128xf32, #tpu.memory_space<vmem>>, vector<1x128xf32>
    %get3A_14 = arith.constant 0 : index
    %get3A_15 = arith.constant 0 : index
    %get3A_16 = vector.load %arg5[%get3A_14, %get3A_15] : memref<8x128xf32, #tpu.memory_space<vmem>>, vector<1x128xf32>
    %reduce_sum3A = arith.constant dense<0.000000e+00> : vector<512xf32>
    %reduce_sum3A_17 = vector.multi_reduction <add>, %add3A_10, %reduce_sum3A [1] : vector<512x128xf32> to vector<512xf32>
    %broadcast_in_dim3A = vector.shape_cast %reduce_sum3A_17 : vector<512xf32> to vector<512x1xf32>
    %div3A = arith.constant 1.280000e+02 : f32
    %div3A_18 = vector.broadcast %div3A : f32 to vector<512x1xf32>
    %div3A_19 = arith.divf %broadcast_in_dim3A, %div3A_18 : vector<512x1xf32>
    %sub3A = vector.broadcast %div3A_19 : vector<512x1xf32> to vector<512x128xf32>
    %sub3A_20 = arith.subf %add3A_10, %sub3A : vector<512x128xf32>
    %integer_pow3A = arith.mulf %sub3A_20, %sub3A_20 : vector<512x128xf32>
    %reduce_sum3A_21 = arith.constant dense<0.000000e+00> : vector<512xf32>
    %reduce_sum3A_22 = vector.multi_reduction <add>, %integer_pow3A, %reduce_sum3A_21 [1] : vector<512x128xf32> to vector<512xf32>
    %broadcast_in_dim3A_23 = vector.shape_cast %reduce_sum3A_22 : vector<512xf32> to vector<512x1xf32>
    %div3A_24 = arith.constant 1.280000e+02 : f32
    %div3A_25 = vector.broadcast %div3A_24 : f32 to vector<512x1xf32>
    %div3A_26 = arith.divf %broadcast_in_dim3A_23, %div3A_25 : vector<512x1xf32>
    %sub3A_27 = vector.broadcast %div3A_19 : vector<512x1xf32> to vector<512x128xf32>
    %sub3A_28 = arith.subf %add3A_10, %sub3A_27 : vector<512x128xf32>
    %add3A_29 = arith.constant 9.99999974E-6 : f32
    %add3A_30 = vector.broadcast %add3A_29 : f32 to vector<512x1xf32>
    %add3A_31 = arith.addf %div3A_26, %add3A_30 : vector<512x1xf32>
    %sqrt3A = math.sqrt %add3A_31 : vector<512x1xf32>
    %div3A_32 = vector.broadcast %sqrt3A : vector<512x1xf32> to vector<512x128xf32>
    %div3A_33 = arith.divf %sub3A_28, %div3A_32 : vector<512x128xf32>
    %mul3A_34 = vector.broadcast %get3A_13 : vector<1x128xf32> to vector<512x128xf32>
    %mul3A_35 = arith.mulf %div3A_33, %mul3A_34 : vector<512x128xf32>
    %add3A_36 = vector.broadcast %get3A_16 : vector<1x128xf32> to vector<512x128xf32>
    %add3A_37 = arith.addf %mul3A_35, %add3A_36 : vector<512x128xf32>
    %max3A = arith.constant 0.000000e+00 : f32
    %max3A_38 = vector.broadcast %max3A : f32 to vector<512x128xf32>
    %max3A_39 = arith.maximumf %add3A_37, %max3A_38 : vector<512x128xf32>
    %convert_element_type3A = arith.truncf %max3A_39 : vector<512x128xf32> to vector<512x128xbf16>
    %get3A_40 = arith.constant 0 : index
    %get3A_41 = arith.constant 0 : index
    %get3A_42 = arith.constant 0 : index
    %get3A_43 = vector.load %arg6[%get3A_40, %get3A_41, %get3A_42] : memref<8x128x128xbf16, #tpu.memory_space<vmem>>, vector<1x128x128xbf16>
    %get3A_44 = vector.shape_cast %get3A_43 : vector<1x128x128xbf16> to vector<128x128xbf16>
    %dot_general3A = arith.constant dense<0.000000e+00> : vector<512x128xf32>
    %dot_general3A_45 = tpu.matmul %convert_element_type3A, %get3A_44, %dot_general3A {dimension_numbers = #tpu.dot_dimension_numbers<[1], [0], [0], [1], [0, 0, 1, 1], [], []>, transpose_lhs_hint = false} : vector<512x128xbf16>, vector<128x128xbf16>, vector<512x128xf32> -> vector<512x128xf32>
    %get3A_46 = arith.constant 0 : index
    %get3A_47 = arith.constant 0 : index
    %get3A_48 = vector.load %arg7[%get3A_46, %get3A_47] : memref<8x128xf32, #tpu.memory_space<vmem>>, vector<1x128xf32>
    %add3A_49 = vector.broadcast %get3A_48 : vector<1x128xf32> to vector<512x128xf32>
    %add3A_50 = arith.addf %dot_general3A_45, %add3A_49 : vector<512x128xf32>
    %get3A_51 = arith.constant 0 : index
    %get3A_52 = arith.constant 0 : index
    %get3A_53 = vector.load %arg8[%get3A_51, %get3A_52] : memref<8x128xf32, #tpu.memory_space<vmem>>, vector<1x128xf32>
    %get3A_54 = arith.constant 0 : index
    %get3A_55 = arith.constant 0 : index
    %get3A_56 = vector.load %arg9[%get3A_54, %get3A_55] : memref<8x128xf32, #tpu.memory_space<vmem>>, vector<1x128xf32>
    %reduce_sum3A_57 = arith.constant dense<0.000000e+00> : vector<512xf32>
    %reduce_sum3A_58 = vector.multi_reduction <add>, %add3A_50, %reduce_sum3A_57 [1] : vector<512x128xf32> to vector<512xf32>
    %broadcast_in_dim3A_59 = vector.shape_cast %reduce_sum3A_58 : vector<512xf32> to vector<512x1xf32>
    %div3A_60 = arith.constant 1.280000e+02 : f32
    %div3A_61 = vector.broadcast %div3A_60 : f32 to vector<512x1xf32>
    %div3A_62 = arith.divf %broadcast_in_dim3A_59, %div3A_61 : vector<512x1xf32>
    %sub3A_63 = vector.broadcast %div3A_62 : vector<512x1xf32> to vector<512x128xf32>
    %sub3A_64 = arith.subf %add3A_50, %sub3A_63 : vector<512x128xf32>
    %integer_pow3A_65 = arith.mulf %sub3A_64, %sub3A_64 : vector<512x128xf32>
    %reduce_sum3A_66 = arith.constant dense<0.000000e+00> : vector<512xf32>
    %reduce_sum3A_67 = vector.multi_reduction <add>, %integer_pow3A_65, %reduce_sum3A_66 [1] : vector<512x128xf32> to vector<512xf32>
    %broadcast_in_dim3A_68 = vector.shape_cast %reduce_sum3A_67 : vector<512xf32> to vector<512x1xf32>
    %div3A_69 = arith.constant 1.280000e+02 : f32
    %div3A_70 = vector.broadcast %div3A_69 : f32 to vector<512x1xf32>
    %div3A_71 = arith.divf %broadcast_in_dim3A_68, %div3A_70 : vector<512x1xf32>
    %sub3A_72 = vector.broadcast %div3A_62 : vector<512x1xf32> to vector<512x128xf32>
    %sub3A_73 = arith.subf %add3A_50, %sub3A_72 : vector<512x128xf32>
    %add3A_74 = arith.constant 9.99999974E-6 : f32
    %add3A_75 = vector.broadcast %add3A_74 : f32 to vector<512x1xf32>
    %add3A_76 = arith.addf %div3A_71, %add3A_75 : vector<512x1xf32>
    %sqrt3A_77 = math.sqrt %add3A_76 : vector<512x1xf32>
    %div3A_78 = vector.broadcast %sqrt3A_77 : vector<512x1xf32> to vector<512x128xf32>
    %div3A_79 = arith.divf %sub3A_73, %div3A_78 : vector<512x128xf32>
    %mul3A_80 = vector.broadcast %get3A_53 : vector<1x128xf32> to vector<512x128xf32>
    %mul3A_81 = arith.mulf %div3A_79, %mul3A_80 : vector<512x128xf32>
    %add3A_82 = vector.broadcast %get3A_56 : vector<1x128xf32> to vector<512x128xf32>
    %add3A_83 = arith.addf %mul3A_81, %add3A_82 : vector<512x128xf32>
    %max3A_84 = arith.constant 0.000000e+00 : f32
    %max3A_85 = vector.broadcast %max3A_84 : f32 to vector<512x128xf32>
    %max3A_86 = arith.maximumf %add3A_83, %max3A_85 : vector<512x128xf32>
    %convert_element_type3A_87 = arith.truncf %max3A_86 : vector<512x128xf32> to vector<512x128xbf16>
    %swap3A = arith.constant 0 : index
    %swap3A_88 = arith.constant 0 : index
    %swap3A_89 = vector.load %arg10[%swap3A, %swap3A_88] : memref<512x1024xbf16, #tpu.memory_space<vmem>>, vector<512x128xbf16>
    tpu.vector_store %arg10[%swap3A, %swap3A_88], %convert_element_type3A_87 {strides = array<i32>} : memref<512x1024xbf16, #tpu.memory_space<vmem>>, vector<512x128xbf16>,
    %get3A_90 = arith.constant 1 : index
    %get3A_91 = arith.constant 0 : index
    %get3A_92 = vector.load %arg2[%get3A_90, %get3A_91] : memref<8x128xf32, #tpu.memory_space<vmem>>, vector<1x128xf32>
    %mul3A_93 = vector.broadcast %get3A_1 : vector<512x1xf32> to vector<512x128xf32>
    %mul3A_94 = vector.broadcast %get3A_92 : vector<1x128xf32> to vector<512x128xf32>
    %mul3A_95 = arith.mulf %mul3A_93, %mul3A_94 : vector<512x128xf32>
    %get3A_96 = arith.constant 1 : index
    %get3A_97 = arith.constant 0 : index
    %get3A_98 = vector.load %arg3[%get3A_96, %get3A_97] : memref<8x128xf32, #tpu.memory_space<vmem>>, vector<1x128xf32>
    %add3A_99 = vector.broadcast %get3A_98 : vector<1x128xf32> to vector<512x128xf32>
    %add3A_100 = arith.addf %mul3A_95, %add3A_99 : vector<512x128xf32>
    %get3A_101 = arith.constant 1 : index
    %get3A_102 = arith.constant 0 : index
    %get3A_103 = vector.load %arg4[%get3A_101, %get3A_102] : memref<8x128xf32, #tpu.memory_space<vmem>>, vector<1x128xf32>
    %get3A_104 = arith.constant 1 : index
    %get3A_105 = arith.constant 0 : index
    %get3A_106 = vector.load %arg5[%get3A_104, %get3A_105] : memref<8x128xf32, #tpu.memory_space<vmem>>, vector<1x128xf32>
    %reduce_sum3A_107 = arith.constant dense<0.000000e+00> : vector<512xf32>
    %reduce_sum3A_108 = vector.multi_reduction <add>, %add3A_100, %reduce_sum3A_107 [1] : vector<512x128xf32> to vector<512xf32>
    %broadcast_in_dim3A_109 = vector.shape_cast %reduce_sum3A_108 : vector<512xf32> to vector<512x1xf32>
    %div3A_110 = arith.constant 1.280000e+02 : f32
    %div3A_111 = vector.broadcast %div3A_110 : f32 to vector<512x1xf32>
    %div3A_112 = arith.divf %broadcast_in_dim3A_109, %div3A_111 : vector<512x1xf32>
    %sub3A_113 = vector.broadcast %div3A_112 : vector<512x1xf32> to vector<512x128xf32>
    %sub3A_114 = arith.subf %add3A_100, %sub3A_113 : vector<512x128xf32>
    %integer_pow3A_115 = arith.mulf %sub3A_114, %sub3A_114 : vector<512x128xf32>
    %reduce_sum3A_116 = arith.constant dense<0.000000e+00> : vector<512xf32>
    %reduce_sum3A_117 = vector.multi_reduction <add>, %integer_pow3A_115, %reduce_sum3A_116 [1] : vector<512x128xf32> to vector<512xf32>
    %broadcast_in_dim3A_118 = vector.shape_cast %reduce_sum3A_117 : vector<512xf32> to vector<512x1xf32>
    %div3A_119 = arith.constant 1.280000e+02 : f32
    %div3A_120 = vector.broadcast %div3A_119 : f32 to vector<512x1xf32>
    %div3A_121 = arith.divf %broadcast_in_dim3A_118, %div3A_120 : vector<512x1xf32>
    %sub3A_122 = vector.broadcast %div3A_112 : vector<512x1xf32> to vector<512x128xf32>
    %sub3A_123 = arith.subf %add3A_100, %sub3A_122 : vector<512x128xf32>
    %add3A_124 = arith.constant 9.99999974E-6 : f32
    %add3A_125 = vector.broadcast %add3A_124 : f32 to vector<512x1xf32>
    %add3A_126 = arith.addf %div3A_121, %add3A_125 : vector<512x1xf32>
    %sqrt3A_127 = math.sqrt %add3A_126 : vector<512x1xf32>
    %div3A_128 = vector.broadcast %sqrt3A_127 : vector<512x1xf32> to vector<512x128xf32>
    %div3A_129 = arith.divf %sub3A_123, %div3A_128 : vector<512x128xf32>
    %mul3A_130 = vector.broadcast %get3A_103 : vector<1x128xf32> to vector<512x128xf32>
    %mul3A_131 = arith.mulf %div3A_129, %mul3A_130 : vector<512x128xf32>
    %add3A_132 = vector.broadcast %get3A_106 : vector<1x128xf32> to vector<512x128xf32>
    %add3A_133 = arith.addf %mul3A_131, %add3A_132 : vector<512x128xf32>
    %max3A_134 = arith.constant 0.000000e+00 : f32
    %max3A_135 = vector.broadcast %max3A_134 : f32 to vector<512x128xf32>
    %max3A_136 = arith.maximumf %add3A_133, %max3A_135 : vector<512x128xf32>
    %convert_element_type3A_137 = arith.truncf %max3A_136 : vector<512x128xf32> to vector<512x128xbf16>
    %get3A_138 = arith.constant 1 : index
    %get3A_139 = arith.constant 0 : index
    %get3A_140 = arith.constant 0 : index
    %get3A_141 = vector.load %arg6[%get3A_138, %get3A_139, %get3A_140] : memref<8x128x128xbf16, #tpu.memory_space<vmem>>, vector<1x128x128xbf16>
    %get3A_142 = vector.shape_cast %get3A_141 : vector<1x128x128xbf16> to vector<128x128xbf16>
    %dot_general3A_143 = arith.constant dense<0.000000e+00> : vector<512x128xf32>
    %dot_general3A_144 = tpu.matmul %convert_element_type3A_137, %get3A_142, %dot_general3A_143 {dimension_numbers = #tpu.dot_dimension_numbers<[1], [0], [0], [1], [0, 0, 1, 1], [], []>, transpose_lhs_hint = false} : vector<512x128xbf16>, vector<128x128xbf16>, vector<512x128xf32> -> vector<512x128xf32>
    %get3A_145 = arith.constant 1 : index
    %get3A_146 = arith.constant 0 : index
    %get3A_147 = vector.load %arg7[%get3A_145, %get3A_146] : memref<8x128xf32, #tpu.memory_space<vmem>>, vector<1x128xf32>
    %add3A_148 = vector.broadcast %get3A_147 : vector<1x128xf32> to vector<512x128xf32>
    %add3A_149 = arith.addf %dot_general3A_144, %add3A_148 : vector<512x128xf32>
    %get3A_150 = arith.constant 1 : index
    %get3A_151 = arith.constant 0 : index
    %get3A_152 = vector.load %arg8[%get3A_150, %get3A_151] : memref<8x128xf32, #tpu.memory_space<vmem>>, vector<1x128xf32>
    %get3A_153 = arith.constant 1 : index
    %get3A_154 = arith.constant 0 : index
    %get3A_155 = vector.load %arg9[%get3A_153, %get3A_154] : memref<8x128xf32, #tpu.memory_space<vmem>>, vector<1x128xf32>
    %reduce_sum3A_156 = arith.constant dense<0.000000e+00> : vector<512xf32>
    %reduce_sum3A_157 = vector.multi_reduction <add>, %add3A_149, %reduce_sum3A_156 [1] : vector<512x128xf32> to vector<512xf32>
    %broadcast_in_dim3A_158 = vector.shape_cast %reduce_sum3A_157 : vector<512xf32> to vector<512x1xf32>
    %div3A_159 = arith.constant 1.280000e+02 : f32
    %div3A_160 = vector.broadcast %div3A_159 : f32 to vector<512x1xf32>
    %div3A_161 = arith.divf %broadcast_in_dim3A_158, %div3A_160 : vector<512x1xf32>
    %sub3A_162 = vector.broadcast %div3A_161 : vector<512x1xf32> to vector<512x128xf32>
    %sub3A_163 = arith.subf %add3A_149, %sub3A_162 : vector<512x128xf32>
    %integer_pow3A_164 = arith.mulf %sub3A_163, %sub3A_163 : vector<512x128xf32>
    %reduce_sum3A_165 = arith.constant dense<0.000000e+00> : vector<512xf32>
    %reduce_sum3A_166 = vector.multi_reduction <add>, %integer_pow3A_164, %reduce_sum3A_165 [1] : vector<512x128xf32> to vector<512xf32>
    %broadcast_in_dim3A_167 = vector.shape_cast %reduce_sum3A_166 : vector<512xf32> to vector<512x1xf32>
    %div3A_168 = arith.constant 1.280000e+02 : f32
    %div3A_169 = vector.broadcast %div3A_168 : f32 to vector<512x1xf32>
    %div3A_170 = arith.divf %broadcast_in_dim3A_167, %div3A_169 : vector<512x1xf32>
    %sub3A_171 = vector.broadcast %div3A_161 : vector<512x1xf32> to vector<512x128xf32>
    %sub3A_172 = arith.subf %add3A_149, %sub3A_171 : vector<512x128xf32>
    %add3A_173 = arith.constant 9.99999974E-6 : f32
    %add3A_174 = vector.broadcast %add3A_173 : f32 to vector<512x1xf32>
    %add3A_175 = arith.addf %div3A_170, %add3A_174 : vector<512x1xf32>
    %sqrt3A_176 = math.sqrt %add3A_175 : vector<512x1xf32>
    %div3A_177 = vector.broadcast %sqrt3A_176 : vector<512x1xf32> to vector<512x128xf32>
    %div3A_178 = arith.divf %sub3A_172, %div3A_177 : vector<512x128xf32>
    %mul3A_179 = vector.broadcast %get3A_152 : vector<1x128xf32> to vector<512x128xf32>
    %mul3A_180 = arith.mulf %div3A_178, %mul3A_179 : vector<512x128xf32>
    %add3A_181 = vector.broadcast %get3A_155 : vector<1x128xf32> to vector<512x128xf32>
    %add3A_182 = arith.addf %mul3A_180, %add3A_181 : vector<512x128xf32>
    %max3A_183 = arith.constant 0.000000e+00 : f32
    %max3A_184 = vector.broadcast %max3A_183 : f32 to vector<512x128xf32>
    %max3A_185 = arith.maximumf %add3A_182, %max3A_184 : vector<512x128xf32>
    %convert_element_type3A_186 = arith.truncf %max3A_185 : vector<512x128xf32> to vector<512x128xbf16>
    %swap3A_187 = arith.constant 0 : index
    %swap3A_188 = arith.constant 128 : index
    %swap3A_189 = vector.load %arg10[%swap3A_187, %swap3A_188] : memref<512x1024xbf16, #tpu.memory_space<vmem>>, vector<512x128xbf16>
    tpu.vector_store %arg10[%swap3A_187, %swap3A_188], %convert_element_type3A_186 {strides = array<i32>} : memref<512x1024xbf16, #tpu.memory_space<vmem>>, vector<512x128xbf16>,
    %get3A_190 = arith.constant 2 : index
    %get3A_191 = arith.constant 0 : index
    %get3A_192 = vector.load %arg2[%get3A_190, %get3A_191] : memref<8x128xf32, #tpu.memory_space<vmem>>, vector<1x128xf32>
    %mul3A_193 = vector.broadcast %get3A_1 : vector<512x1xf32> to vector<512x128xf32>
    %mul3A_194 = vector.broadcast %get3A_192 : vector<1x128xf32> to vector<512x128xf32>
    %mul3A_195 = arith.mulf %mul3A_193, %mul3A_194 : vector<512x128xf32>
    %get3A_196 = arith.constant 2 : index
    %get3A_197 = arith.constant 0 : index
    %get3A_198 = vector.load %arg3[%get3A_196, %get3A_197] : memref<8x128xf32, #tpu.memory_space<vmem>>, vector<1x128xf32>
    %add3A_199 = vector.broadcast %get3A_198 : vector<1x128xf32> to vector<512x128xf32>
    %add3A_200 = arith.addf %mul3A_195, %add3A_199 : vector<512x128xf32>
    %get3A_201 = arith.constant 2 : index
    %get3A_202 = arith.constant 0 : index
    %get3A_203 = vector.load %arg4[%get3A_201, %get3A_202] : memref<8x128xf32, #tpu.memory_space<vmem>>, vector<1x128xf32>
    %get3A_204 = arith.constant 2 : index
    %get3A_205 = arith.constant 0 : index
    %get3A_206 = vector.load %arg5[%get3A_204, %get3A_205] : memref<8x128xf32, #tpu.memory_space<vmem>>, vector<1x128xf32>
    %reduce_sum3A_207 = arith.constant dense<0.000000e+00> : vector<512xf32>
    %reduce_sum3A_208 = vector.multi_reduction <add>, %add3A_200, %reduce_sum3A_207 [1] : vector<512x128xf32> to vector<512xf32>
    %broadcast_in_dim3A_209 = vector.shape_cast %reduce_sum3A_208 : vector<512xf32> to vector<512x1xf32>
    %div3A_210 = arith.constant 1.280000e+02 : f32
    %div3A_211 = vector.broadcast %div3A_210 : f32 to vector<512x1xf32>
    %div3A_212 = arith.divf %broadcast_in_dim3A_209, %div3A_211 : vector<512x1xf32>
    %sub3A_213 = vector.broadcast %div3A_212 : vector<512x1xf32> to vector<512x128xf32>
    %sub3A_214 = arith.subf %add3A_200, %sub3A_213 : vector<512x128xf32>
    %integer_pow3A_215 = arith.mulf %sub3A_214, %sub3A_214 : vector<512x128xf32>
    %reduce_sum3A_216 = arith.constant dense<0.000000e+00> : vector<512xf32>
    %reduce_sum3A_217 = vector.multi_reduction <add>, %integer_pow3A_215, %reduce_sum3A_216 [1] : vector<512x128xf32> to vector<512xf32>
    %broadcast_in_dim3A_218 = vector.shape_cast %reduce_sum3A_217 : vector<512xf32> to vector<512x1xf32>
    %div3A_219 = arith.constant 1.280000e+02 : f32
    %div3A_220 = vector.broadcast %div3A_219 : f32 to vector<512x1xf32>
    %div3A_221 = arith.divf %broadcast_in_dim3A_218, %div3A_220 : vector<512x1xf32>
    %sub3A_222 = vector.broadcast %div3A_212 : vector<512x1xf32> to vector<512x128xf32>
    %sub3A_223 = arith.subf %add3A_200, %sub3A_222 : vector<512x128xf32>
    %add3A_224 = arith.constant 9.99999974E-6 : f32
    %add3A_225 = vector.broadcast %add3A_224 : f32 to vector<512x1xf32>
    %add3A_226 = arith.addf %div3A_221, %add3A_225 : vector<512x1xf32>
    %sqrt3A_227 = math.sqrt %add3A_226 : vector<512x1xf32>
    %div3A_228 = vector.broadcast %sqrt3A_227 : vector<512x1xf32> to vector<512x128xf32>
    %div3A_229 = arith.divf %sub3A_223, %div3A_228 : vector<512x128xf32>
    %mul3A_230 = vector.broadcast %get3A_203 : vector<1x128xf32> to vector<512x128xf32>
    %mul3A_231 = arith.mulf %div3A_229, %mul3A_230 : vector<512x128xf32>
    %add3A_232 = vector.broadcast %get3A_206 : vector<1x128xf32> to vector<512x128xf32>
    %add3A_233 = arith.addf %mul3A_231, %add3A_232 : vector<512x128xf32>
    %max3A_234 = arith.constant 0.000000e+00 : f32
    %max3A_235 = vector.broadcast %max3A_234 : f32 to vector<512x128xf32>
    %max3A_236 = arith.maximumf %add3A_233, %max3A_235 : vector<512x128xf32>
    %convert_element_type3A_237 = arith.truncf %max3A_236 : vector<512x128xf32> to vector<512x128xbf16>
    %get3A_238 = arith.constant 2 : index
    %get3A_239 = arith.constant 0 : index
    %get3A_240 = arith.constant 0 : index
    %get3A_241 = vector.load %arg6[%get3A_238, %get3A_239, %get3A_240] : memref<8x128x128xbf16, #tpu.memory_space<vmem>>, vector<1x128x128xbf16>
    %get3A_242 = vector.shape_cast %get3A_241 : vector<1x128x128xbf16> to vector<128x128xbf16>
    %dot_general3A_243 = arith.constant dense<0.000000e+00> : vector<512x128xf32>
    %dot_general3A_244 = tpu.matmul %convert_element_type3A_237, %get3A_242, %dot_general3A_243 {dimension_numbers = #tpu.dot_dimension_numbers<[1], [0], [0], [1], [0, 0, 1, 1], [], []>, transpose_lhs_hint = false} : vector<512x128xbf16>, vector<128x128xbf16>, vector<512x128xf32> -> vector<512x128xf32>
    %get3A_245 = arith.constant 2 : index
    %get3A_246 = arith.constant 0 : index
    %get3A_247 = vector.load %arg7[%get3A_245, %get3A_246] : memref<8x128xf32, #tpu.memory_space<vmem>>, vector<1x128xf32>
    %add3A_248 = vector.broadcast %get3A_247 : vector<1x128xf32> to vector<512x128xf32>
    %add3A_249 = arith.addf %dot_general3A_244, %add3A_248 : vector<512x128xf32>
    %get3A_250 = arith.constant 2 : index
    %get3A_251 = arith.constant 0 : index
    %get3A_252 = vector.load %arg8[%get3A_250, %get3A_251] : memref<8x128xf32, #tpu.memory_space<vmem>>, vector<1x128xf32>
    %get3A_253 = arith.constant 2 : index
    %get3A_254 = arith.constant 0 : index
    %get3A_255 = vector.load %arg9[%get3A_253, %get3A_254] : memref<8x128xf32, #tpu.memory_space<vmem>>, vector<1x128xf32>
    %reduce_sum3A_256 = arith.constant dense<0.000000e+00> : vector<512xf32>
    %reduce_sum3A_257 = vector.multi_reduction <add>, %add3A_249, %reduce_sum3A_256 [1] : vector<512x128xf32> to vector<512xf32>
    %broadcast_in_dim3A_258 = vector.shape_cast %reduce_sum3A_257 : vector<512xf32> to vector<512x1xf32>
    %div3A_259 = arith.constant 1.280000e+02 : f32
    %div3A_260 = vector.broadcast %div3A_259 : f32 to vector<512x1xf32>
    %div3A_261 = arith.divf %broadcast_in_dim3A_258, %div3A_260 : vector<512x1xf32>
    %sub3A_262 = vector.broadcast %div3A_261 : vector<512x1xf32> to vector<512x128xf32>
    %sub3A_263 = arith.subf %add3A_249, %sub3A_262 : vector<512x128xf32>
    %integer_pow3A_264 = arith.mulf %sub3A_263, %sub3A_263 : vector<512x128xf32>
    %reduce_sum3A_265 = arith.constant dense<0.000000e+00> : vector<512xf32>
    %reduce_sum3A_266 = vector.multi_reduction <add>, %integer_pow3A_264, %reduce_sum3A_265 [1] : vector<512x128xf32> to vector<512xf32>
    %broadcast_in_dim3A_267 = vector.shape_cast %reduce_sum3A_266 : vector<512xf32> to vector<512x1xf32>
    %div3A_268 = arith.constant 1.280000e+02 : f32
    %div3A_269 = vector.broadcast %div3A_268 : f32 to vector<512x1xf32>
    %div3A_270 = arith.divf %broadcast_in_dim3A_267, %div3A_269 : vector<512x1xf32>
    %sub3A_271 = vector.broadcast %div3A_261 : vector<512x1xf32> to vector<512x128xf32>
    %sub3A_272 = arith.subf %add3A_249, %sub3A_271 : vector<512x128xf32>
    %add3A_273 = arith.constant 9.99999974E-6 : f32
    %add3A_274 = vector.broadcast %add3A_273 : f32 to vector<512x1xf32>
    %add3A_275 = arith.addf %div3A_270, %add3A_274 : vector<512x1xf32>
    %sqrt3A_276 = math.sqrt %add3A_275 : vector<512x1xf32>
    %div3A_277 = vector.broadcast %sqrt3A_276 : vector<512x1xf32> to vector<512x128xf32>
    %div3A_278 = arith.divf %sub3A_272, %div3A_277 : vector<512x128xf32>
    %mul3A_279 = vector.broadcast %get3A_252 : vector<1x128xf32> to vector<512x128xf32>
    %mul3A_280 = arith.mulf %div3A_278, %mul3A_279 : vector<512x128xf32>
    %add3A_281 = vector.broadcast %get3A_255 : vector<1x128xf32> to vector<512x128xf32>
    %add3A_282 = arith.addf %mul3A_280, %add3A_281 : vector<512x128xf32>
    %max3A_283 = arith.constant 0.000000e+00 : f32
    %max3A_284 = vector.broadcast %max3A_283 : f32 to vector<512x128xf32>
    %max3A_285 = arith.maximumf %add3A_282, %max3A_284 : vector<512x128xf32>
    %convert_element_type3A_286 = arith.truncf %max3A_285 : vector<512x128xf32> to vector<512x128xbf16>
    %swap3A_287 = arith.constant 0 : index
    %swap3A_288 = arith.constant 256 : index
    %swap3A_289 = vector.load %arg10[%swap3A_287, %swap3A_288] : memref<512x1024xbf16, #tpu.memory_space<vmem>>, vector<512x128xbf16>
    tpu.vector_store %arg10[%swap3A_287, %swap3A_288], %convert_element_type3A_286 {strides = array<i32>} : memref<512x1024xbf16, #tpu.memory_space<vmem>>, vector<512x128xbf16>,
    %get3A_290 = arith.constant 3 : index
    %get3A_291 = arith.constant 0 : index
    %get3A_292 = vector.load %arg2[%get3A_290, %get3A_291] : memref<8x128xf32, #tpu.memory_space<vmem>>, vector<1x128xf32>
    %mul3A_293 = vector.broadcast %get3A_1 : vector<512x1xf32> to vector<512x128xf32>
    %mul3A_294 = vector.broadcast %get3A_292 : vector<1x128xf32> to vector<512x128xf32>
    %mul3A_295 = arith.mulf %mul3A_293, %mul3A_294 : vector<512x128xf32>
    %get3A_296 = arith.constant 3 : index
    %get3A_297 = arith.constant 0 : index
    %get3A_298 = vector.load %arg3[%get3A_296, %get3A_297] : memref<8x128xf32, #tpu.memory_space<vmem>>, vector<1x128xf32>
    %add3A_299 = vector.broadcast %get3A_298 : vector<1x128xf32> to vector<512x128xf32>
    %add3A_300 = arith.addf %mul3A_295, %add3A_299 : vector<512x128xf32>
    %get3A_301 = arith.constant 3 : index
    %get3A_302 = arith.constant 0 : index
    %get3A_303 = vector.load %arg4[%get3A_301, %get3A_302] : memref<8x128xf32, #tpu.memory_space<vmem>>, vector<1x128xf32>
    %get3A_304 = arith.constant 3 : index
    %get3A_305 = arith.constant 0 : index
    %get3A_306 = vector.load %arg5[%get3A_304, %get3A_305] : memref<8x128xf32, #tpu.memory_space<vmem>>, vector<1x128xf32>
    %reduce_sum3A_307 = arith.constant dense<0.000000e+00> : vector<512xf32>
    %reduce_sum3A_308 = vector.multi_reduction <add>, %add3A_300, %reduce_sum3A_307 [1] : vector<512x128xf32> to vector<512xf32>
    %broadcast_in_dim3A_309 = vector.shape_cast %reduce_sum3A_308 : vector<512xf32> to vector<512x1xf32>
    %div3A_310 = arith.constant 1.280000e+02 : f32
    %div3A_311 = vector.broadcast %div3A_310 : f32 to vector<512x1xf32>
    %div3A_312 = arith.divf %broadcast_in_dim3A_309, %div3A_311 : vector<512x1xf32>
    %sub3A_313 = vector.broadcast %div3A_312 : vector<512x1xf32> to vector<512x128xf32>
    %sub3A_314 = arith.subf %add3A_300, %sub3A_313 : vector<512x128xf32>
    %integer_pow3A_315 = arith.mulf %sub3A_314, %sub3A_314 : vector<512x128xf32>
    %reduce_sum3A_316 = arith.constant dense<0.000000e+00> : vector<512xf32>
    %reduce_sum3A_317 = vector.multi_reduction <add>, %integer_pow3A_315, %reduce_sum3A_316 [1] : vector<512x128xf32> to vector<512xf32>
    %broadcast_in_dim3A_318 = vector.shape_cast %reduce_sum3A_317 : vector<512xf32> to vector<512x1xf32>
    %div3A_319 = arith.constant 1.280000e+02 : f32
    %div3A_320 = vector.broadcast %div3A_319 : f32 to vector<512x1xf32>
    %div3A_321 = arith.divf %broadcast_in_dim3A_318, %div3A_320 : vector<512x1xf32>
    %sub3A_322 = vector.broadcast %div3A_312 : vector<512x1xf32> to vector<512x128xf32>
    %sub3A_323 = arith.subf %add3A_300, %sub3A_322 : vector<512x128xf32>
    %add3A_324 = arith.constant 9.99999974E-6 : f32
    %add3A_325 = vector.broadcast %add3A_324 : f32 to vector<512x1xf32>
    %add3A_326 = arith.addf %div3A_321, %add3A_325 : vector<512x1xf32>
    %sqrt3A_327 = math.sqrt %add3A_326 : vector<512x1xf32>
    %div3A_328 = vector.broadcast %sqrt3A_327 : vector<512x1xf32> to vector<512x128xf32>
    %div3A_329 = arith.divf %sub3A_323, %div3A_328 : vector<512x128xf32>
    %mul3A_330 = vector.broadcast %get3A_303 : vector<1x128xf32> to vector<512x128xf32>
    %mul3A_331 = arith.mulf %div3A_329, %mul3A_330 : vector<512x128xf32>
    %add3A_332 = vector.broadcast %get3A_306 : vector<1x128xf32> to vector<512x128xf32>
    %add3A_333 = arith.addf %mul3A_331, %add3A_332 : vector<512x128xf32>
    %max3A_334 = arith.constant 0.000000e+00 : f32
    %max3A_335 = vector.broadcast %max3A_334 : f32 to vector<512x128xf32>
    %max3A_336 = arith.maximumf %add3A_333, %max3A_335 : vector<512x128xf32>
    %convert_element_type3A_337 = arith.truncf %max3A_336 : vector<512x128xf32> to vector<512x128xbf16>
    %get3A_338 = arith.constant 3 : index
    %get3A_339 = arith.constant 0 : index
    %get3A_340 = arith.constant 0 : index
    %get3A_341 = vector.load %arg6[%get3A_338, %get3A_339, %get3A_340] : memref<8x128x128xbf16, #tpu.memory_space<vmem>>, vector<1x128x128xbf16>
    %get3A_342 = vector.shape_cast %get3A_341 : vector<1x128x128xbf16> to vector<128x128xbf16>
    %dot_general3A_343 = arith.constant dense<0.000000e+00> : vector<512x128xf32>
    %dot_general3A_344 = tpu.matmul %convert_element_type3A_337, %get3A_342, %dot_general3A_343 {dimension_numbers = #tpu.dot_dimension_numbers<[1], [0], [0], [1], [0, 0, 1, 1], [], []>, transpose_lhs_hint = false} : vector<512x128xbf16>, vector<128x128xbf16>, vector<512x128xf32> -> vector<512x128xf32>
    %get3A_345 = arith.constant 3 : index
    %get3A_346 = arith.constant 0 : index
    %get3A_347 = vector.load %arg7[%get3A_345, %get3A_346] : memref<8x128xf32, #tpu.memory_space<vmem>>, vector<1x128xf32>
    %add3A_348 = vector.broadcast %get3A_347 : vector<1x128xf32> to vector<512x128xf32>
    %add3A_349 = arith.addf %dot_general3A_344, %add3A_348 : vector<512x128xf32>
    %get3A_350 = arith.constant 3 : index
    %get3A_351 = arith.constant 0 : index
    %get3A_352 = vector.load %arg8[%get3A_350, %get3A_351] : memref<8x128xf32, #tpu.memory_space<vmem>>, vector<1x128xf32>
    %get3A_353 = arith.constant 3 : index
    %get3A_354 = arith.constant 0 : index
    %get3A_355 = vector.load %arg9[%get3A_353, %get3A_354] : memref<8x128xf32, #tpu.memory_space<vmem>>, vector<1x128xf32>
    %reduce_sum3A_356 = arith.constant dense<0.000000e+00> : vector<512xf32>
    %reduce_sum3A_357 = vector.multi_reduction <add>, %add3A_349, %reduce_sum3A_356 [1] : vector<512x128xf32> to vector<512xf32>
    %broadcast_in_dim3A_358 = vector.shape_cast %reduce_sum3A_357 : vector<512xf32> to vector<512x1xf32>
    %div3A_359 = arith.constant 1.280000e+02 : f32
    %div3A_360 = vector.broadcast %div3A_359 : f32 to vector<512x1xf32>
    %div3A_361 = arith.divf %broadcast_in_dim3A_358, %div3A_360 : vector<512x1xf32>
    %sub3A_362 = vector.broadcast %div3A_361 : vector<512x1xf32> to vector<512x128xf32>
    %sub3A_363 = arith.subf %add3A_349, %sub3A_362 : vector<512x128xf32>
    %integer_pow3A_364 = arith.mulf %sub3A_363, %sub3A_363 : vector<512x128xf32>
    %reduce_sum3A_365 = arith.constant dense<0.000000e+00> : vector<512xf32>
    %reduce_sum3A_366 = vector.multi_reduction <add>, %integer_pow3A_364, %reduce_sum3A_365 [1] : vector<512x128xf32> to vector<512xf32>
    %broadcast_in_dim3A_367 = vector.shape_cast %reduce_sum3A_366 : vector<512xf32> to vector<512x1xf32>
    %div3A_368 = arith.constant 1.280000e+02 : f32
    %div3A_369 = vector.broadcast %div3A_368 : f32 to vector<512x1xf32>
    %div3A_370 = arith.divf %broadcast_in_dim3A_367, %div3A_369 : vector<512x1xf32>
    %sub3A_371 = vector.broadcast %div3A_361 : vector<512x1xf32> to vector<512x128xf32>
    %sub3A_372 = arith.subf %add3A_349, %sub3A_371 : vector<512x128xf32>
    %add3A_373 = arith.constant 9.99999974E-6 : f32
    %add3A_374 = vector.broadcast %add3A_373 : f32 to vector<512x1xf32>
    %add3A_375 = arith.addf %div3A_370, %add3A_374 : vector<512x1xf32>
    %sqrt3A_376 = math.sqrt %add3A_375 : vector<512x1xf32>
    %div3A_377 = vector.broadcast %sqrt3A_376 : vector<512x1xf32> to vector<512x128xf32>
    %div3A_378 = arith.divf %sub3A_372, %div3A_377 : vector<512x128xf32>
    %mul3A_379 = vector.broadcast %get3A_352 : vector<1x128xf32> to vector<512x128xf32>
    %mul3A_380 = arith.mulf %div3A_378, %mul3A_379 : vector<512x128xf32>
    %add3A_381 = vector.broadcast %get3A_355 : vector<1x128xf32> to vector<512x128xf32>
    %add3A_382 = arith.addf %mul3A_380, %add3A_381 : vector<512x128xf32>
    %max3A_383 = arith.constant 0.000000e+00 : f32
    %max3A_384 = vector.broadcast %max3A_383 : f32 to vector<512x128xf32>
    %max3A_385 = arith.maximumf %add3A_382, %max3A_384 : vector<512x128xf32>
    %convert_element_type3A_386 = arith.truncf %max3A_385 : vector<512x128xf32> to vector<512x128xbf16>
    %swap3A_387 = arith.constant 0 : index
    %swap3A_388 = arith.constant 384 : index
    %swap3A_389 = vector.load %arg10[%swap3A_387, %swap3A_388] : memref<512x1024xbf16, #tpu.memory_space<vmem>>, vector<512x128xbf16>
    tpu.vector_store %arg10[%swap3A_387, %swap3A_388], %convert_element_type3A_386 {strides = array<i32>} : memref<512x1024xbf16, #tpu.memory_space<vmem>>, vector<512x128xbf16>,
    %get3A_390 = arith.constant 4 : index
    %get3A_391 = arith.constant 0 : index
    %get3A_392 = vector.load %arg2[%get3A_390, %get3A_391] : memref<8x128xf32, #tpu.memory_space<vmem>>, vector<1x128xf32>
    %mul3A_393 = vector.broadcast %get3A_1 : vector<512x1xf32> to vector<512x128xf32>
    %mul3A_394 = vector.broadcast %get3A_392 : vector<1x128xf32> to vector<512x128xf32>
    %mul3A_395 = arith.mulf %mul3A_393, %mul3A_394 : vector<512x128xf32>
    %get3A_396 = arith.constant 4 : index
    %get3A_397 = arith.constant 0 : index
    %get3A_398 = vector.load %arg3[%get3A_396, %get3A_397] : memref<8x128xf32, #tpu.memory_space<vmem>>, vector<1x128xf32>
    %add3A_399 = vector.broadcast %get3A_398 : vector<1x128xf32> to vector<512x128xf32>
    %add3A_400 = arith.addf %mul3A_395, %add3A_399 : vector<512x128xf32>
    %get3A_401 = arith.constant 4 : index
    %get3A_402 = arith.constant 0 : index
    %get3A_403 = vector.load %arg4[%get3A_401, %get3A_402] : memref<8x128xf32, #tpu.memory_space<vmem>>, vector<1x128xf32>
    %get3A_404 = arith.constant 4 : index
    %get3A_405 = arith.constant 0 : index
    %get3A_406 = vector.load %arg5[%get3A_404, %get3A_405] : memref<8x128xf32, #tpu.memory_space<vmem>>, vector<1x128xf32>
    %reduce_sum3A_407 = arith.constant dense<0.000000e+00> : vector<512xf32>
    %reduce_sum3A_408 = vector.multi_reduction <add>, %add3A_400, %reduce_sum3A_407 [1] : vector<512x128xf32> to vector<512xf32>
    %broadcast_in_dim3A_409 = vector.shape_cast %reduce_sum3A_408 : vector<512xf32> to vector<512x1xf32>
    %div3A_410 = arith.constant 1.280000e+02 : f32
    %div3A_411 = vector.broadcast %div3A_410 : f32 to vector<512x1xf32>
    %div3A_412 = arith.divf %broadcast_in_dim3A_409, %div3A_411 : vector<512x1xf32>
    %sub3A_413 = vector.broadcast %div3A_412 : vector<512x1xf32> to vector<512x128xf32>
    %sub3A_414 = arith.subf %add3A_400, %sub3A_413 : vector<512x128xf32>
    %integer_pow3A_415 = arith.mulf %sub3A_414, %sub3A_414 : vector<512x128xf32>
    %reduce_sum3A_416 = arith.constant dense<0.000000e+00> : vector<512xf32>
    %reduce_sum3A_417 = vector.multi_reduction <add>, %integer_pow3A_415, %reduce_sum3A_416 [1] : vector<512x128xf32> to vector<512xf32>
    %broadcast_in_dim3A_418 = vector.shape_cast %reduce_sum3A_417 : vector<512xf32> to vector<512x1xf32>
    %div3A_419 = arith.constant 1.280000e+02 : f32
    %div3A_420 = vector.broadcast %div3A_419 : f32 to vector<512x1xf32>
    %div3A_421 = arith.divf %broadcast_in_dim3A_418, %div3A_420 : vector<512x1xf32>
    %sub3A_422 = vector.broadcast %div3A_412 : vector<512x1xf32> to vector<512x128xf32>
    %sub3A_423 = arith.subf %add3A_400, %sub3A_422 : vector<512x128xf32>
    %add3A_424 = arith.constant 9.99999974E-6 : f32
    %add3A_425 = vector.broadcast %add3A_424 : f32 to vector<512x1xf32>
    %add3A_426 = arith.addf %div3A_421, %add3A_425 : vector<512x1xf32>
    %sqrt3A_427 = math.sqrt %add3A_426 : vector<512x1xf32>
    %div3A_428 = vector.broadcast %sqrt3A_427 : vector<512x1xf32> to vector<512x128xf32>
    %div3A_429 = arith.divf %sub3A_423, %div3A_428 : vector<512x128xf32>
    %mul3A_430 = vector.broadcast %get3A_403 : vector<1x128xf32> to vector<512x128xf32>
    %mul3A_431 = arith.mulf %div3A_429, %mul3A_430 : vector<512x128xf32>
    %add3A_432 = vector.broadcast %get3A_406 : vector<1x128xf32> to vector<512x128xf32>
    %add3A_433 = arith.addf %mul3A_431, %add3A_432 : vector<512x128xf32>
    %max3A_434 = arith.constant 0.000000e+00 : f32
    %max3A_435 = vector.broadcast %max3A_434 : f32 to vector<512x128xf32>
    %max3A_436 = arith.maximumf %add3A_433, %max3A_435 : vector<512x128xf32>
    %convert_element_type3A_437 = arith.truncf %max3A_436 : vector<512x128xf32> to vector<512x128xbf16>
    %get3A_438 = arith.constant 4 : index
    %get3A_439 = arith.constant 0 : index
    %get3A_440 = arith.constant 0 : index
    %get3A_441 = vector.load %arg6[%get3A_438, %get3A_439, %get3A_440] : memref<8x128x128xbf16, #tpu.memory_space<vmem>>, vector<1x128x128xbf16>
    %get3A_442 = vector.shape_cast %get3A_441 : vector<1x128x128xbf16> to vector<128x128xbf16>
    %dot_general3A_443 = arith.constant dense<0.000000e+00> : vector<512x128xf32>
    %dot_general3A_444 = tpu.matmul %convert_element_type3A_437, %get3A_442, %dot_general3A_443 {dimension_numbers = #tpu.dot_dimension_numbers<[1], [0], [0], [1], [0, 0, 1, 1], [], []>, transpose_lhs_hint = false} : vector<512x128xbf16>, vector<128x128xbf16>, vector<512x128xf32> -> vector<512x128xf32>
    %get3A_445 = arith.constant 4 : index
    %get3A_446 = arith.constant 0 : index
    %get3A_447 = vector.load %arg7[%get3A_445, %get3A_446] : memref<8x128xf32, #tpu.memory_space<vmem>>, vector<1x128xf32>
    %add3A_448 = vector.broadcast %get3A_447 : vector<1x128xf32> to vector<512x128xf32>
    %add3A_449 = arith.addf %dot_general3A_444, %add3A_448 : vector<512x128xf32>
    %get3A_450 = arith.constant 4 : index
    %get3A_451 = arith.constant 0 : index
    %get3A_452 = vector.load %arg8[%get3A_450, %get3A_451] : memref<8x128xf32, #tpu.memory_space<vmem>>, vector<1x128xf32>
    %get3A_453 = arith.constant 4 : index
    %get3A_454 = arith.constant 0 : index
    %get3A_455 = vector.load %arg9[%get3A_453, %get3A_454] : memref<8x128xf32, #tpu.memory_space<vmem>>, vector<1x128xf32>
    %reduce_sum3A_456 = arith.constant dense<0.000000e+00> : vector<512xf32>
    %reduce_sum3A_457 = vector.multi_reduction <add>, %add3A_449, %reduce_sum3A_456 [1] : vector<512x128xf32> to vector<512xf32>
    %broadcast_in_dim3A_458 = vector.shape_cast %reduce_sum3A_457 : vector<512xf32> to vector<512x1xf32>
    %div3A_459 = arith.constant 1.280000e+02 : f32
    %div3A_460 = vector.broadcast %div3A_459 : f32 to vector<512x1xf32>
    %div3A_461 = arith.divf %broadcast_in_dim3A_458, %div3A_460 : vector<512x1xf32>
    %sub3A_462 = vector.broadcast %div3A_461 : vector<512x1xf32> to vector<512x128xf32>
    %sub3A_463 = arith.subf %add3A_449, %sub3A_462 : vector<512x128xf32>
    %integer_pow3A_464 = arith.mulf %sub3A_463, %sub3A_463 : vector<512x128xf32>
    %reduce_sum3A_465 = arith.constant dense<0.000000e+00> : vector<512xf32>
    %reduce_sum3A_466 = vector.multi_reduction <add>, %integer_pow3A_464, %reduce_sum3A_465 [1] : vector<512x128xf32> to vector<512xf32>
    %broadcast_in_dim3A_467 = vector.shape_cast %reduce_sum3A_466 : vector<512xf32> to vector<512x1xf32>
    %div3A_468 = arith.constant 1.280000e+02 : f32
    %div3A_469 = vector.broadcast %div3A_468 : f32 to vector<512x1xf32>
    %div3A_470 = arith.divf %broadcast_in_dim3A_467, %div3A_469 : vector<512x1xf32>
    %sub3A_471 = vector.broadcast %div3A_461 : vector<512x1xf32> to vector<512x128xf32>
    %sub3A_472 = arith.subf %add3A_449, %sub3A_471 : vector<512x128xf32>
    %add3A_473 = arith.constant 9.99999974E-6 : f32
    %add3A_474 = vector.broadcast %add3A_473 : f32 to vector<512x1xf32>
    %add3A_475 = arith.addf %div3A_470, %add3A_474 : vector<512x1xf32>
    %sqrt3A_476 = math.sqrt %add3A_475 : vector<512x1xf32>
    %div3A_477 = vector.broadcast %sqrt3A_476 : vector<512x1xf32> to vector<512x128xf32>
    %div3A_478 = arith.divf %sub3A_472, %div3A_477 : vector<512x128xf32>
    %mul3A_479 = vector.broadcast %get3A_452 : vector<1x128xf32> to vector<512x128xf32>
    %mul3A_480 = arith.mulf %div3A_478, %mul3A_479 : vector<512x128xf32>
    %add3A_481 = vector.broadcast %get3A_455 : vector<1x128xf32> to vector<512x128xf32>
    %add3A_482 = arith.addf %mul3A_480, %add3A_481 : vector<512x128xf32>
    %max3A_483 = arith.constant 0.000000e+00 : f32
    %max3A_484 = vector.broadcast %max3A_483 : f32 to vector<512x128xf32>
    %max3A_485 = arith.maximumf %add3A_482, %max3A_484 : vector<512x128xf32>
    %convert_element_type3A_486 = arith.truncf %max3A_485 : vector<512x128xf32> to vector<512x128xbf16>
    %swap3A_487 = arith.constant 0 : index
    %swap3A_488 = arith.constant 512 : index
    %swap3A_489 = vector.load %arg10[%swap3A_487, %swap3A_488] : memref<512x1024xbf16, #tpu.memory_space<vmem>>, vector<512x128xbf16>
    tpu.vector_store %arg10[%swap3A_487, %swap3A_488], %convert_element_type3A_486 {strides = array<i32>} : memref<512x1024xbf16, #tpu.memory_space<vmem>>, vector<512x128xbf16>,
    %get3A_490 = arith.constant 5 : index
    %get3A_491 = arith.constant 0 : index
    %get3A_492 = vector.load %arg2[%get3A_490, %get3A_491] : memref<8x128xf32, #tpu.memory_space<vmem>>, vector<1x128xf32>
    %mul3A_493 = vector.broadcast %get3A_1 : vector<512x1xf32> to vector<512x128xf32>
    %mul3A_494 = vector.broadcast %get3A_492 : vector<1x128xf32> to vector<512x128xf32>
    %mul3A_495 = arith.mulf %mul3A_493, %mul3A_494 : vector<512x128xf32>
    %get3A_496 = arith.constant 5 : index
    %get3A_497 = arith.constant 0 : index
    %get3A_498 = vector.load %arg3[%get3A_496, %get3A_497] : memref<8x128xf32, #tpu.memory_space<vmem>>, vector<1x128xf32>
    %add3A_499 = vector.broadcast %get3A_498 : vector<1x128xf32> to vector<512x128xf32>
    %add3A_500 = arith.addf %mul3A_495, %add3A_499 : vector<512x128xf32>
    %get3A_501 = arith.constant 5 : index
    %get3A_502 = arith.constant 0 : index
    %get3A_503 = vector.load %arg4[%get3A_501, %get3A_502] : memref<8x128xf32, #tpu.memory_space<vmem>>, vector<1x128xf32>
    %get3A_504 = arith.constant 5 : index
    %get3A_505 = arith.constant 0 : index
    %get3A_506 = vector.load %arg5[%get3A_504, %get3A_505] : memref<8x128xf32, #tpu.memory_space<vmem>>, vector<1x128xf32>
    %reduce_sum3A_507 = arith.constant dense<0.000000e+00> : vector<512xf32>
    %reduce_sum3A_508 = vector.multi_reduction <add>, %add3A_500, %reduce_sum3A_507 [1] : vector<512x128xf32> to vector<512xf32>
    %broadcast_in_dim3A_509 = vector.shape_cast %reduce_sum3A_508 : vector<512xf32> to vector<512x1xf32>
    %div3A_510 = arith.constant 1.280000e+02 : f32
    %div3A_511 = vector.broadcast %div3A_510 : f32 to vector<512x1xf32>
    %div3A_512 = arith.divf %broadcast_in_dim3A_509, %div3A_511 : vector<512x1xf32>
    %sub3A_513 = vector.broadcast %div3A_512 : vector<512x1xf32> to vector<512x128xf32>
    %sub3A_514 = arith.subf %add3A_500, %sub3A_513 : vector<512x128xf32>
    %integer_pow3A_515 = arith.mulf %sub3A_514, %sub3A_514 : vector<512x128xf32>
    %reduce_sum3A_516 = arith.constant dense<0.000000e+00> : vector<512xf32>
    %reduce_sum3A_517 = vector.multi_reduction <add>, %integer_pow3A_515, %reduce_sum3A_516 [1] : vector<512x128xf32> to vector<512xf32>
    %broadcast_in_dim3A_518 = vector.shape_cast %reduce_sum3A_517 : vector<512xf32> to vector<512x1xf32>
    %div3A_519 = arith.constant 1.280000e+02 : f32
    %div3A_520 = vector.broadcast %div3A_519 : f32 to vector<512x1xf32>
    %div3A_521 = arith.divf %broadcast_in_dim3A_518, %div3A_520 : vector<512x1xf32>
    %sub3A_522 = vector.broadcast %div3A_512 : vector<512x1xf32> to vector<512x128xf32>
    %sub3A_523 = arith.subf %add3A_500, %sub3A_522 : vector<512x128xf32>
    %add3A_524 = arith.constant 9.99999974E-6 : f32
    %add3A_525 = vector.broadcast %add3A_524 : f32 to vector<512x1xf32>
    %add3A_526 = arith.addf %div3A_521, %add3A_525 : vector<512x1xf32>
    %sqrt3A_527 = math.sqrt %add3A_526 : vector<512x1xf32>
    %div3A_528 = vector.broadcast %sqrt3A_527 : vector<512x1xf32> to vector<512x128xf32>
    %div3A_529 = arith.divf %sub3A_523, %div3A_528 : vector<512x128xf32>
    %mul3A_530 = vector.broadcast %get3A_503 : vector<1x128xf32> to vector<512x128xf32>
    %mul3A_531 = arith.mulf %div3A_529, %mul3A_530 : vector<512x128xf32>
    %add3A_532 = vector.broadcast %get3A_506 : vector<1x128xf32> to vector<512x128xf32>
    %add3A_533 = arith.addf %mul3A_531, %add3A_532 : vector<512x128xf32>
    %max3A_534 = arith.constant 0.000000e+00 : f32
    %max3A_535 = vector.broadcast %max3A_534 : f32 to vector<512x128xf32>
    %max3A_536 = arith.maximumf %add3A_533, %max3A_535 : vector<512x128xf32>
    %convert_element_type3A_537 = arith.truncf %max3A_536 : vector<512x128xf32> to vector<512x128xbf16>
    %get3A_538 = arith.constant 5 : index
    %get3A_539 = arith.constant 0 : index
    %get3A_540 = arith.constant 0 : index
    %get3A_541 = vector.load %arg6[%get3A_538, %get3A_539, %get3A_540] : memref<8x128x128xbf16, #tpu.memory_space<vmem>>, vector<1x128x128xbf16>
    %get3A_542 = vector.shape_cast %get3A_541 : vector<1x128x128xbf16> to vector<128x128xbf16>
    %dot_general3A_543 = arith.constant dense<0.000000e+00> : vector<512x128xf32>
    %dot_general3A_544 = tpu.matmul %convert_element_type3A_537, %get3A_542, %dot_general3A_543 {dimension_numbers = #tpu.dot_dimension_numbers<[1], [0], [0], [1], [0, 0, 1, 1], [], []>, transpose_lhs_hint = false} : vector<512x128xbf16>, vector<128x128xbf16>, vector<512x128xf32> -> vector<512x128xf32>
    %get3A_545 = arith.constant 5 : index
    %get3A_546 = arith.constant 0 : index
    %get3A_547 = vector.load %arg7[%get3A_545, %get3A_546] : memref<8x128xf32, #tpu.memory_space<vmem>>, vector<1x128xf32>
    %add3A_548 = vector.broadcast %get3A_547 : vector<1x128xf32> to vector<512x128xf32>
    %add3A_549 = arith.addf %dot_general3A_544, %add3A_548 : vector<512x128xf32>
    %get3A_550 = arith.constant 5 : index
    %get3A_551 = arith.constant 0 : index
    %get3A_552 = vector.load %arg8[%get3A_550, %get3A_551] : memref<8x128xf32, #tpu.memory_space<vmem>>, vector<1x128xf32>
    %get3A_553 = arith.constant 5 : index
    %get3A_554 = arith.constant 0 : index
    %get3A_555 = vector.load %arg9[%get3A_553, %get3A_554] : memref<8x128xf32, #tpu.memory_space<vmem>>, vector<1x128xf32>
    %reduce_sum3A_556 = arith.constant dense<0.000000e+00> : vector<512xf32>
    %reduce_sum3A_557 = vector.multi_reduction <add>, %add3A_549, %reduce_sum3A_556 [1] : vector<512x128xf32> to vector<512xf32>
    %broadcast_in_dim3A_558 = vector.shape_cast %reduce_sum3A_557 : vector<512xf32> to vector<512x1xf32>
    %div3A_559 = arith.constant 1.280000e+02 : f32
    %div3A_560 = vector.broadcast %div3A_559 : f32 to vector<512x1xf32>
    %div3A_561 = arith.divf %broadcast_in_dim3A_558, %div3A_560 : vector<512x1xf32>
    %sub3A_562 = vector.broadcast %div3A_561 : vector<512x1xf32> to vector<512x128xf32>
    %sub3A_563 = arith.subf %add3A_549, %sub3A_562 : vector<512x128xf32>
    %integer_pow3A_564 = arith.mulf %sub3A_563, %sub3A_563 : vector<512x128xf32>
    %reduce_sum3A_565 = arith.constant dense<0.000000e+00> : vector<512xf32>
    %reduce_sum3A_566 = vector.multi_reduction <add>, %integer_pow3A_564, %reduce_sum3A_565 [1] : vector<512x128xf32> to vector<512xf32>
    %broadcast_in_dim3A_567 = vector.shape_cast %reduce_sum3A_566 : vector<512xf32> to vector<512x1xf32>
    %div3A_568 = arith.constant 1.280000e+02 : f32
    %div3A_569 = vector.broadcast %div3A_568 : f32 to vector<512x1xf32>
    %div3A_570 = arith.divf %broadcast_in_dim3A_567, %div3A_569 : vector<512x1xf32>
    %sub3A_571 = vector.broadcast %div3A_561 : vector<512x1xf32> to vector<512x128xf32>
    %sub3A_572 = arith.subf %add3A_549, %sub3A_571 : vector<512x128xf32>
    %add3A_573 = arith.constant 9.99999974E-6 : f32
    %add3A_574 = vector.broadcast %add3A_573 : f32 to vector<512x1xf32>
    %add3A_575 = arith.addf %div3A_570, %add3A_574 : vector<512x1xf32>
    %sqrt3A_576 = math.sqrt %add3A_575 : vector<512x1xf32>
    %div3A_577 = vector.broadcast %sqrt3A_576 : vector<512x1xf32> to vector<512x128xf32>
    %div3A_578 = arith.divf %sub3A_572, %div3A_577 : vector<512x128xf32>
    %mul3A_579 = vector.broadcast %get3A_552 : vector<1x128xf32> to vector<512x128xf32>
    %mul3A_580 = arith.mulf %div3A_578, %mul3A_579 : vector<512x128xf32>
    %add3A_581 = vector.broadcast %get3A_555 : vector<1x128xf32> to vector<512x128xf32>
    %add3A_582 = arith.addf %mul3A_580, %add3A_581 : vector<512x128xf32>
    %max3A_583 = arith.constant 0.000000e+00 : f32
    %max3A_584 = vector.broadcast %max3A_583 : f32 to vector<512x128xf32>
    %max3A_585 = arith.maximumf %add3A_582, %max3A_584 : vector<512x128xf32>
    %convert_element_type3A_586 = arith.truncf %max3A_585 : vector<512x128xf32> to vector<512x128xbf16>
    %swap3A_587 = arith.constant 0 : index
    %swap3A_588 = arith.constant 640 : index
    %swap3A_589 = vector.load %arg10[%swap3A_587, %swap3A_588] : memref<512x1024xbf16, #tpu.memory_space<vmem>>, vector<512x128xbf16>
    tpu.vector_store %arg10[%swap3A_587, %swap3A_588], %convert_element_type3A_586 {strides = array<i32>} : memref<512x1024xbf16, #tpu.memory_space<vmem>>, vector<512x128xbf16>,
    %get3A_590 = arith.constant 6 : index
    %get3A_591 = arith.constant 0 : index
    %get3A_592 = vector.load %arg2[%get3A_590, %get3A_591] : memref<8x128xf32, #tpu.memory_space<vmem>>, vector<1x128xf32>
    %mul3A_593 = vector.broadcast %get3A_1 : vector<512x1xf32> to vector<512x128xf32>
    %mul3A_594 = vector.broadcast %get3A_592 : vector<1x128xf32> to vector<512x128xf32>
    %mul3A_595 = arith.mulf %mul3A_593, %mul3A_594 : vector<512x128xf32>
    %get3A_596 = arith.constant 6 : index
    %get3A_597 = arith.constant 0 : index
    %get3A_598 = vector.load %arg3[%get3A_596, %get3A_597] : memref<8x128xf32, #tpu.memory_space<vmem>>, vector<1x128xf32>
    %add3A_599 = vector.broadcast %get3A_598 : vector<1x128xf32> to vector<512x128xf32>
    %add3A_600 = arith.addf %mul3A_595, %add3A_599 : vector<512x128xf32>
    %get3A_601 = arith.constant 6 : index
    %get3A_602 = arith.constant 0 : index
    %get3A_603 = vector.load %arg4[%get3A_601, %get3A_602] : memref<8x128xf32, #tpu.memory_space<vmem>>, vector<1x128xf32>
    %get3A_604 = arith.constant 6 : index
    %get3A_605 = arith.constant 0 : index
    %get3A_606 = vector.load %arg5[%get3A_604, %get3A_605] : memref<8x128xf32, #tpu.memory_space<vmem>>, vector<1x128xf32>
    %reduce_sum3A_607 = arith.constant dense<0.000000e+00> : vector<512xf32>
    %reduce_sum3A_608 = vector.multi_reduction <add>, %add3A_600, %reduce_sum3A_607 [1] : vector<512x128xf32> to vector<512xf32>
    %broadcast_in_dim3A_609 = vector.shape_cast %reduce_sum3A_608 : vector<512xf32> to vector<512x1xf32>
    %div3A_610 = arith.constant 1.280000e+02 : f32
    %div3A_611 = vector.broadcast %div3A_610 : f32 to vector<512x1xf32>
    %div3A_612 = arith.divf %broadcast_in_dim3A_609, %div3A_611 : vector<512x1xf32>
    %sub3A_613 = vector.broadcast %div3A_612 : vector<512x1xf32> to vector<512x128xf32>
    %sub3A_614 = arith.subf %add3A_600, %sub3A_613 : vector<512x128xf32>
    %integer_pow3A_615 = arith.mulf %sub3A_614, %sub3A_614 : vector<512x128xf32>
    %reduce_sum3A_616 = arith.constant dense<0.000000e+00> : vector<512xf32>
    %reduce_sum3A_617 = vector.multi_reduction <add>, %integer_pow3A_615, %reduce_sum3A_616 [1] : vector<512x128xf32> to vector<512xf32>
    %broadcast_in_dim3A_618 = vector.shape_cast %reduce_sum3A_617 : vector<512xf32> to vector<512x1xf32>
    %div3A_619 = arith.constant 1.280000e+02 : f32
    %div3A_620 = vector.broadcast %div3A_619 : f32 to vector<512x1xf32>
    %div3A_621 = arith.divf %broadcast_in_dim3A_618, %div3A_620 : vector<512x1xf32>
    %sub3A_622 = vector.broadcast %div3A_612 : vector<512x1xf32> to vector<512x128xf32>
    %sub3A_623 = arith.subf %add3A_600, %sub3A_622 : vector<512x128xf32>
    %add3A_624 = arith.constant 9.99999974E-6 : f32
    %add3A_625 = vector.broadcast %add3A_624 : f32 to vector<512x1xf32>
    %add3A_626 = arith.addf %div3A_621, %add3A_625 : vector<512x1xf32>
    %sqrt3A_627 = math.sqrt %add3A_626 : vector<512x1xf32>
    %div3A_628 = vector.broadcast %sqrt3A_627 : vector<512x1xf32> to vector<512x128xf32>
    %div3A_629 = arith.divf %sub3A_623, %div3A_628 : vector<512x128xf32>
    %mul3A_630 = vector.broadcast %get3A_603 : vector<1x128xf32> to vector<512x128xf32>
    %mul3A_631 = arith.mulf %div3A_629, %mul3A_630 : vector<512x128xf32>
    %add3A_632 = vector.broadcast %get3A_606 : vector<1x128xf32> to vector<512x128xf32>
    %add3A_633 = arith.addf %mul3A_631, %add3A_632 : vector<512x128xf32>
    %max3A_634 = arith.constant 0.000000e+00 : f32
    %max3A_635 = vector.broadcast %max3A_634 : f32 to vector<512x128xf32>
    %max3A_636 = arith.maximumf %add3A_633, %max3A_635 : vector<512x128xf32>
    %convert_element_type3A_637 = arith.truncf %max3A_636 : vector<512x128xf32> to vector<512x128xbf16>
    %get3A_638 = arith.constant 6 : index
    %get3A_639 = arith.constant 0 : index
    %get3A_640 = arith.constant 0 : index
    %get3A_641 = vector.load %arg6[%get3A_638, %get3A_639, %get3A_640] : memref<8x128x128xbf16, #tpu.memory_space<vmem>>, vector<1x128x128xbf16>
    %get3A_642 = vector.shape_cast %get3A_641 : vector<1x128x128xbf16> to vector<128x128xbf16>
    %dot_general3A_643 = arith.constant dense<0.000000e+00> : vector<512x128xf32>
    %dot_general3A_644 = tpu.matmul %convert_element_type3A_637, %get3A_642, %dot_general3A_643 {dimension_numbers = #tpu.dot_dimension_numbers<[1], [0], [0], [1], [0, 0, 1, 1], [], []>, transpose_lhs_hint = false} : vector<512x128xbf16>, vector<128x128xbf16>, vector<512x128xf32> -> vector<512x128xf32>
    %get3A_645 = arith.constant 6 : index
    %get3A_646 = arith.constant 0 : index
    %get3A_647 = vector.load %arg7[%get3A_645, %get3A_646] : memref<8x128xf32, #tpu.memory_space<vmem>>, vector<1x128xf32>
    %add3A_648 = vector.broadcast %get3A_647 : vector<1x128xf32> to vector<512x128xf32>
    %add3A_649 = arith.addf %dot_general3A_644, %add3A_648 : vector<512x128xf32>
    %get3A_650 = arith.constant 6 : index
    %get3A_651 = arith.constant 0 : index
    %get3A_652 = vector.load %arg8[%get3A_650, %get3A_651] : memref<8x128xf32, #tpu.memory_space<vmem>>, vector<1x128xf32>
    %get3A_653 = arith.constant 6 : index
    %get3A_654 = arith.constant 0 : index
    %get3A_655 = vector.load %arg9[%get3A_653, %get3A_654] : memref<8x128xf32, #tpu.memory_space<vmem>>, vector<1x128xf32>
    %reduce_sum3A_656 = arith.constant dense<0.000000e+00> : vector<512xf32>
    %reduce_sum3A_657 = vector.multi_reduction <add>, %add3A_649, %reduce_sum3A_656 [1] : vector<512x128xf32> to vector<512xf32>
    %broadcast_in_dim3A_658 = vector.shape_cast %reduce_sum3A_657 : vector<512xf32> to vector<512x1xf32>
    %div3A_659 = arith.constant 1.280000e+02 : f32
    %div3A_660 = vector.broadcast %div3A_659 : f32 to vector<512x1xf32>
    %div3A_661 = arith.divf %broadcast_in_dim3A_658, %div3A_660 : vector<512x1xf32>
    %sub3A_662 = vector.broadcast %div3A_661 : vector<512x1xf32> to vector<512x128xf32>
    %sub3A_663 = arith.subf %add3A_649, %sub3A_662 : vector<512x128xf32>
    %integer_pow3A_664 = arith.mulf %sub3A_663, %sub3A_663 : vector<512x128xf32>
    %reduce_sum3A_665 = arith.constant dense<0.000000e+00> : vector<512xf32>
    %reduce_sum3A_666 = vector.multi_reduction <add>, %integer_pow3A_664, %reduce_sum3A_665 [1] : vector<512x128xf32> to vector<512xf32>
    %broadcast_in_dim3A_667 = vector.shape_cast %reduce_sum3A_666 : vector<512xf32> to vector<512x1xf32>
    %div3A_668 = arith.constant 1.280000e+02 : f32
    %div3A_669 = vector.broadcast %div3A_668 : f32 to vector<512x1xf32>
    %div3A_670 = arith.divf %broadcast_in_dim3A_667, %div3A_669 : vector<512x1xf32>
    %sub3A_671 = vector.broadcast %div3A_661 : vector<512x1xf32> to vector<512x128xf32>
    %sub3A_672 = arith.subf %add3A_649, %sub3A_671 : vector<512x128xf32>
    %add3A_673 = arith.constant 9.99999974E-6 : f32
    %add3A_674 = vector.broadcast %add3A_673 : f32 to vector<512x1xf32>
    %add3A_675 = arith.addf %div3A_670, %add3A_674 : vector<512x1xf32>
    %sqrt3A_676 = math.sqrt %add3A_675 : vector<512x1xf32>
    %div3A_677 = vector.broadcast %sqrt3A_676 : vector<512x1xf32> to vector<512x128xf32>
    %div3A_678 = arith.divf %sub3A_672, %div3A_677 : vector<512x128xf32>
    %mul3A_679 = vector.broadcast %get3A_652 : vector<1x128xf32> to vector<512x128xf32>
    %mul3A_680 = arith.mulf %div3A_678, %mul3A_679 : vector<512x128xf32>
    %add3A_681 = vector.broadcast %get3A_655 : vector<1x128xf32> to vector<512x128xf32>
    %add3A_682 = arith.addf %mul3A_680, %add3A_681 : vector<512x128xf32>
    %max3A_683 = arith.constant 0.000000e+00 : f32
    %max3A_684 = vector.broadcast %max3A_683 : f32 to vector<512x128xf32>
    %max3A_685 = arith.maximumf %add3A_682, %max3A_684 : vector<512x128xf32>
    %convert_element_type3A_686 = arith.truncf %max3A_685 : vector<512x128xf32> to vector<512x128xbf16>
    %swap3A_687 = arith.constant 0 : index
    %swap3A_688 = arith.constant 768 : index
    %swap3A_689 = vector.load %arg10[%swap3A_687, %swap3A_688] : memref<512x1024xbf16, #tpu.memory_space<vmem>>, vector<512x128xbf16>
    tpu.vector_store %arg10[%swap3A_687, %swap3A_688], %convert_element_type3A_686 {strides = array<i32>} : memref<512x1024xbf16, #tpu.memory_space<vmem>>, vector<512x128xbf16>,
    %get3A_690 = arith.constant 7 : index
    %get3A_691 = arith.constant 0 : index
    %get3A_692 = vector.load %arg2[%get3A_690, %get3A_691] : memref<8x128xf32, #tpu.memory_space<vmem>>, vector<1x128xf32>
    %mul3A_693 = vector.broadcast %get3A_1 : vector<512x1xf32> to vector<512x128xf32>
    %mul3A_694 = vector.broadcast %get3A_692 : vector<1x128xf32> to vector<512x128xf32>
    %mul3A_695 = arith.mulf %mul3A_693, %mul3A_694 : vector<512x128xf32>
    %get3A_696 = arith.constant 7 : index
    %get3A_697 = arith.constant 0 : index
    %get3A_698 = vector.load %arg3[%get3A_696, %get3A_697] : memref<8x128xf32, #tpu.memory_space<vmem>>, vector<1x128xf32>
    %add3A_699 = vector.broadcast %get3A_698 : vector<1x128xf32> to vector<512x128xf32>
    %add3A_700 = arith.addf %mul3A_695, %add3A_699 : vector<512x128xf32>
    %get3A_701 = arith.constant 7 : index
    %get3A_702 = arith.constant 0 : index
    %get3A_703 = vector.load %arg4[%get3A_701, %get3A_702] : memref<8x128xf32, #tpu.memory_space<vmem>>, vector<1x128xf32>
    %get3A_704 = arith.constant 7 : index
    %get3A_705 = arith.constant 0 : index
    %get3A_706 = vector.load %arg5[%get3A_704, %get3A_705] : memref<8x128xf32, #tpu.memory_space<vmem>>, vector<1x128xf32>
    %reduce_sum3A_707 = arith.constant dense<0.000000e+00> : vector<512xf32>
    %reduce_sum3A_708 = vector.multi_reduction <add>, %add3A_700, %reduce_sum3A_707 [1] : vector<512x128xf32> to vector<512xf32>
    %broadcast_in_dim3A_709 = vector.shape_cast %reduce_sum3A_708 : vector<512xf32> to vector<512x1xf32>
    %div3A_710 = arith.constant 1.280000e+02 : f32
    %div3A_711 = vector.broadcast %div3A_710 : f32 to vector<512x1xf32>
    %div3A_712 = arith.divf %broadcast_in_dim3A_709, %div3A_711 : vector<512x1xf32>
    %sub3A_713 = vector.broadcast %div3A_712 : vector<512x1xf32> to vector<512x128xf32>
    %sub3A_714 = arith.subf %add3A_700, %sub3A_713 : vector<512x128xf32>
    %integer_pow3A_715 = arith.mulf %sub3A_714, %sub3A_714 : vector<512x128xf32>
    %reduce_sum3A_716 = arith.constant dense<0.000000e+00> : vector<512xf32>
    %reduce_sum3A_717 = vector.multi_reduction <add>, %integer_pow3A_715, %reduce_sum3A_716 [1] : vector<512x128xf32> to vector<512xf32>
    %broadcast_in_dim3A_718 = vector.shape_cast %reduce_sum3A_717 : vector<512xf32> to vector<512x1xf32>
    %div3A_719 = arith.constant 1.280000e+02 : f32
    %div3A_720 = vector.broadcast %div3A_719 : f32 to vector<512x1xf32>
    %div3A_721 = arith.divf %broadcast_in_dim3A_718, %div3A_720 : vector<512x1xf32>
    %sub3A_722 = vector.broadcast %div3A_712 : vector<512x1xf32> to vector<512x128xf32>
    %sub3A_723 = arith.subf %add3A_700, %sub3A_722 : vector<512x128xf32>
    %add3A_724 = arith.constant 9.99999974E-6 : f32
    %add3A_725 = vector.broadcast %add3A_724 : f32 to vector<512x1xf32>
    %add3A_726 = arith.addf %div3A_721, %add3A_725 : vector<512x1xf32>
    %sqrt3A_727 = math.sqrt %add3A_726 : vector<512x1xf32>
    %div3A_728 = vector.broadcast %sqrt3A_727 : vector<512x1xf32> to vector<512x128xf32>
    %div3A_729 = arith.divf %sub3A_723, %div3A_728 : vector<512x128xf32>
    %mul3A_730 = vector.broadcast %get3A_703 : vector<1x128xf32> to vector<512x128xf32>
    %mul3A_731 = arith.mulf %div3A_729, %mul3A_730 : vector<512x128xf32>
    %add3A_732 = vector.broadcast %get3A_706 : vector<1x128xf32> to vector<512x128xf32>
    %add3A_733 = arith.addf %mul3A_731, %add3A_732 : vector<512x128xf32>
    %max3A_734 = arith.constant 0.000000e+00 : f32
    %max3A_735 = vector.broadcast %max3A_734 : f32 to vector<512x128xf32>
    %max3A_736 = arith.maximumf %add3A_733, %max3A_735 : vector<512x128xf32>
    %convert_element_type3A_737 = arith.truncf %max3A_736 : vector<512x128xf32> to vector<512x128xbf16>
    %get3A_738 = arith.constant 7 : index
    %get3A_739 = arith.constant 0 : index
    %get3A_740 = arith.constant 0 : index
    %get3A_741 = vector.load %arg6[%get3A_738, %get3A_739, %get3A_740] : memref<8x128x128xbf16, #tpu.memory_space<vmem>>, vector<1x128x128xbf16>
    %get3A_742 = vector.shape_cast %get3A_741 : vector<1x128x128xbf16> to vector<128x128xbf16>
    %dot_general3A_743 = arith.constant dense<0.000000e+00> : vector<512x128xf32>
    %dot_general3A_744 = tpu.matmul %convert_element_type3A_737, %get3A_742, %dot_general3A_743 {dimension_numbers = #tpu.dot_dimension_numbers<[1], [0], [0], [1], [0, 0, 1, 1], [], []>, transpose_lhs_hint = false} : vector<512x128xbf16>, vector<128x128xbf16>, vector<512x128xf32> -> vector<512x128xf32>
    %get3A_745 = arith.constant 7 : index
    %get3A_746 = arith.constant 0 : index
    %get3A_747 = vector.load %arg7[%get3A_745, %get3A_746] : memref<8x128xf32, #tpu.memory_space<vmem>>, vector<1x128xf32>
    %add3A_748 = vector.broadcast %get3A_747 : vector<1x128xf32> to vector<512x128xf32>
    %add3A_749 = arith.addf %dot_general3A_744, %add3A_748 : vector<512x128xf32>
    %get3A_750 = arith.constant 7 : index
    %get3A_751 = arith.constant 0 : index
    %get3A_752 = vector.load %arg8[%get3A_750, %get3A_751] : memref<8x128xf32, #tpu.memory_space<vmem>>, vector<1x128xf32>
    %get3A_753 = arith.constant 7 : index
    %get3A_754 = arith.constant 0 : index
    %get3A_755 = vector.load %arg9[%get3A_753, %get3A_754] : memref<8x128xf32, #tpu.memory_space<vmem>>, vector<1x128xf32>
    %reduce_sum3A_756 = arith.constant dense<0.000000e+00> : vector<512xf32>
    %reduce_sum3A_757 = vector.multi_reduction <add>, %add3A_749, %reduce_sum3A_756 [1] : vector<512x128xf32> to vector<512xf32>
    %broadcast_in_dim3A_758 = vector.shape_cast %reduce_sum3A_757 : vector<512xf32> to vector<512x1xf32>
    %div3A_759 = arith.constant 1.280000e+02 : f32
    %div3A_760 = vector.broadcast %div3A_759 : f32 to vector<512x1xf32>
    %div3A_761 = arith.divf %broadcast_in_dim3A_758, %div3A_760 : vector<512x1xf32>
    %sub3A_762 = vector.broadcast %div3A_761 : vector<512x1xf32> to vector<512x128xf32>
    %sub3A_763 = arith.subf %add3A_749, %sub3A_762 : vector<512x128xf32>
    %integer_pow3A_764 = arith.mulf %sub3A_763, %sub3A_763 : vector<512x128xf32>
    %reduce_sum3A_765 = arith.constant dense<0.000000e+00> : vector<512xf32>
    %reduce_sum3A_766 = vector.multi_reduction <add>, %integer_pow3A_764, %reduce_sum3A_765 [1] : vector<512x128xf32> to vector<512xf32>
    %broadcast_in_dim3A_767 = vector.shape_cast %reduce_sum3A_766 : vector<512xf32> to vector<512x1xf32>
    %div3A_768 = arith.constant 1.280000e+02 : f32
    %div3A_769 = vector.broadcast %div3A_768 : f32 to vector<512x1xf32>
    %div3A_770 = arith.divf %broadcast_in_dim3A_767, %div3A_769 : vector<512x1xf32>
    %sub3A_771 = vector.broadcast %div3A_761 : vector<512x1xf32> to vector<512x128xf32>
    %sub3A_772 = arith.subf %add3A_749, %sub3A_771 : vector<512x128xf32>
    %add3A_773 = arith.constant 9.99999974E-6 : f32
    %add3A_774 = vector.broadcast %add3A_773 : f32 to vector<512x1xf32>
    %add3A_775 = arith.addf %div3A_770, %add3A_774 : vector<512x1xf32>
    %sqrt3A_776 = math.sqrt %add3A_775 : vector<512x1xf32>
    %div3A_777 = vector.broadcast %sqrt3A_776 : vector<512x1xf32> to vector<512x128xf32>
    %div3A_778 = arith.divf %sub3A_772, %div3A_777 : vector<512x128xf32>
    %mul3A_779 = vector.broadcast %get3A_752 : vector<1x128xf32> to vector<512x128xf32>
    %mul3A_780 = arith.mulf %div3A_778, %mul3A_779 : vector<512x128xf32>
    %add3A_781 = vector.broadcast %get3A_755 : vector<1x128xf32> to vector<512x128xf32>
    %add3A_782 = arith.addf %mul3A_780, %add3A_781 : vector<512x128xf32>
    %max3A_783 = arith.constant 0.000000e+00 : f32
    %max3A_784 = vector.broadcast %max3A_783 : f32 to vector<512x128xf32>
    %max3A_785 = arith.maximumf %add3A_782, %max3A_784 : vector<512x128xf32>
    %convert_element_type3A_786 = arith.truncf %max3A_785 : vector<512x128xf32> to vector<512x128xbf16>
    %swap3A_787 = arith.constant 0 : index
    %swap3A_788 = arith.constant 896 : index
    %swap3A_789 = vector.load %arg10[%swap3A_787, %swap3A_788] : memref<512x1024xbf16, #tpu.memory_space<vmem>>, vector<512x128xbf16>
    tpu.vector_store %arg10[%swap3A_787, %swap3A_788], %convert_element_type3A_786 {strides = array<i32>} : memref<512x1024xbf16, #tpu.memory_space<vmem>>, vector<512x128xbf16>,
    return
  }
  func.func @transform_0(%arg0: i32) -> (i32, i32) {
    %c0_i32 = arith.constant 0 : i32
    %c0_i32_0 = arith.constant 0 : i32
    return %arg0, %c0_i32 : i32, i32
  }
  func.func @transform_1(%arg0: i32) -> (i32, i32) {
    %c0_i32 = arith.constant 0 : i32
    %c0_i32_0 = arith.constant 0 : i32
    %c0_i32_1 = arith.constant 0 : i32
    return %c0_i32, %c0_i32_0 : i32, i32
  }
  func.func @transform_2(%arg0: i32) -> (i32, i32) {
    %c0_i32 = arith.constant 0 : i32
    %c0_i32_0 = arith.constant 0 : i32
    %c0_i32_1 = arith.constant 0 : i32
    return %c0_i32, %c0_i32_0 : i32, i32
  }
  func.func @transform_3(%arg0: i32) -> (i32, i32) {
    %c0_i32 = arith.constant 0 : i32
    %c0_i32_0 = arith.constant 0 : i32
    %c0_i32_1 = arith.constant 0 : i32
    return %c0_i32, %c0_i32_0 : i32, i32
  }
  func.func @transform_4(%arg0: i32) -> (i32, i32) {
    %c0_i32 = arith.constant 0 : i32
    %c0_i32_0 = arith.constant 0 : i32
    %c0_i32_1 = arith.constant 0 : i32
    return %c0_i32, %c0_i32_0 : i32, i32
  }
  func.func @transform_5(%arg0: i32) -> (i32, i32, i32) {
    %c0_i32 = arith.constant 0 : i32
    %c0_i32_0 = arith.constant 0 : i32
    %c0_i32_1 = arith.constant 0 : i32
    %c0_i32_2 = arith.constant 0 : i32
    return %c0_i32, %c0_i32_0, %c0_i32_1 : i32, i32, i32
  }
  func.func @transform_6(%arg0: i32) -> (i32, i32) {
    %c0_i32 = arith.constant 0 : i32
    %c0_i32_0 = arith.constant 0 : i32
    %c0_i32_1 = arith.constant 0 : i32
    return %c0_i32, %c0_i32_0 : i32, i32
  }
  func.func @transform_7(%arg0: i32) -> (i32, i32) {
    %c0_i32 = arith.constant 0 : i32
    %c0_i32_0 = arith.constant 0 : i32
    %c0_i32_1 = arith.constant 0 : i32
    return %c0_i32, %c0_i32_0 : i32, i32
  }
  func.func @transform_8(%arg0: i32) -> (i32, i32) {
    %c0_i32 = arith.constant 0 : i32
    %c0_i32_0 = arith.constant 0 : i32
    %c0_i32_1 = arith.constant 0 : i32
    return %c0_i32, %c0_i32_0 : i32, i32
  }
  func.func @transform_9(%arg0: i32) -> (i32, i32) {
    %c0_i32 = arith.constant 0 : i32
    %c0_i32_0 = arith.constant 0 : i32
    return %arg0, %c0_i32 : i32, i32
  }
}

module attributes {stable_mosaic.version = 14 : i64} {
  func.func @_fused_kernel(%arg0: i32, %arg1: memref<512x128xf32, #tpu.memory_space<vmem>>, %arg2: memref<512x1xf32, #tpu.memory_space<vmem>>, %arg3: memref<512x1xf32, #tpu.memory_space<vmem>>, %arg4: memref<512x3xf32, #tpu.memory_space<vmem>>, %arg5: memref<512x3xf32, #tpu.memory_space<vmem>>, %arg6: memref<512x27xf32, #tpu.memory_space<vmem>>, %arg7: memref<512x1xf32, #tpu.memory_space<vmem>>, %arg8: memref<32x16xf32, #tpu.memory_space<vmem>>, %arg9: memref<32x48xf32, #tpu.memory_space<vmem>>, %arg10: memref<512x1024xbf16, #tpu.memory_space<vmem>>, %arg11: memref<128x6144xbf16, #tpu.memory_space<vmem>>, %arg12: memref<1x6144xf32, #tpu.memory_space<vmem>>, %arg13: memref<16x32xf32, #tpu.memory_space<vmem>>, %arg14: memref<16x32xf32, #tpu.memory_space<vmem>>, %arg15: memref<32x16xf32, #tpu.memory_space<vmem>>, %arg16: memref<32x16xf32, #tpu.memory_space<vmem>>, %arg17: memref<32x16xf32, #tpu.memory_space<vmem>>, %arg18: memref<32x48xf32, #tpu.memory_space<vmem>>) attributes {dimension_semantics = [#tpu.dimension_semantics<arbitrary>], iteration_bounds = array<i64: 8>, scalar_prefetch = 0 : i64, scratch_operands = 0 : i64, tpu.core_type = #tpu.core_type<tc>, window_params = [{transform_indices = @transform_0, window_bounds = array<i64: 512, 128>}, {transform_indices = @transform_1, window_bounds = array<i64: 512, 1>}, {transform_indices = @transform_2, window_bounds = array<i64: 512, 1>}, {transform_indices = @transform_3, window_bounds = array<i64: 512, 3>}, {transform_indices = @transform_4, window_bounds = array<i64: 512, 3>}, {transform_indices = @transform_5, window_bounds = array<i64: 512, 27>}, {transform_indices = @transform_6, window_bounds = array<i64: 512, 1>}, {transform_indices = @transform_7, window_bounds = array<i64: 32, 16>}, {transform_indices = @transform_8, window_bounds = array<i64: 32, 48>}, {transform_indices = @transform_9, window_bounds = array<i64: 512, 1024>}, {pipeline_mode = #tpu.pipeline_mode<synchronous>, transform_indices = @transform_10, window_bounds = array<i64: 128, 6144>}, {pipeline_mode = #tpu.pipeline_mode<synchronous>, transform_indices = @transform_11, window_bounds = array<i64: 1, 6144>}, {pipeline_mode = #tpu.pipeline_mode<synchronous>, transform_indices = @transform_12, window_bounds = array<i64: 16, 32>}, {pipeline_mode = #tpu.pipeline_mode<synchronous>, transform_indices = @transform_13, window_bounds = array<i64: 16, 32>}, {pipeline_mode = #tpu.pipeline_mode<synchronous>, transform_indices = @transform_14, window_bounds = array<i64: 32, 16>}, {pipeline_mode = #tpu.pipeline_mode<synchronous>, transform_indices = @transform_15, window_bounds = array<i64: 32, 16>}, {transform_indices = @transform_16, window_bounds = array<i64: 32, 16>}, {transform_indices = @transform_17, window_bounds = array<i64: 32, 48>}]} {
    %get3A = arith.constant 0 : index
    %get3A_0 = arith.constant 0 : index
    %get3A_1 = vector.load %arg1[%get3A, %get3A_0] : memref<512x128xf32, #tpu.memory_space<vmem>>, vector<512x128xf32>
    %slice3A = vector.extract_strided_slice %get3A_1 {offsets = [0, 0], sizes = [512, 16], strides = [1, 1]} : vector<512x128xf32> to vector<512x16xf32>
    %slice3A_2 = vector.extract_strided_slice %get3A_1 {offsets = [0, 16], sizes = [512, 16], strides = [1, 1]} : vector<512x128xf32> to vector<512x16xf32>
    %slice3A_3 = vector.extract_strided_slice %get3A_1 {offsets = [0, 32], sizes = [512, 16], strides = [1, 1]} : vector<512x128xf32> to vector<512x16xf32>
    %slice3A_4 = vector.extract_strided_slice %get3A_1 {offsets = [0, 48], sizes = [512, 16], strides = [1, 1]} : vector<512x128xf32> to vector<512x16xf32>
    %get3A_5 = arith.constant 0 : index
    %get3A_6 = arith.constant 0 : index
    %get3A_7 = vector.load %arg10[%get3A_5, %get3A_6] : memref<512x1024xbf16, #tpu.memory_space<vmem>>, vector<512x128xbf16>
    %get3A_8 = arith.constant 0 : index
    %get3A_9 = arith.constant 128 : index
    %get3A_10 = vector.load %arg10[%get3A_8, %get3A_9] : memref<512x1024xbf16, #tpu.memory_space<vmem>>, vector<512x128xbf16>
    %get3A_11 = arith.constant 0 : index
    %get3A_12 = arith.constant 256 : index
    %get3A_13 = vector.load %arg10[%get3A_11, %get3A_12] : memref<512x1024xbf16, #tpu.memory_space<vmem>>, vector<512x128xbf16>
    %get3A_14 = arith.constant 0 : index
    %get3A_15 = arith.constant 384 : index
    %get3A_16 = vector.load %arg10[%get3A_14, %get3A_15] : memref<512x1024xbf16, #tpu.memory_space<vmem>>, vector<512x128xbf16>
    %get3A_17 = arith.constant 0 : index
    %get3A_18 = arith.constant 512 : index
    %get3A_19 = vector.load %arg10[%get3A_17, %get3A_18] : memref<512x1024xbf16, #tpu.memory_space<vmem>>, vector<512x128xbf16>
    %get3A_20 = arith.constant 0 : index
    %get3A_21 = arith.constant 640 : index
    %get3A_22 = vector.load %arg10[%get3A_20, %get3A_21] : memref<512x1024xbf16, #tpu.memory_space<vmem>>, vector<512x128xbf16>
    %get3A_23 = arith.constant 0 : index
    %get3A_24 = arith.constant 768 : index
    %get3A_25 = vector.load %arg10[%get3A_23, %get3A_24] : memref<512x1024xbf16, #tpu.memory_space<vmem>>, vector<512x128xbf16>
    %get3A_26 = arith.constant 0 : index
    %get3A_27 = arith.constant 896 : index
    %get3A_28 = vector.load %arg10[%get3A_26, %get3A_27] : memref<512x1024xbf16, #tpu.memory_space<vmem>>, vector<512x128xbf16>
    %iota3A = tpu.iota {dimensions = array<i32: 1>} : vector<16x512xi32>
    %jit3A = arith.constant 32 : i32
    %div3A = vector.broadcast %jit3A : i32 to vector<16x512xi32>
    %div3A_29 = arith.divsi %iota3A, %div3A : vector<16x512xi32>
    %sign3A = arith.constant 0 : i32
    %sign3A_30 = vector.broadcast %sign3A : i32 to vector<16x512xi32>
    %sign3A_31 = arith.cmpi sgt, %iota3A, %sign3A_30 : vector<16x512xi32>
    %sign3A_32 = arith.extui %sign3A_31 : vector<16x512xi1> to vector<16x512xi32>
    %sign3A_33 = arith.constant 0 : i32
    %sign3A_34 = vector.broadcast %sign3A_33 : i32 to vector<16x512xi32>
    %sign3A_35 = arith.cmpi slt, %iota3A, %sign3A_34 : vector<16x512xi32>
    %sign3A_36 = arith.extui %sign3A_35 : vector<16x512xi1> to vector<16x512xi32>
    %sign3A_37 = arith.subi %sign3A_32, %sign3A_36 : vector<16x512xi32>
    %sign3A_38 = arith.constant 0 : i32
    %sign3A_39 = arith.cmpi sgt, %jit3A, %sign3A_38 : i32
    %sign3A_40 = arith.extui %sign3A_39 : i1 to i32
    %sign3A_41 = arith.constant 0 : i32
    %sign3A_42 = arith.cmpi slt, %jit3A, %sign3A_41 : i32
    %sign3A_43 = arith.extui %sign3A_42 : i1 to i32
    %sign3A_44 = arith.subi %sign3A_40, %sign3A_43 : i32
    %ne3A = vector.broadcast %sign3A_44 : i32 to vector<16x512xi32>
    %ne3A_45 = arith.cmpi ne, %sign3A_37, %ne3A : vector<16x512xi32>
    %rem3A = vector.broadcast %jit3A : i32 to vector<16x512xi32>
    %rem3A_46 = arith.remsi %iota3A, %rem3A : vector<16x512xi32>
    %ne3A_47 = arith.constant 0 : i32
    %ne3A_48 = vector.broadcast %ne3A_47 : i32 to vector<16x512xi32>
    %ne3A_49 = arith.cmpi ne, %rem3A_46, %ne3A_48 : vector<16x512xi32>
    %and3A = arith.andi %ne3A_45, %ne3A_49 : vector<16x512xi1>
    %sub3A = arith.constant 1 : i32
    %sub3A_50 = vector.broadcast %sub3A : i32 to vector<16x512xi32>
    %sub3A_51 = arith.subi %div3A_29, %sub3A_50 : vector<16x512xi32>
    %select_n3A = arith.select %and3A, %sub3A_51, %div3A_29 : vector<16x512xi1>, vector<16x512xi32>
    %iota3A_52 = tpu.iota {dimensions = array<i32: 0>} : vector<16x512xi32>
    %eq3A = arith.cmpi eq, %select_n3A, %iota3A_52 : vector<16x512xi32>
    %convert_element_type3A = arith.extui %eq3A : vector<16x512xi1> to vector<16x512xi32>
    %convert_element_type3A_53 = arith.sitofp %convert_element_type3A : vector<16x512xi32> to vector<16x512xf32>
    %dot_general3A = arith.constant dense<0.000000e+00> : vector<512x512xf32>
    %dot_general3A_54 = tpu.matmul %slice3A, %convert_element_type3A_53, %dot_general3A {dimension_numbers = #tpu.dot_dimension_numbers<[1], [0], [0], [1], [0, 0, 1, 1], [], []>, precision = #tpu.contract_precision<fp32>, transpose_lhs_hint = false} : vector<512x16xf32>, vector<16x512xf32>, vector<512x512xf32> -> vector<512x512xf32>
    %dot_general3A_55 = arith.constant dense<0.000000e+00> : vector<512x512xf32>
    %dot_general3A_56 = tpu.matmul %slice3A_2, %convert_element_type3A_53, %dot_general3A_55 {dimension_numbers = #tpu.dot_dimension_numbers<[1], [0], [0], [1], [0, 0, 1, 1], [], []>, precision = #tpu.contract_precision<fp32>, transpose_lhs_hint = false} : vector<512x16xf32>, vector<16x512xf32>, vector<512x512xf32> -> vector<512x512xf32>
    %dot_general3A_57 = arith.constant dense<0.000000e+00> : vector<512x512xf32>
    %dot_general3A_58 = tpu.matmul %slice3A_3, %convert_element_type3A_53, %dot_general3A_57 {dimension_numbers = #tpu.dot_dimension_numbers<[1], [0], [0], [1], [0, 0, 1, 1], [], []>, precision = #tpu.contract_precision<fp32>, transpose_lhs_hint = false} : vector<512x16xf32>, vector<16x512xf32>, vector<512x512xf32> -> vector<512x512xf32>
    %dot_general3A_59 = arith.constant dense<0.000000e+00> : vector<512x512xf32>
    %dot_general3A_60 = tpu.matmul %slice3A_4, %convert_element_type3A_53, %dot_general3A_59 {dimension_numbers = #tpu.dot_dimension_numbers<[1], [0], [0], [1], [0, 0, 1, 1], [], []>, precision = #tpu.contract_precision<fp32>, transpose_lhs_hint = false} : vector<512x16xf32>, vector<16x512xf32>, vector<512x512xf32> -> vector<512x512xf32>
    %get3A_61 = arith.constant 0 : index
    %get3A_62 = arith.constant 0 : index
    %get3A_63 = vector.load %arg3[%get3A_61, %get3A_62] : memref<512x1xf32, #tpu.memory_space<vmem>>, vector<512x1xf32>
    %get3A_64 = arith.constant 0 : index
    %get3A_65 = arith.constant 0 : index
    %get3A_66 = vector.load %arg4[%get3A_64, %get3A_65] : memref<512x3xf32, #tpu.memory_space<vmem>>, vector<512x3xf32>
    %get3A_67 = arith.constant 0 : index
    %get3A_68 = arith.constant 0 : index
    %get3A_69 = vector.load %arg5[%get3A_67, %get3A_68] : memref<512x3xf32, #tpu.memory_space<vmem>>, vector<512x3xf32>
    %get3A_70 = arith.constant 0 : index
    %get3A_71 = arith.constant 0 : index
    %get3A_72 = vector.load %arg6[%get3A_70, %get3A_71] : memref<512x27xf32, #tpu.memory_space<vmem>>, vector<512x27xf32>
    %broadcast_in_dim3A = arith.constant 0.000000e+00 : f32
    %broadcast_in_dim3A_73 = vector.broadcast %broadcast_in_dim3A : f32 to vector<512x32xf32>
    %broadcast_in_dim3A_74 = arith.constant 0.000000e+00 : f32
    %broadcast_in_dim3A_75 = vector.broadcast %broadcast_in_dim3A_74 : f32 to vector<512x32xf32>
    %broadcast_in_dim3A_76 = arith.constant 0.000000e+00 : f32
    %broadcast_in_dim3A_77 = vector.broadcast %broadcast_in_dim3A_76 : f32 to vector<512x32xf32>
    %broadcast_in_dim3A_78 = arith.constant 0.000000e+00 : f32
    %broadcast_in_dim3A_79 = vector.broadcast %broadcast_in_dim3A_78 : f32 to vector<512x32xf32>
    %get3A_80 = arith.constant 0 : index
    %get3A_81 = arith.constant 0 : index
    %get3A_82 = vector.load %arg11[%get3A_80, %get3A_81] : memref<128x6144xbf16, #tpu.memory_space<vmem>>, vector<128x512xbf16>
    %get3A_83 = arith.constant 0 : index
    %get3A_84 = arith.constant 0 : index
    %get3A_85 = vector.load %arg12[%get3A_83, %get3A_84] : memref<1x6144xf32, #tpu.memory_space<vmem>>, vector<1x512xf32>
    %dot_general3A_86 = arith.constant dense<0.000000e+00> : vector<512x512xf32>
    %dot_general3A_87 = tpu.matmul %get3A_7, %get3A_82, %dot_general3A_86 {dimension_numbers = #tpu.dot_dimension_numbers<[1], [0], [0], [1], [0, 0, 1, 1], [], []>, transpose_lhs_hint = false} : vector<512x128xbf16>, vector<128x512xbf16>, vector<512x512xf32> -> vector<512x512xf32>
    %add3A = vector.broadcast %get3A_85 : vector<1x512xf32> to vector<512x512xf32>
    %add3A_88 = arith.addf %dot_general3A_87, %add3A : vector<512x512xf32>
    %mul3A = arith.mulf %add3A_88, %dot_general3A_54 : vector<512x512xf32>
    %slice3A_89 = vector.extract_strided_slice %mul3A {offsets = [0, 0], sizes = [512, 256], strides = [1, 1]} : vector<512x512xf32> to vector<512x256xf32>
    %slice3A_90 = vector.extract_strided_slice %mul3A {offsets = [0, 256], sizes = [512, 256], strides = [1, 1]} : vector<512x512xf32> to vector<512x256xf32>
    %add3A_91 = arith.addf %slice3A_89, %slice3A_90 : vector<512x256xf32>
    %slice3A_92 = vector.extract_strided_slice %add3A_91 {offsets = [0, 0], sizes = [512, 128], strides = [1, 1]} : vector<512x256xf32> to vector<512x128xf32>
    %slice3A_93 = vector.extract_strided_slice %add3A_91 {offsets = [0, 128], sizes = [512, 128], strides = [1, 1]} : vector<512x256xf32> to vector<512x128xf32>
    %add3A_94 = arith.addf %slice3A_92, %slice3A_93 : vector<512x128xf32>
    %slice3A_95 = vector.extract_strided_slice %add3A_94 {offsets = [0, 0], sizes = [512, 64], strides = [1, 1]} : vector<512x128xf32> to vector<512x64xf32>
    %slice3A_96 = vector.extract_strided_slice %add3A_94 {offsets = [0, 64], sizes = [512, 64], strides = [1, 1]} : vector<512x128xf32> to vector<512x64xf32>
    %add3A_97 = arith.addf %slice3A_95, %slice3A_96 : vector<512x64xf32>
    %slice3A_98 = vector.extract_strided_slice %add3A_97 {offsets = [0, 0], sizes = [512, 32], strides = [1, 1]} : vector<512x64xf32> to vector<512x32xf32>
    %slice3A_99 = vector.extract_strided_slice %add3A_97 {offsets = [0, 32], sizes = [512, 32], strides = [1, 1]} : vector<512x64xf32> to vector<512x32xf32>
    %add3A_100 = arith.addf %slice3A_98, %slice3A_99 : vector<512x32xf32>
    %mul3A_101 = vector.broadcast %get3A_63 : vector<512x1xf32> to vector<512x32xf32>
    %mul3A_102 = arith.mulf %mul3A_101, %add3A_100 : vector<512x32xf32>
    %add3A_103 = arith.addf %broadcast_in_dim3A_73, %mul3A_102 : vector<512x32xf32>
    %get3A_104 = arith.constant 0 : index
    %get3A_105 = arith.constant 512 : index
    %get3A_106 = vector.load %arg11[%get3A_104, %get3A_105] : memref<128x6144xbf16, #tpu.memory_space<vmem>>, vector<128x512xbf16>
    %get3A_107 = arith.constant 0 : index
    %get3A_108 = arith.constant 512 : index
    %get3A_109 = vector.load %arg12[%get3A_107, %get3A_108] : memref<1x6144xf32, #tpu.memory_space<vmem>>, vector<1x512xf32>
    %dot_general3A_110 = arith.constant dense<0.000000e+00> : vector<512x512xf32>
    %dot_general3A_111 = tpu.matmul %get3A_10, %get3A_106, %dot_general3A_110 {dimension_numbers = #tpu.dot_dimension_numbers<[1], [0], [0], [1], [0, 0, 1, 1], [], []>, transpose_lhs_hint = false} : vector<512x128xbf16>, vector<128x512xbf16>, vector<512x512xf32> -> vector<512x512xf32>
    %add3A_112 = vector.broadcast %get3A_109 : vector<1x512xf32> to vector<512x512xf32>
    %add3A_113 = arith.addf %dot_general3A_111, %add3A_112 : vector<512x512xf32>
    %mul3A_114 = arith.mulf %add3A_113, %dot_general3A_54 : vector<512x512xf32>
    %slice3A_115 = vector.extract_strided_slice %mul3A_114 {offsets = [0, 0], sizes = [512, 256], strides = [1, 1]} : vector<512x512xf32> to vector<512x256xf32>
    %slice3A_116 = vector.extract_strided_slice %mul3A_114 {offsets = [0, 256], sizes = [512, 256], strides = [1, 1]} : vector<512x512xf32> to vector<512x256xf32>
    %add3A_117 = arith.addf %slice3A_115, %slice3A_116 : vector<512x256xf32>
    %slice3A_118 = vector.extract_strided_slice %add3A_117 {offsets = [0, 0], sizes = [512, 128], strides = [1, 1]} : vector<512x256xf32> to vector<512x128xf32>
    %slice3A_119 = vector.extract_strided_slice %add3A_117 {offsets = [0, 128], sizes = [512, 128], strides = [1, 1]} : vector<512x256xf32> to vector<512x128xf32>
    %add3A_120 = arith.addf %slice3A_118, %slice3A_119 : vector<512x128xf32>
    %slice3A_121 = vector.extract_strided_slice %add3A_120 {offsets = [0, 0], sizes = [512, 64], strides = [1, 1]} : vector<512x128xf32> to vector<512x64xf32>
    %slice3A_122 = vector.extract_strided_slice %add3A_120 {offsets = [0, 64], sizes = [512, 64], strides = [1, 1]} : vector<512x128xf32> to vector<512x64xf32>
    %add3A_123 = arith.addf %slice3A_121, %slice3A_122 : vector<512x64xf32>
    %slice3A_124 = vector.extract_strided_slice %add3A_123 {offsets = [0, 0], sizes = [512, 32], strides = [1, 1]} : vector<512x64xf32> to vector<512x32xf32>
    %slice3A_125 = vector.extract_strided_slice %add3A_123 {offsets = [0, 32], sizes = [512, 32], strides = [1, 1]} : vector<512x64xf32> to vector<512x32xf32>
    %add3A_126 = arith.addf %slice3A_124, %slice3A_125 : vector<512x32xf32>
    %slice3A_127 = vector.extract_strided_slice %get3A_66 {offsets = [0, 0], sizes = [512, 1], strides = [1, 1]} : vector<512x3xf32> to vector<512x1xf32>
    %mul3A_128 = vector.broadcast %slice3A_127 : vector<512x1xf32> to vector<512x32xf32>
    %mul3A_129 = arith.mulf %mul3A_128, %add3A_126 : vector<512x32xf32>
    %add3A_130 = arith.addf %broadcast_in_dim3A_75, %mul3A_129 : vector<512x32xf32>
    %slice3A_131 = vector.extract_strided_slice %get3A_66 {offsets = [0, 1], sizes = [512, 1], strides = [1, 1]} : vector<512x3xf32> to vector<512x1xf32>
    %mul3A_132 = vector.broadcast %slice3A_131 : vector<512x1xf32> to vector<512x32xf32>
    %mul3A_133 = arith.mulf %mul3A_132, %add3A_126 : vector<512x32xf32>
    %add3A_134 = arith.addf %broadcast_in_dim3A_77, %mul3A_133 : vector<512x32xf32>
    %slice3A_135 = vector.extract_strided_slice %get3A_66 {offsets = [0, 2], sizes = [512, 1], strides = [1, 1]} : vector<512x3xf32> to vector<512x1xf32>
    %mul3A_136 = vector.broadcast %slice3A_135 : vector<512x1xf32> to vector<512x32xf32>
    %mul3A_137 = arith.mulf %mul3A_136, %add3A_126 : vector<512x32xf32>
    %add3A_138 = arith.addf %broadcast_in_dim3A_79, %mul3A_137 : vector<512x32xf32>
    %get3A_139 = arith.constant 0 : index
    %get3A_140 = arith.constant 1024 : index
    %get3A_141 = vector.load %arg11[%get3A_139, %get3A_140] : memref<128x6144xbf16, #tpu.memory_space<vmem>>, vector<128x512xbf16>
    %get3A_142 = arith.constant 0 : index
    %get3A_143 = arith.constant 1024 : index
    %get3A_144 = vector.load %arg12[%get3A_142, %get3A_143] : memref<1x6144xf32, #tpu.memory_space<vmem>>, vector<1x512xf32>
    %dot_general3A_145 = arith.constant dense<0.000000e+00> : vector<512x512xf32>
    %dot_general3A_146 = tpu.matmul %get3A_13, %get3A_141, %dot_general3A_145 {dimension_numbers = #tpu.dot_dimension_numbers<[1], [0], [0], [1], [0, 0, 1, 1], [], []>, transpose_lhs_hint = false} : vector<512x128xbf16>, vector<128x512xbf16>, vector<512x512xf32> -> vector<512x512xf32>
    %add3A_147 = vector.broadcast %get3A_144 : vector<1x512xf32> to vector<512x512xf32>
    %add3A_148 = arith.addf %dot_general3A_146, %add3A_147 : vector<512x512xf32>
    %slice3A_149 = vector.extract_strided_slice %get3A_69 {offsets = [0, 0], sizes = [512, 1], strides = [1, 1]} : vector<512x3xf32> to vector<512x1xf32>
    %mul3A_150 = arith.mulf %add3A_148, %dot_general3A_56 : vector<512x512xf32>
    %slice3A_151 = vector.extract_strided_slice %mul3A_150 {offsets = [0, 0], sizes = [512, 256], strides = [1, 1]} : vector<512x512xf32> to vector<512x256xf32>
    %slice3A_152 = vector.extract_strided_slice %mul3A_150 {offsets = [0, 256], sizes = [512, 256], strides = [1, 1]} : vector<512x512xf32> to vector<512x256xf32>
    %add3A_153 = arith.addf %slice3A_151, %slice3A_152 : vector<512x256xf32>
    %slice3A_154 = vector.extract_strided_slice %add3A_153 {offsets = [0, 0], sizes = [512, 128], strides = [1, 1]} : vector<512x256xf32> to vector<512x128xf32>
    %slice3A_155 = vector.extract_strided_slice %add3A_153 {offsets = [0, 128], sizes = [512, 128], strides = [1, 1]} : vector<512x256xf32> to vector<512x128xf32>
    %add3A_156 = arith.addf %slice3A_154, %slice3A_155 : vector<512x128xf32>
    %slice3A_157 = vector.extract_strided_slice %add3A_156 {offsets = [0, 0], sizes = [512, 64], strides = [1, 1]} : vector<512x128xf32> to vector<512x64xf32>
    %slice3A_158 = vector.extract_strided_slice %add3A_156 {offsets = [0, 64], sizes = [512, 64], strides = [1, 1]} : vector<512x128xf32> to vector<512x64xf32>
    %add3A_159 = arith.addf %slice3A_157, %slice3A_158 : vector<512x64xf32>
    %slice3A_160 = vector.extract_strided_slice %add3A_159 {offsets = [0, 0], sizes = [512, 32], strides = [1, 1]} : vector<512x64xf32> to vector<512x32xf32>
    %slice3A_161 = vector.extract_strided_slice %add3A_159 {offsets = [0, 32], sizes = [512, 32], strides = [1, 1]} : vector<512x64xf32> to vector<512x32xf32>
    %add3A_162 = arith.addf %slice3A_160, %slice3A_161 : vector<512x32xf32>
    %mul3A_163 = vector.broadcast %slice3A_149 : vector<512x1xf32> to vector<512x32xf32>
    %mul3A_164 = arith.mulf %mul3A_163, %add3A_162 : vector<512x32xf32>
    %add3A_165 = arith.addf %add3A_103, %mul3A_164 : vector<512x32xf32>
    %slice3A_166 = vector.extract_strided_slice %get3A_69 {offsets = [0, 1], sizes = [512, 1], strides = [1, 1]} : vector<512x3xf32> to vector<512x1xf32>
    %mul3A_167 = arith.mulf %add3A_148, %dot_general3A_58 : vector<512x512xf32>
    %slice3A_168 = vector.extract_strided_slice %mul3A_167 {offsets = [0, 0], sizes = [512, 256], strides = [1, 1]} : vector<512x512xf32> to vector<512x256xf32>
    %slice3A_169 = vector.extract_strided_slice %mul3A_167 {offsets = [0, 256], sizes = [512, 256], strides = [1, 1]} : vector<512x512xf32> to vector<512x256xf32>
    %add3A_170 = arith.addf %slice3A_168, %slice3A_169 : vector<512x256xf32>
    %slice3A_171 = vector.extract_strided_slice %add3A_170 {offsets = [0, 0], sizes = [512, 128], strides = [1, 1]} : vector<512x256xf32> to vector<512x128xf32>
    %slice3A_172 = vector.extract_strided_slice %add3A_170 {offsets = [0, 128], sizes = [512, 128], strides = [1, 1]} : vector<512x256xf32> to vector<512x128xf32>
    %add3A_173 = arith.addf %slice3A_171, %slice3A_172 : vector<512x128xf32>
    %slice3A_174 = vector.extract_strided_slice %add3A_173 {offsets = [0, 0], sizes = [512, 64], strides = [1, 1]} : vector<512x128xf32> to vector<512x64xf32>
    %slice3A_175 = vector.extract_strided_slice %add3A_173 {offsets = [0, 64], sizes = [512, 64], strides = [1, 1]} : vector<512x128xf32> to vector<512x64xf32>
    %add3A_176 = arith.addf %slice3A_174, %slice3A_175 : vector<512x64xf32>
    %slice3A_177 = vector.extract_strided_slice %add3A_176 {offsets = [0, 0], sizes = [512, 32], strides = [1, 1]} : vector<512x64xf32> to vector<512x32xf32>
    %slice3A_178 = vector.extract_strided_slice %add3A_176 {offsets = [0, 32], sizes = [512, 32], strides = [1, 1]} : vector<512x64xf32> to vector<512x32xf32>
    %add3A_179 = arith.addf %slice3A_177, %slice3A_178 : vector<512x32xf32>
    %mul3A_180 = vector.broadcast %slice3A_166 : vector<512x1xf32> to vector<512x32xf32>
    %mul3A_181 = arith.mulf %mul3A_180, %add3A_179 : vector<512x32xf32>
    %add3A_182 = arith.addf %add3A_165, %mul3A_181 : vector<512x32xf32>
    %slice3A_183 = vector.extract_strided_slice %get3A_69 {offsets = [0, 2], sizes = [512, 1], strides = [1, 1]} : vector<512x3xf32> to vector<512x1xf32>
    %mul3A_184 = arith.mulf %add3A_148, %dot_general3A_60 : vector<512x512xf32>
    %slice3A_185 = vector.extract_strided_slice %mul3A_184 {offsets = [0, 0], sizes = [512, 256], strides = [1, 1]} : vector<512x512xf32> to vector<512x256xf32>
    %slice3A_186 = vector.extract_strided_slice %mul3A_184 {offsets = [0, 256], sizes = [512, 256], strides = [1, 1]} : vector<512x512xf32> to vector<512x256xf32>
    %add3A_187 = arith.addf %slice3A_185, %slice3A_186 : vector<512x256xf32>
    %slice3A_188 = vector.extract_strided_slice %add3A_187 {offsets = [0, 0], sizes = [512, 128], strides = [1, 1]} : vector<512x256xf32> to vector<512x128xf32>
    %slice3A_189 = vector.extract_strided_slice %add3A_187 {offsets = [0, 128], sizes = [512, 128], strides = [1, 1]} : vector<512x256xf32> to vector<512x128xf32>
    %add3A_190 = arith.addf %slice3A_188, %slice3A_189 : vector<512x128xf32>
    %slice3A_191 = vector.extract_strided_slice %add3A_190 {offsets = [0, 0], sizes = [512, 64], strides = [1, 1]} : vector<512x128xf32> to vector<512x64xf32>
    %slice3A_192 = vector.extract_strided_slice %add3A_190 {offsets = [0, 64], sizes = [512, 64], strides = [1, 1]} : vector<512x128xf32> to vector<512x64xf32>
    %add3A_193 = arith.addf %slice3A_191, %slice3A_192 : vector<512x64xf32>
    %slice3A_194 = vector.extract_strided_slice %add3A_193 {offsets = [0, 0], sizes = [512, 32], strides = [1, 1]} : vector<512x64xf32> to vector<512x32xf32>
    %slice3A_195 = vector.extract_strided_slice %add3A_193 {offsets = [0, 32], sizes = [512, 32], strides = [1, 1]} : vector<512x64xf32> to vector<512x32xf32>
    %add3A_196 = arith.addf %slice3A_194, %slice3A_195 : vector<512x32xf32>
    %mul3A_197 = vector.broadcast %slice3A_183 : vector<512x1xf32> to vector<512x32xf32>
    %mul3A_198 = arith.mulf %mul3A_197, %add3A_196 : vector<512x32xf32>
    %add3A_199 = arith.addf %add3A_182, %mul3A_198 : vector<512x32xf32>
    %get3A_200 = arith.constant 0 : index
    %get3A_201 = arith.constant 1536 : index
    %get3A_202 = vector.load %arg11[%get3A_200, %get3A_201] : memref<128x6144xbf16, #tpu.memory_space<vmem>>, vector<128x1536xbf16>
    %get3A_203 = arith.constant 0 : index
    %get3A_204 = arith.constant 1536 : index
    %get3A_205 = vector.load %arg12[%get3A_203, %get3A_204] : memref<1x6144xf32, #tpu.memory_space<vmem>>, vector<1x1536xf32>
    %dot_general3A_206 = arith.constant dense<0.000000e+00> : vector<512x1536xf32>
    %dot_general3A_207 = tpu.matmul %get3A_16, %get3A_202, %dot_general3A_206 {dimension_numbers = #tpu.dot_dimension_numbers<[1], [0], [0], [1], [0, 0, 1, 1], [], []>, transpose_lhs_hint = false} : vector<512x128xbf16>, vector<128x1536xbf16>, vector<512x1536xf32> -> vector<512x1536xf32>
    %add3A_208 = vector.broadcast %get3A_205 : vector<1x1536xf32> to vector<512x1536xf32>
    %add3A_209 = arith.addf %dot_general3A_207, %add3A_208 : vector<512x1536xf32>
    %slice3A_210 = vector.extract_strided_slice %add3A_209 {offsets = [0, 0], sizes = [512, 512], strides = [1, 1]} : vector<512x1536xf32> to vector<512x512xf32>
    %mul3A_211 = arith.mulf %slice3A_210, %dot_general3A_56 : vector<512x512xf32>
    %slice3A_212 = vector.extract_strided_slice %mul3A_211 {offsets = [0, 0], sizes = [512, 256], strides = [1, 1]} : vector<512x512xf32> to vector<512x256xf32>
    %slice3A_213 = vector.extract_strided_slice %mul3A_211 {offsets = [0, 256], sizes = [512, 256], strides = [1, 1]} : vector<512x512xf32> to vector<512x256xf32>
    %add3A_214 = arith.addf %slice3A_212, %slice3A_213 : vector<512x256xf32>
    %slice3A_215 = vector.extract_strided_slice %add3A_214 {offsets = [0, 0], sizes = [512, 128], strides = [1, 1]} : vector<512x256xf32> to vector<512x128xf32>
    %slice3A_216 = vector.extract_strided_slice %add3A_214 {offsets = [0, 128], sizes = [512, 128], strides = [1, 1]} : vector<512x256xf32> to vector<512x128xf32>
    %add3A_217 = arith.addf %slice3A_215, %slice3A_216 : vector<512x128xf32>
    %slice3A_218 = vector.extract_strided_slice %add3A_217 {offsets = [0, 0], sizes = [512, 64], strides = [1, 1]} : vector<512x128xf32> to vector<512x64xf32>
    %slice3A_219 = vector.extract_strided_slice %add3A_217 {offsets = [0, 64], sizes = [512, 64], strides = [1, 1]} : vector<512x128xf32> to vector<512x64xf32>
    %add3A_220 = arith.addf %slice3A_218, %slice3A_219 : vector<512x64xf32>
    %slice3A_221 = vector.extract_strided_slice %add3A_220 {offsets = [0, 0], sizes = [512, 32], strides = [1, 1]} : vector<512x64xf32> to vector<512x32xf32>
    %slice3A_222 = vector.extract_strided_slice %add3A_220 {offsets = [0, 32], sizes = [512, 32], strides = [1, 1]} : vector<512x64xf32> to vector<512x32xf32>
    %add3A_223 = arith.addf %slice3A_221, %slice3A_222 : vector<512x32xf32>
    %slice3A_224 = vector.extract_strided_slice %add3A_209 {offsets = [0, 0], sizes = [512, 512], strides = [1, 1]} : vector<512x1536xf32> to vector<512x512xf32>
    %mul3A_225 = arith.mulf %slice3A_224, %dot_general3A_58 : vector<512x512xf32>
    %slice3A_226 = vector.extract_strided_slice %mul3A_225 {offsets = [0, 0], sizes = [512, 256], strides = [1, 1]} : vector<512x512xf32> to vector<512x256xf32>
    %slice3A_227 = vector.extract_strided_slice %mul3A_225 {offsets = [0, 256], sizes = [512, 256], strides = [1, 1]} : vector<512x512xf32> to vector<512x256xf32>
    %add3A_228 = arith.addf %slice3A_226, %slice3A_227 : vector<512x256xf32>
    %slice3A_229 = vector.extract_strided_slice %add3A_228 {offsets = [0, 0], sizes = [512, 128], strides = [1, 1]} : vector<512x256xf32> to vector<512x128xf32>
    %slice3A_230 = vector.extract_strided_slice %add3A_228 {offsets = [0, 128], sizes = [512, 128], strides = [1, 1]} : vector<512x256xf32> to vector<512x128xf32>
    %add3A_231 = arith.addf %slice3A_229, %slice3A_230 : vector<512x128xf32>
    %slice3A_232 = vector.extract_strided_slice %add3A_231 {offsets = [0, 0], sizes = [512, 64], strides = [1, 1]} : vector<512x128xf32> to vector<512x64xf32>
    %slice3A_233 = vector.extract_strided_slice %add3A_231 {offsets = [0, 64], sizes = [512, 64], strides = [1, 1]} : vector<512x128xf32> to vector<512x64xf32>
    %add3A_234 = arith.addf %slice3A_232, %slice3A_233 : vector<512x64xf32>
    %slice3A_235 = vector.extract_strided_slice %add3A_234 {offsets = [0, 0], sizes = [512, 32], strides = [1, 1]} : vector<512x64xf32> to vector<512x32xf32>
    %slice3A_236 = vector.extract_strided_slice %add3A_234 {offsets = [0, 32], sizes = [512, 32], strides = [1, 1]} : vector<512x64xf32> to vector<512x32xf32>
    %add3A_237 = arith.addf %slice3A_235, %slice3A_236 : vector<512x32xf32>
    %slice3A_238 = vector.extract_strided_slice %add3A_209 {offsets = [0, 0], sizes = [512, 512], strides = [1, 1]} : vector<512x1536xf32> to vector<512x512xf32>
    %mul3A_239 = arith.mulf %slice3A_238, %dot_general3A_60 : vector<512x512xf32>
    %slice3A_240 = vector.extract_strided_slice %mul3A_239 {offsets = [0, 0], sizes = [512, 256], strides = [1, 1]} : vector<512x512xf32> to vector<512x256xf32>
    %slice3A_241 = vector.extract_strided_slice %mul3A_239 {offsets = [0, 256], sizes = [512, 256], strides = [1, 1]} : vector<512x512xf32> to vector<512x256xf32>
    %add3A_242 = arith.addf %slice3A_240, %slice3A_241 : vector<512x256xf32>
    %slice3A_243 = vector.extract_strided_slice %add3A_242 {offsets = [0, 0], sizes = [512, 128], strides = [1, 1]} : vector<512x256xf32> to vector<512x128xf32>
    %slice3A_244 = vector.extract_strided_slice %add3A_242 {offsets = [0, 128], sizes = [512, 128], strides = [1, 1]} : vector<512x256xf32> to vector<512x128xf32>
    %add3A_245 = arith.addf %slice3A_243, %slice3A_244 : vector<512x128xf32>
    %slice3A_246 = vector.extract_strided_slice %add3A_245 {offsets = [0, 0], sizes = [512, 64], strides = [1, 1]} : vector<512x128xf32> to vector<512x64xf32>
    %slice3A_247 = vector.extract_strided_slice %add3A_245 {offsets = [0, 64], sizes = [512, 64], strides = [1, 1]} : vector<512x128xf32> to vector<512x64xf32>
    %add3A_248 = arith.addf %slice3A_246, %slice3A_247 : vector<512x64xf32>
    %slice3A_249 = vector.extract_strided_slice %add3A_248 {offsets = [0, 0], sizes = [512, 32], strides = [1, 1]} : vector<512x64xf32> to vector<512x32xf32>
    %slice3A_250 = vector.extract_strided_slice %add3A_248 {offsets = [0, 32], sizes = [512, 32], strides = [1, 1]} : vector<512x64xf32> to vector<512x32xf32>
    %add3A_251 = arith.addf %slice3A_249, %slice3A_250 : vector<512x32xf32>
    %slice3A_252 = vector.extract_strided_slice %add3A_209 {offsets = [0, 512], sizes = [512, 512], strides = [1, 1]} : vector<512x1536xf32> to vector<512x512xf32>
    %mul3A_253 = arith.mulf %slice3A_252, %dot_general3A_56 : vector<512x512xf32>
    %slice3A_254 = vector.extract_strided_slice %mul3A_253 {offsets = [0, 0], sizes = [512, 256], strides = [1, 1]} : vector<512x512xf32> to vector<512x256xf32>
    %slice3A_255 = vector.extract_strided_slice %mul3A_253 {offsets = [0, 256], sizes = [512, 256], strides = [1, 1]} : vector<512x512xf32> to vector<512x256xf32>
    %add3A_256 = arith.addf %slice3A_254, %slice3A_255 : vector<512x256xf32>
    %slice3A_257 = vector.extract_strided_slice %add3A_256 {offsets = [0, 0], sizes = [512, 128], strides = [1, 1]} : vector<512x256xf32> to vector<512x128xf32>
    %slice3A_258 = vector.extract_strided_slice %add3A_256 {offsets = [0, 128], sizes = [512, 128], strides = [1, 1]} : vector<512x256xf32> to vector<512x128xf32>
    %add3A_259 = arith.addf %slice3A_257, %slice3A_258 : vector<512x128xf32>
    %slice3A_260 = vector.extract_strided_slice %add3A_259 {offsets = [0, 0], sizes = [512, 64], strides = [1, 1]} : vector<512x128xf32> to vector<512x64xf32>
    %slice3A_261 = vector.extract_strided_slice %add3A_259 {offsets = [0, 64], sizes = [512, 64], strides = [1, 1]} : vector<512x128xf32> to vector<512x64xf32>
    %add3A_262 = arith.addf %slice3A_260, %slice3A_261 : vector<512x64xf32>
    %slice3A_263 = vector.extract_strided_slice %add3A_262 {offsets = [0, 0], sizes = [512, 32], strides = [1, 1]} : vector<512x64xf32> to vector<512x32xf32>
    %slice3A_264 = vector.extract_strided_slice %add3A_262 {offsets = [0, 32], sizes = [512, 32], strides = [1, 1]} : vector<512x64xf32> to vector<512x32xf32>
    %add3A_265 = arith.addf %slice3A_263, %slice3A_264 : vector<512x32xf32>
    %slice3A_266 = vector.extract_strided_slice %add3A_209 {offsets = [0, 512], sizes = [512, 512], strides = [1, 1]} : vector<512x1536xf32> to vector<512x512xf32>
    %mul3A_267 = arith.mulf %slice3A_266, %dot_general3A_58 : vector<512x512xf32>
    %slice3A_268 = vector.extract_strided_slice %mul3A_267 {offsets = [0, 0], sizes = [512, 256], strides = [1, 1]} : vector<512x512xf32> to vector<512x256xf32>
    %slice3A_269 = vector.extract_strided_slice %mul3A_267 {offsets = [0, 256], sizes = [512, 256], strides = [1, 1]} : vector<512x512xf32> to vector<512x256xf32>
    %add3A_270 = arith.addf %slice3A_268, %slice3A_269 : vector<512x256xf32>
    %slice3A_271 = vector.extract_strided_slice %add3A_270 {offsets = [0, 0], sizes = [512, 128], strides = [1, 1]} : vector<512x256xf32> to vector<512x128xf32>
    %slice3A_272 = vector.extract_strided_slice %add3A_270 {offsets = [0, 128], sizes = [512, 128], strides = [1, 1]} : vector<512x256xf32> to vector<512x128xf32>
    %add3A_273 = arith.addf %slice3A_271, %slice3A_272 : vector<512x128xf32>
    %slice3A_274 = vector.extract_strided_slice %add3A_273 {offsets = [0, 0], sizes = [512, 64], strides = [1, 1]} : vector<512x128xf32> to vector<512x64xf32>
    %slice3A_275 = vector.extract_strided_slice %add3A_273 {offsets = [0, 64], sizes = [512, 64], strides = [1, 1]} : vector<512x128xf32> to vector<512x64xf32>
    %add3A_276 = arith.addf %slice3A_274, %slice3A_275 : vector<512x64xf32>
    %slice3A_277 = vector.extract_strided_slice %add3A_276 {offsets = [0, 0], sizes = [512, 32], strides = [1, 1]} : vector<512x64xf32> to vector<512x32xf32>
    %slice3A_278 = vector.extract_strided_slice %add3A_276 {offsets = [0, 32], sizes = [512, 32], strides = [1, 1]} : vector<512x64xf32> to vector<512x32xf32>
    %add3A_279 = arith.addf %slice3A_277, %slice3A_278 : vector<512x32xf32>
    %slice3A_280 = vector.extract_strided_slice %add3A_209 {offsets = [0, 512], sizes = [512, 512], strides = [1, 1]} : vector<512x1536xf32> to vector<512x512xf32>
    %mul3A_281 = arith.mulf %slice3A_280, %dot_general3A_60 : vector<512x512xf32>
    %slice3A_282 = vector.extract_strided_slice %mul3A_281 {offsets = [0, 0], sizes = [512, 256], strides = [1, 1]} : vector<512x512xf32> to vector<512x256xf32>
    %slice3A_283 = vector.extract_strided_slice %mul3A_281 {offsets = [0, 256], sizes = [512, 256], strides = [1, 1]} : vector<512x512xf32> to vector<512x256xf32>
    %add3A_284 = arith.addf %slice3A_282, %slice3A_283 : vector<512x256xf32>
    %slice3A_285 = vector.extract_strided_slice %add3A_284 {offsets = [0, 0], sizes = [512, 128], strides = [1, 1]} : vector<512x256xf32> to vector<512x128xf32>
    %slice3A_286 = vector.extract_strided_slice %add3A_284 {offsets = [0, 128], sizes = [512, 128], strides = [1, 1]} : vector<512x256xf32> to vector<512x128xf32>
    %add3A_287 = arith.addf %slice3A_285, %slice3A_286 : vector<512x128xf32>
    %slice3A_288 = vector.extract_strided_slice %add3A_287 {offsets = [0, 0], sizes = [512, 64], strides = [1, 1]} : vector<512x128xf32> to vector<512x64xf32>
    %slice3A_289 = vector.extract_strided_slice %add3A_287 {offsets = [0, 64], sizes = [512, 64], strides = [1, 1]} : vector<512x128xf32> to vector<512x64xf32>
    %add3A_290 = arith.addf %slice3A_288, %slice3A_289 : vector<512x64xf32>
    %slice3A_291 = vector.extract_strided_slice %add3A_290 {offsets = [0, 0], sizes = [512, 32], strides = [1, 1]} : vector<512x64xf32> to vector<512x32xf32>
    %slice3A_292 = vector.extract_strided_slice %add3A_290 {offsets = [0, 32], sizes = [512, 32], strides = [1, 1]} : vector<512x64xf32> to vector<512x32xf32>
    %add3A_293 = arith.addf %slice3A_291, %slice3A_292 : vector<512x32xf32>
    %slice3A_294 = vector.extract_strided_slice %add3A_209 {offsets = [0, 1024], sizes = [512, 512], strides = [1, 1]} : vector<512x1536xf32> to vector<512x512xf32>
    %mul3A_295 = arith.mulf %slice3A_294, %dot_general3A_56 : vector<512x512xf32>
    %slice3A_296 = vector.extract_strided_slice %mul3A_295 {offsets = [0, 0], sizes = [512, 256], strides = [1, 1]} : vector<512x512xf32> to vector<512x256xf32>
    %slice3A_297 = vector.extract_strided_slice %mul3A_295 {offsets = [0, 256], sizes = [512, 256], strides = [1, 1]} : vector<512x512xf32> to vector<512x256xf32>
    %add3A_298 = arith.addf %slice3A_296, %slice3A_297 : vector<512x256xf32>
    %slice3A_299 = vector.extract_strided_slice %add3A_298 {offsets = [0, 0], sizes = [512, 128], strides = [1, 1]} : vector<512x256xf32> to vector<512x128xf32>
    %slice3A_300 = vector.extract_strided_slice %add3A_298 {offsets = [0, 128], sizes = [512, 128], strides = [1, 1]} : vector<512x256xf32> to vector<512x128xf32>
    %add3A_301 = arith.addf %slice3A_299, %slice3A_300 : vector<512x128xf32>
    %slice3A_302 = vector.extract_strided_slice %add3A_301 {offsets = [0, 0], sizes = [512, 64], strides = [1, 1]} : vector<512x128xf32> to vector<512x64xf32>
    %slice3A_303 = vector.extract_strided_slice %add3A_301 {offsets = [0, 64], sizes = [512, 64], strides = [1, 1]} : vector<512x128xf32> to vector<512x64xf32>
    %add3A_304 = arith.addf %slice3A_302, %slice3A_303 : vector<512x64xf32>
    %slice3A_305 = vector.extract_strided_slice %add3A_304 {offsets = [0, 0], sizes = [512, 32], strides = [1, 1]} : vector<512x64xf32> to vector<512x32xf32>
    %slice3A_306 = vector.extract_strided_slice %add3A_304 {offsets = [0, 32], sizes = [512, 32], strides = [1, 1]} : vector<512x64xf32> to vector<512x32xf32>
    %add3A_307 = arith.addf %slice3A_305, %slice3A_306 : vector<512x32xf32>
    %slice3A_308 = vector.extract_strided_slice %add3A_209 {offsets = [0, 1024], sizes = [512, 512], strides = [1, 1]} : vector<512x1536xf32> to vector<512x512xf32>
    %mul3A_309 = arith.mulf %slice3A_308, %dot_general3A_58 : vector<512x512xf32>
    %slice3A_310 = vector.extract_strided_slice %mul3A_309 {offsets = [0, 0], sizes = [512, 256], strides = [1, 1]} : vector<512x512xf32> to vector<512x256xf32>
    %slice3A_311 = vector.extract_strided_slice %mul3A_309 {offsets = [0, 256], sizes = [512, 256], strides = [1, 1]} : vector<512x512xf32> to vector<512x256xf32>
    %add3A_312 = arith.addf %slice3A_310, %slice3A_311 : vector<512x256xf32>
    %slice3A_313 = vector.extract_strided_slice %add3A_312 {offsets = [0, 0], sizes = [512, 128], strides = [1, 1]} : vector<512x256xf32> to vector<512x128xf32>
    %slice3A_314 = vector.extract_strided_slice %add3A_312 {offsets = [0, 128], sizes = [512, 128], strides = [1, 1]} : vector<512x256xf32> to vector<512x128xf32>
    %add3A_315 = arith.addf %slice3A_313, %slice3A_314 : vector<512x128xf32>
    %slice3A_316 = vector.extract_strided_slice %add3A_315 {offsets = [0, 0], sizes = [512, 64], strides = [1, 1]} : vector<512x128xf32> to vector<512x64xf32>
    %slice3A_317 = vector.extract_strided_slice %add3A_315 {offsets = [0, 64], sizes = [512, 64], strides = [1, 1]} : vector<512x128xf32> to vector<512x64xf32>
    %add3A_318 = arith.addf %slice3A_316, %slice3A_317 : vector<512x64xf32>
    %slice3A_319 = vector.extract_strided_slice %add3A_318 {offsets = [0, 0], sizes = [512, 32], strides = [1, 1]} : vector<512x64xf32> to vector<512x32xf32>
    %slice3A_320 = vector.extract_strided_slice %add3A_318 {offsets = [0, 32], sizes = [512, 32], strides = [1, 1]} : vector<512x64xf32> to vector<512x32xf32>
    %add3A_321 = arith.addf %slice3A_319, %slice3A_320 : vector<512x32xf32>
    %slice3A_322 = vector.extract_strided_slice %add3A_209 {offsets = [0, 1024], sizes = [512, 512], strides = [1, 1]} : vector<512x1536xf32> to vector<512x512xf32>
    %mul3A_323 = arith.mulf %slice3A_322, %dot_general3A_60 : vector<512x512xf32>
    %slice3A_324 = vector.extract_strided_slice %mul3A_323 {offsets = [0, 0], sizes = [512, 256], strides = [1, 1]} : vector<512x512xf32> to vector<512x256xf32>
    %slice3A_325 = vector.extract_strided_slice %mul3A_323 {offsets = [0, 256], sizes = [512, 256], strides = [1, 1]} : vector<512x512xf32> to vector<512x256xf32>
    %add3A_326 = arith.addf %slice3A_324, %slice3A_325 : vector<512x256xf32>
    %slice3A_327 = vector.extract_strided_slice %add3A_326 {offsets = [0, 0], sizes = [512, 128], strides = [1, 1]} : vector<512x256xf32> to vector<512x128xf32>
    %slice3A_328 = vector.extract_strided_slice %add3A_326 {offsets = [0, 128], sizes = [512, 128], strides = [1, 1]} : vector<512x256xf32> to vector<512x128xf32>
    %add3A_329 = arith.addf %slice3A_327, %slice3A_328 : vector<512x128xf32>
    %slice3A_330 = vector.extract_strided_slice %add3A_329 {offsets = [0, 0], sizes = [512, 64], strides = [1, 1]} : vector<512x128xf32> to vector<512x64xf32>
    %slice3A_331 = vector.extract_strided_slice %add3A_329 {offsets = [0, 64], sizes = [512, 64], strides = [1, 1]} : vector<512x128xf32> to vector<512x64xf32>
    %add3A_332 = arith.addf %slice3A_330, %slice3A_331 : vector<512x64xf32>
    %slice3A_333 = vector.extract_strided_slice %add3A_332 {offsets = [0, 0], sizes = [512, 32], strides = [1, 1]} : vector<512x64xf32> to vector<512x32xf32>
    %slice3A_334 = vector.extract_strided_slice %add3A_332 {offsets = [0, 32], sizes = [512, 32], strides = [1, 1]} : vector<512x64xf32> to vector<512x32xf32>
    %add3A_335 = arith.addf %slice3A_333, %slice3A_334 : vector<512x32xf32>
    %slice3A_336 = vector.extract_strided_slice %get3A_72 {offsets = [0, 0], sizes = [512, 1], strides = [1, 1]} : vector<512x27xf32> to vector<512x1xf32>
    %mul3A_337 = vector.broadcast %slice3A_336 : vector<512x1xf32> to vector<512x32xf32>
    %mul3A_338 = arith.mulf %mul3A_337, %add3A_223 : vector<512x32xf32>
    %add3A_339 = arith.addf %add3A_130, %mul3A_338 : vector<512x32xf32>
    %slice3A_340 = vector.extract_strided_slice %get3A_72 {offsets = [0, 3], sizes = [512, 1], strides = [1, 1]} : vector<512x27xf32> to vector<512x1xf32>
    %mul3A_341 = vector.broadcast %slice3A_340 : vector<512x1xf32> to vector<512x32xf32>
    %mul3A_342 = arith.mulf %mul3A_341, %add3A_237 : vector<512x32xf32>
    %add3A_343 = arith.addf %add3A_339, %mul3A_342 : vector<512x32xf32>
    %slice3A_344 = vector.extract_strided_slice %get3A_72 {offsets = [0, 6], sizes = [512, 1], strides = [1, 1]} : vector<512x27xf32> to vector<512x1xf32>
    %mul3A_345 = vector.broadcast %slice3A_344 : vector<512x1xf32> to vector<512x32xf32>
    %mul3A_346 = arith.mulf %mul3A_345, %add3A_251 : vector<512x32xf32>
    %add3A_347 = arith.addf %add3A_343, %mul3A_346 : vector<512x32xf32>
    %slice3A_348 = vector.extract_strided_slice %get3A_72 {offsets = [0, 1], sizes = [512, 1], strides = [1, 1]} : vector<512x27xf32> to vector<512x1xf32>
    %mul3A_349 = vector.broadcast %slice3A_348 : vector<512x1xf32> to vector<512x32xf32>
    %mul3A_350 = arith.mulf %mul3A_349, %add3A_265 : vector<512x32xf32>
    %add3A_351 = arith.addf %add3A_347, %mul3A_350 : vector<512x32xf32>
    %slice3A_352 = vector.extract_strided_slice %get3A_72 {offsets = [0, 4], sizes = [512, 1], strides = [1, 1]} : vector<512x27xf32> to vector<512x1xf32>
    %mul3A_353 = vector.broadcast %slice3A_352 : vector<512x1xf32> to vector<512x32xf32>
    %mul3A_354 = arith.mulf %mul3A_353, %add3A_279 : vector<512x32xf32>
    %add3A_355 = arith.addf %add3A_351, %mul3A_354 : vector<512x32xf32>
    %slice3A_356 = vector.extract_strided_slice %get3A_72 {offsets = [0, 7], sizes = [512, 1], strides = [1, 1]} : vector<512x27xf32> to vector<512x1xf32>
    %mul3A_357 = vector.broadcast %slice3A_356 : vector<512x1xf32> to vector<512x32xf32>
    %mul3A_358 = arith.mulf %mul3A_357, %add3A_293 : vector<512x32xf32>
    %add3A_359 = arith.addf %add3A_355, %mul3A_358 : vector<512x32xf32>
    %slice3A_360 = vector.extract_strided_slice %get3A_72 {offsets = [0, 2], sizes = [512, 1], strides = [1, 1]} : vector<512x27xf32> to vector<512x1xf32>
    %mul3A_361 = vector.broadcast %slice3A_360 : vector<512x1xf32> to vector<512x32xf32>
    %mul3A_362 = arith.mulf %mul3A_361, %add3A_307 : vector<512x32xf32>
    %add3A_363 = arith.addf %add3A_359, %mul3A_362 : vector<512x32xf32>
    %slice3A_364 = vector.extract_strided_slice %get3A_72 {offsets = [0, 5], sizes = [512, 1], strides = [1, 1]} : vector<512x27xf32> to vector<512x1xf32>
    %mul3A_365 = vector.broadcast %slice3A_364 : vector<512x1xf32> to vector<512x32xf32>
    %mul3A_366 = arith.mulf %mul3A_365, %add3A_321 : vector<512x32xf32>
    %add3A_367 = arith.addf %add3A_363, %mul3A_366 : vector<512x32xf32>
    %slice3A_368 = vector.extract_strided_slice %get3A_72 {offsets = [0, 8], sizes = [512, 1], strides = [1, 1]} : vector<512x27xf32> to vector<512x1xf32>
    %mul3A_369 = vector.broadcast %slice3A_368 : vector<512x1xf32> to vector<512x32xf32>
    %mul3A_370 = arith.mulf %mul3A_369, %add3A_335 : vector<512x32xf32>
    %add3A_371 = arith.addf %add3A_367, %mul3A_370 : vector<512x32xf32>
    %slice3A_372 = vector.extract_strided_slice %get3A_72 {offsets = [0, 9], sizes = [512, 1], strides = [1, 1]} : vector<512x27xf32> to vector<512x1xf32>
    %mul3A_373 = vector.broadcast %slice3A_372 : vector<512x1xf32> to vector<512x32xf32>
    %mul3A_374 = arith.mulf %mul3A_373, %add3A_223 : vector<512x32xf32>
    %add3A_375 = arith.addf %add3A_134, %mul3A_374 : vector<512x32xf32>
    %slice3A_376 = vector.extract_strided_slice %get3A_72 {offsets = [0, 12], sizes = [512, 1], strides = [1, 1]} : vector<512x27xf32> to vector<512x1xf32>
    %mul3A_377 = vector.broadcast %slice3A_376 : vector<512x1xf32> to vector<512x32xf32>
    %mul3A_378 = arith.mulf %mul3A_377, %add3A_237 : vector<512x32xf32>
    %add3A_379 = arith.addf %add3A_375, %mul3A_378 : vector<512x32xf32>
    %slice3A_380 = vector.extract_strided_slice %get3A_72 {offsets = [0, 15], sizes = [512, 1], strides = [1, 1]} : vector<512x27xf32> to vector<512x1xf32>
    %mul3A_381 = vector.broadcast %slice3A_380 : vector<512x1xf32> to vector<512x32xf32>
    %mul3A_382 = arith.mulf %mul3A_381, %add3A_251 : vector<512x32xf32>
    %add3A_383 = arith.addf %add3A_379, %mul3A_382 : vector<512x32xf32>
    %slice3A_384 = vector.extract_strided_slice %get3A_72 {offsets = [0, 10], sizes = [512, 1], strides = [1, 1]} : vector<512x27xf32> to vector<512x1xf32>
    %mul3A_385 = vector.broadcast %slice3A_384 : vector<512x1xf32> to vector<512x32xf32>
    %mul3A_386 = arith.mulf %mul3A_385, %add3A_265 : vector<512x32xf32>
    %add3A_387 = arith.addf %add3A_383, %mul3A_386 : vector<512x32xf32>
    %slice3A_388 = vector.extract_strided_slice %get3A_72 {offsets = [0, 13], sizes = [512, 1], strides = [1, 1]} : vector<512x27xf32> to vector<512x1xf32>
    %mul3A_389 = vector.broadcast %slice3A_388 : vector<512x1xf32> to vector<512x32xf32>
    %mul3A_390 = arith.mulf %mul3A_389, %add3A_279 : vector<512x32xf32>
    %add3A_391 = arith.addf %add3A_387, %mul3A_390 : vector<512x32xf32>
    %slice3A_392 = vector.extract_strided_slice %get3A_72 {offsets = [0, 16], sizes = [512, 1], strides = [1, 1]} : vector<512x27xf32> to vector<512x1xf32>
    %mul3A_393 = vector.broadcast %slice3A_392 : vector<512x1xf32> to vector<512x32xf32>
    %mul3A_394 = arith.mulf %mul3A_393, %add3A_293 : vector<512x32xf32>
    %add3A_395 = arith.addf %add3A_391, %mul3A_394 : vector<512x32xf32>
    %slice3A_396 = vector.extract_strided_slice %get3A_72 {offsets = [0, 11], sizes = [512, 1], strides = [1, 1]} : vector<512x27xf32> to vector<512x1xf32>
    %mul3A_397 = vector.broadcast %slice3A_396 : vector<512x1xf32> to vector<512x32xf32>
    %mul3A_398 = arith.mulf %mul3A_397, %add3A_307 : vector<512x32xf32>
    %add3A_399 = arith.addf %add3A_395, %mul3A_398 : vector<512x32xf32>
    %slice3A_400 = vector.extract_strided_slice %get3A_72 {offsets = [0, 14], sizes = [512, 1], strides = [1, 1]} : vector<512x27xf32> to vector<512x1xf32>
    %mul3A_401 = vector.broadcast %slice3A_400 : vector<512x1xf32> to vector<512x32xf32>
    %mul3A_402 = arith.mulf %mul3A_401, %add3A_321 : vector<512x32xf32>
    %add3A_403 = arith.addf %add3A_399, %mul3A_402 : vector<512x32xf32>
    %slice3A_404 = vector.extract_strided_slice %get3A_72 {offsets = [0, 17], sizes = [512, 1], strides = [1, 1]} : vector<512x27xf32> to vector<512x1xf32>
    %mul3A_405 = vector.broadcast %slice3A_404 : vector<512x1xf32> to vector<512x32xf32>
    %mul3A_406 = arith.mulf %mul3A_405, %add3A_335 : vector<512x32xf32>
    %add3A_407 = arith.addf %add3A_403, %mul3A_406 : vector<512x32xf32>
    %slice3A_408 = vector.extract_strided_slice %get3A_72 {offsets = [0, 18], sizes = [512, 1], strides = [1, 1]} : vector<512x27xf32> to vector<512x1xf32>
    %mul3A_409 = vector.broadcast %slice3A_408 : vector<512x1xf32> to vector<512x32xf32>
    %mul3A_410 = arith.mulf %mul3A_409, %add3A_223 : vector<512x32xf32>
    %add3A_411 = arith.addf %add3A_138, %mul3A_410 : vector<512x32xf32>
    %slice3A_412 = vector.extract_strided_slice %get3A_72 {offsets = [0, 21], sizes = [512, 1], strides = [1, 1]} : vector<512x27xf32> to vector<512x1xf32>
    %mul3A_413 = vector.broadcast %slice3A_412 : vector<512x1xf32> to vector<512x32xf32>
    %mul3A_414 = arith.mulf %mul3A_413, %add3A_237 : vector<512x32xf32>
    %add3A_415 = arith.addf %add3A_411, %mul3A_414 : vector<512x32xf32>
    %slice3A_416 = vector.extract_strided_slice %get3A_72 {offsets = [0, 24], sizes = [512, 1], strides = [1, 1]} : vector<512x27xf32> to vector<512x1xf32>
    %mul3A_417 = vector.broadcast %slice3A_416 : vector<512x1xf32> to vector<512x32xf32>
    %mul3A_418 = arith.mulf %mul3A_417, %add3A_251 : vector<512x32xf32>
    %add3A_419 = arith.addf %add3A_415, %mul3A_418 : vector<512x32xf32>
    %slice3A_420 = vector.extract_strided_slice %get3A_72 {offsets = [0, 19], sizes = [512, 1], strides = [1, 1]} : vector<512x27xf32> to vector<512x1xf32>
    %mul3A_421 = vector.broadcast %slice3A_420 : vector<512x1xf32> to vector<512x32xf32>
    %mul3A_422 = arith.mulf %mul3A_421, %add3A_265 : vector<512x32xf32>
    %add3A_423 = arith.addf %add3A_419, %mul3A_422 : vector<512x32xf32>
    %slice3A_424 = vector.extract_strided_slice %get3A_72 {offsets = [0, 22], sizes = [512, 1], strides = [1, 1]} : vector<512x27xf32> to vector<512x1xf32>
    %mul3A_425 = vector.broadcast %slice3A_424 : vector<512x1xf32> to vector<512x32xf32>
    %mul3A_426 = arith.mulf %mul3A_425, %add3A_279 : vector<512x32xf32>
    %add3A_427 = arith.addf %add3A_423, %mul3A_426 : vector<512x32xf32>
    %slice3A_428 = vector.extract_strided_slice %get3A_72 {offsets = [0, 25], sizes = [512, 1], strides = [1, 1]} : vector<512x27xf32> to vector<512x1xf32>
    %mul3A_429 = vector.broadcast %slice3A_428 : vector<512x1xf32> to vector<512x32xf32>
    %mul3A_430 = arith.mulf %mul3A_429, %add3A_293 : vector<512x32xf32>
    %add3A_431 = arith.addf %add3A_427, %mul3A_430 : vector<512x32xf32>
    %slice3A_432 = vector.extract_strided_slice %get3A_72 {offsets = [0, 20], sizes = [512, 1], strides = [1, 1]} : vector<512x27xf32> to vector<512x1xf32>
    %mul3A_433 = vector.broadcast %slice3A_432 : vector<512x1xf32> to vector<512x32xf32>
    %mul3A_434 = arith.mulf %mul3A_433, %add3A_307 : vector<512x32xf32>
    %add3A_435 = arith.addf %add3A_431, %mul3A_434 : vector<512x32xf32>
    %slice3A_436 = vector.extract_strided_slice %get3A_72 {offsets = [0, 23], sizes = [512, 1], strides = [1, 1]} : vector<512x27xf32> to vector<512x1xf32>
    %mul3A_437 = vector.broadcast %slice3A_436 : vector<512x1xf32> to vector<512x32xf32>
    %mul3A_438 = arith.mulf %mul3A_437, %add3A_321 : vector<512x32xf32>
    %add3A_439 = arith.addf %add3A_435, %mul3A_438 : vector<512x32xf32>
    %slice3A_440 = vector.extract_strided_slice %get3A_72 {offsets = [0, 26], sizes = [512, 1], strides = [1, 1]} : vector<512x27xf32> to vector<512x1xf32>
    %mul3A_441 = vector.broadcast %slice3A_440 : vector<512x1xf32> to vector<512x32xf32>
    %mul3A_442 = arith.mulf %mul3A_441, %add3A_335 : vector<512x32xf32>
    %add3A_443 = arith.addf %add3A_439, %mul3A_442 : vector<512x32xf32>
    %broadcast_in_dim3A_444 = arith.constant 0.000000e+00 : f32
    %broadcast_in_dim3A_445 = vector.broadcast %broadcast_in_dim3A_444 : f32 to vector<512x32xf32>
    %broadcast_in_dim3A_446 = arith.constant 0.000000e+00 : f32
    %broadcast_in_dim3A_447 = vector.broadcast %broadcast_in_dim3A_446 : f32 to vector<512x32xf32>
    %broadcast_in_dim3A_448 = arith.constant 0.000000e+00 : f32
    %broadcast_in_dim3A_449 = vector.broadcast %broadcast_in_dim3A_448 : f32 to vector<512x32xf32>
    %broadcast_in_dim3A_450 = arith.constant 0.000000e+00 : f32
    %broadcast_in_dim3A_451 = vector.broadcast %broadcast_in_dim3A_450 : f32 to vector<512x32xf32>
    %get3A_452 = arith.constant 0 : index
    %get3A_453 = arith.constant 3072 : index
    %get3A_454 = vector.load %arg11[%get3A_452, %get3A_453] : memref<128x6144xbf16, #tpu.memory_space<vmem>>, vector<128x512xbf16>
    %get3A_455 = arith.constant 0 : index
    %get3A_456 = arith.constant 3072 : index
    %get3A_457 = vector.load %arg12[%get3A_455, %get3A_456] : memref<1x6144xf32, #tpu.memory_space<vmem>>, vector<1x512xf32>
    %dot_general3A_458 = arith.constant dense<0.000000e+00> : vector<512x512xf32>
    %dot_general3A_459 = tpu.matmul %get3A_19, %get3A_454, %dot_general3A_458 {dimension_numbers = #tpu.dot_dimension_numbers<[1], [0], [0], [1], [0, 0, 1, 1], [], []>, transpose_lhs_hint = false} : vector<512x128xbf16>, vector<128x512xbf16>, vector<512x512xf32> -> vector<512x512xf32>
    %add3A_460 = vector.broadcast %get3A_457 : vector<1x512xf32> to vector<512x512xf32>
    %add3A_461 = arith.addf %dot_general3A_459, %add3A_460 : vector<512x512xf32>
    %mul3A_462 = arith.mulf %add3A_461, %dot_general3A_54 : vector<512x512xf32>
    %slice3A_463 = vector.extract_strided_slice %mul3A_462 {offsets = [0, 0], sizes = [512, 256], strides = [1, 1]} : vector<512x512xf32> to vector<512x256xf32>
    %slice3A_464 = vector.extract_strided_slice %mul3A_462 {offsets = [0, 256], sizes = [512, 256], strides = [1, 1]} : vector<512x512xf32> to vector<512x256xf32>
    %add3A_465 = arith.addf %slice3A_463, %slice3A_464 : vector<512x256xf32>
    %slice3A_466 = vector.extract_strided_slice %add3A_465 {offsets = [0, 0], sizes = [512, 128], strides = [1, 1]} : vector<512x256xf32> to vector<512x128xf32>
    %slice3A_467 = vector.extract_strided_slice %add3A_465 {offsets = [0, 128], sizes = [512, 128], strides = [1, 1]} : vector<512x256xf32> to vector<512x128xf32>
    %add3A_468 = arith.addf %slice3A_466, %slice3A_467 : vector<512x128xf32>
    %slice3A_469 = vector.extract_strided_slice %add3A_468 {offsets = [0, 0], sizes = [512, 64], strides = [1, 1]} : vector<512x128xf32> to vector<512x64xf32>
    %slice3A_470 = vector.extract_strided_slice %add3A_468 {offsets = [0, 64], sizes = [512, 64], strides = [1, 1]} : vector<512x128xf32> to vector<512x64xf32>
    %add3A_471 = arith.addf %slice3A_469, %slice3A_470 : vector<512x64xf32>
    %slice3A_472 = vector.extract_strided_slice %add3A_471 {offsets = [0, 0], sizes = [512, 32], strides = [1, 1]} : vector<512x64xf32> to vector<512x32xf32>
    %slice3A_473 = vector.extract_strided_slice %add3A_471 {offsets = [0, 32], sizes = [512, 32], strides = [1, 1]} : vector<512x64xf32> to vector<512x32xf32>
    %add3A_474 = arith.addf %slice3A_472, %slice3A_473 : vector<512x32xf32>
    %mul3A_475 = vector.broadcast %get3A_63 : vector<512x1xf32> to vector<512x32xf32>
    %mul3A_476 = arith.mulf %mul3A_475, %add3A_474 : vector<512x32xf32>
    %add3A_477 = arith.addf %broadcast_in_dim3A_445, %mul3A_476 : vector<512x32xf32>
    %get3A_478 = arith.constant 0 : index
    %get3A_479 = arith.constant 3584 : index
    %get3A_480 = vector.load %arg11[%get3A_478, %get3A_479] : memref<128x6144xbf16, #tpu.memory_space<vmem>>, vector<128x512xbf16>
    %get3A_481 = arith.constant 0 : index
    %get3A_482 = arith.constant 3584 : index
    %get3A_483 = vector.load %arg12[%get3A_481, %get3A_482] : memref<1x6144xf32, #tpu.memory_space<vmem>>, vector<1x512xf32>
    %dot_general3A_484 = arith.constant dense<0.000000e+00> : vector<512x512xf32>
    %dot_general3A_485 = tpu.matmul %get3A_22, %get3A_480, %dot_general3A_484 {dimension_numbers = #tpu.dot_dimension_numbers<[1], [0], [0], [1], [0, 0, 1, 1], [], []>, transpose_lhs_hint = false} : vector<512x128xbf16>, vector<128x512xbf16>, vector<512x512xf32> -> vector<512x512xf32>
    %add3A_486 = vector.broadcast %get3A_483 : vector<1x512xf32> to vector<512x512xf32>
    %add3A_487 = arith.addf %dot_general3A_485, %add3A_486 : vector<512x512xf32>
    %mul3A_488 = arith.mulf %add3A_487, %dot_general3A_54 : vector<512x512xf32>
    %slice3A_489 = vector.extract_strided_slice %mul3A_488 {offsets = [0, 0], sizes = [512, 256], strides = [1, 1]} : vector<512x512xf32> to vector<512x256xf32>
    %slice3A_490 = vector.extract_strided_slice %mul3A_488 {offsets = [0, 256], sizes = [512, 256], strides = [1, 1]} : vector<512x512xf32> to vector<512x256xf32>
    %add3A_491 = arith.addf %slice3A_489, %slice3A_490 : vector<512x256xf32>
    %slice3A_492 = vector.extract_strided_slice %add3A_491 {offsets = [0, 0], sizes = [512, 128], strides = [1, 1]} : vector<512x256xf32> to vector<512x128xf32>
    %slice3A_493 = vector.extract_strided_slice %add3A_491 {offsets = [0, 128], sizes = [512, 128], strides = [1, 1]} : vector<512x256xf32> to vector<512x128xf32>
    %add3A_494 = arith.addf %slice3A_492, %slice3A_493 : vector<512x128xf32>
    %slice3A_495 = vector.extract_strided_slice %add3A_494 {offsets = [0, 0], sizes = [512, 64], strides = [1, 1]} : vector<512x128xf32> to vector<512x64xf32>
    %slice3A_496 = vector.extract_strided_slice %add3A_494 {offsets = [0, 64], sizes = [512, 64], strides = [1, 1]} : vector<512x128xf32> to vector<512x64xf32>
    %add3A_497 = arith.addf %slice3A_495, %slice3A_496 : vector<512x64xf32>
    %slice3A_498 = vector.extract_strided_slice %add3A_497 {offsets = [0, 0], sizes = [512, 32], strides = [1, 1]} : vector<512x64xf32> to vector<512x32xf32>
    %slice3A_499 = vector.extract_strided_slice %add3A_497 {offsets = [0, 32], sizes = [512, 32], strides = [1, 1]} : vector<512x64xf32> to vector<512x32xf32>
    %add3A_500 = arith.addf %slice3A_498, %slice3A_499 : vector<512x32xf32>
    %slice3A_501 = vector.extract_strided_slice %get3A_66 {offsets = [0, 0], sizes = [512, 1], strides = [1, 1]} : vector<512x3xf32> to vector<512x1xf32>
    %mul3A_502 = vector.broadcast %slice3A_501 : vector<512x1xf32> to vector<512x32xf32>
    %mul3A_503 = arith.mulf %mul3A_502, %add3A_500 : vector<512x32xf32>
    %add3A_504 = arith.addf %broadcast_in_dim3A_447, %mul3A_503 : vector<512x32xf32>
    %slice3A_505 = vector.extract_strided_slice %get3A_66 {offsets = [0, 1], sizes = [512, 1], strides = [1, 1]} : vector<512x3xf32> to vector<512x1xf32>
    %mul3A_506 = vector.broadcast %slice3A_505 : vector<512x1xf32> to vector<512x32xf32>
    %mul3A_507 = arith.mulf %mul3A_506, %add3A_500 : vector<512x32xf32>
    %add3A_508 = arith.addf %broadcast_in_dim3A_449, %mul3A_507 : vector<512x32xf32>
    %slice3A_509 = vector.extract_strided_slice %get3A_66 {offsets = [0, 2], sizes = [512, 1], strides = [1, 1]} : vector<512x3xf32> to vector<512x1xf32>
    %mul3A_510 = vector.broadcast %slice3A_509 : vector<512x1xf32> to vector<512x32xf32>
    %mul3A_511 = arith.mulf %mul3A_510, %add3A_500 : vector<512x32xf32>
    %add3A_512 = arith.addf %broadcast_in_dim3A_451, %mul3A_511 : vector<512x32xf32>
    %get3A_513 = arith.constant 0 : index
    %get3A_514 = arith.constant 4096 : index
    %get3A_515 = vector.load %arg11[%get3A_513, %get3A_514] : memref<128x6144xbf16, #tpu.memory_space<vmem>>, vector<128x512xbf16>
    %get3A_516 = arith.constant 0 : index
    %get3A_517 = arith.constant 4096 : index
    %get3A_518 = vector.load %arg12[%get3A_516, %get3A_517] : memref<1x6144xf32, #tpu.memory_space<vmem>>, vector<1x512xf32>
    %dot_general3A_519 = arith.constant dense<0.000000e+00> : vector<512x512xf32>
    %dot_general3A_520 = tpu.matmul %get3A_25, %get3A_515, %dot_general3A_519 {dimension_numbers = #tpu.dot_dimension_numbers<[1], [0], [0], [1], [0, 0, 1, 1], [], []>, transpose_lhs_hint = false} : vector<512x128xbf16>, vector<128x512xbf16>, vector<512x512xf32> -> vector<512x512xf32>
    %add3A_521 = vector.broadcast %get3A_518 : vector<1x512xf32> to vector<512x512xf32>
    %add3A_522 = arith.addf %dot_general3A_520, %add3A_521 : vector<512x512xf32>
    %slice3A_523 = vector.extract_strided_slice %get3A_69 {offsets = [0, 0], sizes = [512, 1], strides = [1, 1]} : vector<512x3xf32> to vector<512x1xf32>
    %mul3A_524 = arith.mulf %add3A_522, %dot_general3A_56 : vector<512x512xf32>
    %slice3A_525 = vector.extract_strided_slice %mul3A_524 {offsets = [0, 0], sizes = [512, 256], strides = [1, 1]} : vector<512x512xf32> to vector<512x256xf32>
    %slice3A_526 = vector.extract_strided_slice %mul3A_524 {offsets = [0, 256], sizes = [512, 256], strides = [1, 1]} : vector<512x512xf32> to vector<512x256xf32>
    %add3A_527 = arith.addf %slice3A_525, %slice3A_526 : vector<512x256xf32>
    %slice3A_528 = vector.extract_strided_slice %add3A_527 {offsets = [0, 0], sizes = [512, 128], strides = [1, 1]} : vector<512x256xf32> to vector<512x128xf32>
    %slice3A_529 = vector.extract_strided_slice %add3A_527 {offsets = [0, 128], sizes = [512, 128], strides = [1, 1]} : vector<512x256xf32> to vector<512x128xf32>
    %add3A_530 = arith.addf %slice3A_528, %slice3A_529 : vector<512x128xf32>
    %slice3A_531 = vector.extract_strided_slice %add3A_530 {offsets = [0, 0], sizes = [512, 64], strides = [1, 1]} : vector<512x128xf32> to vector<512x64xf32>
    %slice3A_532 = vector.extract_strided_slice %add3A_530 {offsets = [0, 64], sizes = [512, 64], strides = [1, 1]} : vector<512x128xf32> to vector<512x64xf32>
    %add3A_533 = arith.addf %slice3A_531, %slice3A_532 : vector<512x64xf32>
    %slice3A_534 = vector.extract_strided_slice %add3A_533 {offsets = [0, 0], sizes = [512, 32], strides = [1, 1]} : vector<512x64xf32> to vector<512x32xf32>
    %slice3A_535 = vector.extract_strided_slice %add3A_533 {offsets = [0, 32], sizes = [512, 32], strides = [1, 1]} : vector<512x64xf32> to vector<512x32xf32>
    %add3A_536 = arith.addf %slice3A_534, %slice3A_535 : vector<512x32xf32>
    %mul3A_537 = vector.broadcast %slice3A_523 : vector<512x1xf32> to vector<512x32xf32>
    %mul3A_538 = arith.mulf %mul3A_537, %add3A_536 : vector<512x32xf32>
    %add3A_539 = arith.addf %add3A_477, %mul3A_538 : vector<512x32xf32>
    %slice3A_540 = vector.extract_strided_slice %get3A_69 {offsets = [0, 1], sizes = [512, 1], strides = [1, 1]} : vector<512x3xf32> to vector<512x1xf32>
    %mul3A_541 = arith.mulf %add3A_522, %dot_general3A_58 : vector<512x512xf32>
    %slice3A_542 = vector.extract_strided_slice %mul3A_541 {offsets = [0, 0], sizes = [512, 256], strides = [1, 1]} : vector<512x512xf32> to vector<512x256xf32>
    %slice3A_543 = vector.extract_strided_slice %mul3A_541 {offsets = [0, 256], sizes = [512, 256], strides = [1, 1]} : vector<512x512xf32> to vector<512x256xf32>
    %add3A_544 = arith.addf %slice3A_542, %slice3A_543 : vector<512x256xf32>
    %slice3A_545 = vector.extract_strided_slice %add3A_544 {offsets = [0, 0], sizes = [512, 128], strides = [1, 1]} : vector<512x256xf32> to vector<512x128xf32>
    %slice3A_546 = vector.extract_strided_slice %add3A_544 {offsets = [0, 128], sizes = [512, 128], strides = [1, 1]} : vector<512x256xf32> to vector<512x128xf32>
    %add3A_547 = arith.addf %slice3A_545, %slice3A_546 : vector<512x128xf32>
    %slice3A_548 = vector.extract_strided_slice %add3A_547 {offsets = [0, 0], sizes = [512, 64], strides = [1, 1]} : vector<512x128xf32> to vector<512x64xf32>
    %slice3A_549 = vector.extract_strided_slice %add3A_547 {offsets = [0, 64], sizes = [512, 64], strides = [1, 1]} : vector<512x128xf32> to vector<512x64xf32>
    %add3A_550 = arith.addf %slice3A_548, %slice3A_549 : vector<512x64xf32>
    %slice3A_551 = vector.extract_strided_slice %add3A_550 {offsets = [0, 0], sizes = [512, 32], strides = [1, 1]} : vector<512x64xf32> to vector<512x32xf32>
    %slice3A_552 = vector.extract_strided_slice %add3A_550 {offsets = [0, 32], sizes = [512, 32], strides = [1, 1]} : vector<512x64xf32> to vector<512x32xf32>
    %add3A_553 = arith.addf %slice3A_551, %slice3A_552 : vector<512x32xf32>
    %mul3A_554 = vector.broadcast %slice3A_540 : vector<512x1xf32> to vector<512x32xf32>
    %mul3A_555 = arith.mulf %mul3A_554, %add3A_553 : vector<512x32xf32>
    %add3A_556 = arith.addf %add3A_539, %mul3A_555 : vector<512x32xf32>
    %slice3A_557 = vector.extract_strided_slice %get3A_69 {offsets = [0, 2], sizes = [512, 1], strides = [1, 1]} : vector<512x3xf32> to vector<512x1xf32>
    %mul3A_558 = arith.mulf %add3A_522, %dot_general3A_60 : vector<512x512xf32>
    %slice3A_559 = vector.extract_strided_slice %mul3A_558 {offsets = [0, 0], sizes = [512, 256], strides = [1, 1]} : vector<512x512xf32> to vector<512x256xf32>
    %slice3A_560 = vector.extract_strided_slice %mul3A_558 {offsets = [0, 256], sizes = [512, 256], strides = [1, 1]} : vector<512x512xf32> to vector<512x256xf32>
    %add3A_561 = arith.addf %slice3A_559, %slice3A_560 : vector<512x256xf32>
    %slice3A_562 = vector.extract_strided_slice %add3A_561 {offsets = [0, 0], sizes = [512, 128], strides = [1, 1]} : vector<512x256xf32> to vector<512x128xf32>
    %slice3A_563 = vector.extract_strided_slice %add3A_561 {offsets = [0, 128], sizes = [512, 128], strides = [1, 1]} : vector<512x256xf32> to vector<512x128xf32>
    %add3A_564 = arith.addf %slice3A_562, %slice3A_563 : vector<512x128xf32>
    %slice3A_565 = vector.extract_strided_slice %add3A_564 {offsets = [0, 0], sizes = [512, 64], strides = [1, 1]} : vector<512x128xf32> to vector<512x64xf32>
    %slice3A_566 = vector.extract_strided_slice %add3A_564 {offsets = [0, 64], sizes = [512, 64], strides = [1, 1]} : vector<512x128xf32> to vector<512x64xf32>
    %add3A_567 = arith.addf %slice3A_565, %slice3A_566 : vector<512x64xf32>
    %slice3A_568 = vector.extract_strided_slice %add3A_567 {offsets = [0, 0], sizes = [512, 32], strides = [1, 1]} : vector<512x64xf32> to vector<512x32xf32>
    %slice3A_569 = vector.extract_strided_slice %add3A_567 {offsets = [0, 32], sizes = [512, 32], strides = [1, 1]} : vector<512x64xf32> to vector<512x32xf32>
    %add3A_570 = arith.addf %slice3A_568, %slice3A_569 : vector<512x32xf32>
    %mul3A_571 = vector.broadcast %slice3A_557 : vector<512x1xf32> to vector<512x32xf32>
    %mul3A_572 = arith.mulf %mul3A_571, %add3A_570 : vector<512x32xf32>
    %add3A_573 = arith.addf %add3A_556, %mul3A_572 : vector<512x32xf32>
    %get3A_574 = arith.constant 0 : index
    %get3A_575 = arith.constant 4608 : index
    %get3A_576 = vector.load %arg11[%get3A_574, %get3A_575] : memref<128x6144xbf16, #tpu.memory_space<vmem>>, vector<128x1536xbf16>
    %get3A_577 = arith.constant 0 : index
    %get3A_578 = arith.constant 4608 : index
    %get3A_579 = vector.load %arg12[%get3A_577, %get3A_578] : memref<1x6144xf32, #tpu.memory_space<vmem>>, vector<1x1536xf32>
    %dot_general3A_580 = arith.constant dense<0.000000e+00> : vector<512x1536xf32>
    %dot_general3A_581 = tpu.matmul %get3A_28, %get3A_576, %dot_general3A_580 {dimension_numbers = #tpu.dot_dimension_numbers<[1], [0], [0], [1], [0, 0, 1, 1], [], []>, transpose_lhs_hint = false} : vector<512x128xbf16>, vector<128x1536xbf16>, vector<512x1536xf32> -> vector<512x1536xf32>
    %add3A_582 = vector.broadcast %get3A_579 : vector<1x1536xf32> to vector<512x1536xf32>
    %add3A_583 = arith.addf %dot_general3A_581, %add3A_582 : vector<512x1536xf32>
    %slice3A_584 = vector.extract_strided_slice %add3A_583 {offsets = [0, 0], sizes = [512, 512], strides = [1, 1]} : vector<512x1536xf32> to vector<512x512xf32>
    %mul3A_585 = arith.mulf %slice3A_584, %dot_general3A_56 : vector<512x512xf32>
    %slice3A_586 = vector.extract_strided_slice %mul3A_585 {offsets = [0, 0], sizes = [512, 256], strides = [1, 1]} : vector<512x512xf32> to vector<512x256xf32>
    %slice3A_587 = vector.extract_strided_slice %mul3A_585 {offsets = [0, 256], sizes = [512, 256], strides = [1, 1]} : vector<512x512xf32> to vector<512x256xf32>
    %add3A_588 = arith.addf %slice3A_586, %slice3A_587 : vector<512x256xf32>
    %slice3A_589 = vector.extract_strided_slice %add3A_588 {offsets = [0, 0], sizes = [512, 128], strides = [1, 1]} : vector<512x256xf32> to vector<512x128xf32>
    %slice3A_590 = vector.extract_strided_slice %add3A_588 {offsets = [0, 128], sizes = [512, 128], strides = [1, 1]} : vector<512x256xf32> to vector<512x128xf32>
    %add3A_591 = arith.addf %slice3A_589, %slice3A_590 : vector<512x128xf32>
    %slice3A_592 = vector.extract_strided_slice %add3A_591 {offsets = [0, 0], sizes = [512, 64], strides = [1, 1]} : vector<512x128xf32> to vector<512x64xf32>
    %slice3A_593 = vector.extract_strided_slice %add3A_591 {offsets = [0, 64], sizes = [512, 64], strides = [1, 1]} : vector<512x128xf32> to vector<512x64xf32>
    %add3A_594 = arith.addf %slice3A_592, %slice3A_593 : vector<512x64xf32>
    %slice3A_595 = vector.extract_strided_slice %add3A_594 {offsets = [0, 0], sizes = [512, 32], strides = [1, 1]} : vector<512x64xf32> to vector<512x32xf32>
    %slice3A_596 = vector.extract_strided_slice %add3A_594 {offsets = [0, 32], sizes = [512, 32], strides = [1, 1]} : vector<512x64xf32> to vector<512x32xf32>
    %add3A_597 = arith.addf %slice3A_595, %slice3A_596 : vector<512x32xf32>
    %slice3A_598 = vector.extract_strided_slice %add3A_583 {offsets = [0, 0], sizes = [512, 512], strides = [1, 1]} : vector<512x1536xf32> to vector<512x512xf32>
    %mul3A_599 = arith.mulf %slice3A_598, %dot_general3A_58 : vector<512x512xf32>
    %slice3A_600 = vector.extract_strided_slice %mul3A_599 {offsets = [0, 0], sizes = [512, 256], strides = [1, 1]} : vector<512x512xf32> to vector<512x256xf32>
    %slice3A_601 = vector.extract_strided_slice %mul3A_599 {offsets = [0, 256], sizes = [512, 256], strides = [1, 1]} : vector<512x512xf32> to vector<512x256xf32>
    %add3A_602 = arith.addf %slice3A_600, %slice3A_601 : vector<512x256xf32>
    %slice3A_603 = vector.extract_strided_slice %add3A_602 {offsets = [0, 0], sizes = [512, 128], strides = [1, 1]} : vector<512x256xf32> to vector<512x128xf32>
    %slice3A_604 = vector.extract_strided_slice %add3A_602 {offsets = [0, 128], sizes = [512, 128], strides = [1, 1]} : vector<512x256xf32> to vector<512x128xf32>
    %add3A_605 = arith.addf %slice3A_603, %slice3A_604 : vector<512x128xf32>
    %slice3A_606 = vector.extract_strided_slice %add3A_605 {offsets = [0, 0], sizes = [512, 64], strides = [1, 1]} : vector<512x128xf32> to vector<512x64xf32>
    %slice3A_607 = vector.extract_strided_slice %add3A_605 {offsets = [0, 64], sizes = [512, 64], strides = [1, 1]} : vector<512x128xf32> to vector<512x64xf32>
    %add3A_608 = arith.addf %slice3A_606, %slice3A_607 : vector<512x64xf32>
    %slice3A_609 = vector.extract_strided_slice %add3A_608 {offsets = [0, 0], sizes = [512, 32], strides = [1, 1]} : vector<512x64xf32> to vector<512x32xf32>
    %slice3A_610 = vector.extract_strided_slice %add3A_608 {offsets = [0, 32], sizes = [512, 32], strides = [1, 1]} : vector<512x64xf32> to vector<512x32xf32>
    %add3A_611 = arith.addf %slice3A_609, %slice3A_610 : vector<512x32xf32>
    %slice3A_612 = vector.extract_strided_slice %add3A_583 {offsets = [0, 0], sizes = [512, 512], strides = [1, 1]} : vector<512x1536xf32> to vector<512x512xf32>
    %mul3A_613 = arith.mulf %slice3A_612, %dot_general3A_60 : vector<512x512xf32>
    %slice3A_614 = vector.extract_strided_slice %mul3A_613 {offsets = [0, 0], sizes = [512, 256], strides = [1, 1]} : vector<512x512xf32> to vector<512x256xf32>
    %slice3A_615 = vector.extract_strided_slice %mul3A_613 {offsets = [0, 256], sizes = [512, 256], strides = [1, 1]} : vector<512x512xf32> to vector<512x256xf32>
    %add3A_616 = arith.addf %slice3A_614, %slice3A_615 : vector<512x256xf32>
    %slice3A_617 = vector.extract_strided_slice %add3A_616 {offsets = [0, 0], sizes = [512, 128], strides = [1, 1]} : vector<512x256xf32> to vector<512x128xf32>
    %slice3A_618 = vector.extract_strided_slice %add3A_616 {offsets = [0, 128], sizes = [512, 128], strides = [1, 1]} : vector<512x256xf32> to vector<512x128xf32>
    %add3A_619 = arith.addf %slice3A_617, %slice3A_618 : vector<512x128xf32>
    %slice3A_620 = vector.extract_strided_slice %add3A_619 {offsets = [0, 0], sizes = [512, 64], strides = [1, 1]} : vector<512x128xf32> to vector<512x64xf32>
    %slice3A_621 = vector.extract_strided_slice %add3A_619 {offsets = [0, 64], sizes = [512, 64], strides = [1, 1]} : vector<512x128xf32> to vector<512x64xf32>
    %add3A_622 = arith.addf %slice3A_620, %slice3A_621 : vector<512x64xf32>
    %slice3A_623 = vector.extract_strided_slice %add3A_622 {offsets = [0, 0], sizes = [512, 32], strides = [1, 1]} : vector<512x64xf32> to vector<512x32xf32>
    %slice3A_624 = vector.extract_strided_slice %add3A_622 {offsets = [0, 32], sizes = [512, 32], strides = [1, 1]} : vector<512x64xf32> to vector<512x32xf32>
    %add3A_625 = arith.addf %slice3A_623, %slice3A_624 : vector<512x32xf32>
    %slice3A_626 = vector.extract_strided_slice %add3A_583 {offsets = [0, 512], sizes = [512, 512], strides = [1, 1]} : vector<512x1536xf32> to vector<512x512xf32>
    %mul3A_627 = arith.mulf %slice3A_626, %dot_general3A_56 : vector<512x512xf32>
    %slice3A_628 = vector.extract_strided_slice %mul3A_627 {offsets = [0, 0], sizes = [512, 256], strides = [1, 1]} : vector<512x512xf32> to vector<512x256xf32>
    %slice3A_629 = vector.extract_strided_slice %mul3A_627 {offsets = [0, 256], sizes = [512, 256], strides = [1, 1]} : vector<512x512xf32> to vector<512x256xf32>
    %add3A_630 = arith.addf %slice3A_628, %slice3A_629 : vector<512x256xf32>
    %slice3A_631 = vector.extract_strided_slice %add3A_630 {offsets = [0, 0], sizes = [512, 128], strides = [1, 1]} : vector<512x256xf32> to vector<512x128xf32>
    %slice3A_632 = vector.extract_strided_slice %add3A_630 {offsets = [0, 128], sizes = [512, 128], strides = [1, 1]} : vector<512x256xf32> to vector<512x128xf32>
    %add3A_633 = arith.addf %slice3A_631, %slice3A_632 : vector<512x128xf32>
    %slice3A_634 = vector.extract_strided_slice %add3A_633 {offsets = [0, 0], sizes = [512, 64], strides = [1, 1]} : vector<512x128xf32> to vector<512x64xf32>
    %slice3A_635 = vector.extract_strided_slice %add3A_633 {offsets = [0, 64], sizes = [512, 64], strides = [1, 1]} : vector<512x128xf32> to vector<512x64xf32>
    %add3A_636 = arith.addf %slice3A_634, %slice3A_635 : vector<512x64xf32>
    %slice3A_637 = vector.extract_strided_slice %add3A_636 {offsets = [0, 0], sizes = [512, 32], strides = [1, 1]} : vector<512x64xf32> to vector<512x32xf32>
    %slice3A_638 = vector.extract_strided_slice %add3A_636 {offsets = [0, 32], sizes = [512, 32], strides = [1, 1]} : vector<512x64xf32> to vector<512x32xf32>
    %add3A_639 = arith.addf %slice3A_637, %slice3A_638 : vector<512x32xf32>
    %slice3A_640 = vector.extract_strided_slice %add3A_583 {offsets = [0, 512], sizes = [512, 512], strides = [1, 1]} : vector<512x1536xf32> to vector<512x512xf32>
    %mul3A_641 = arith.mulf %slice3A_640, %dot_general3A_58 : vector<512x512xf32>
    %slice3A_642 = vector.extract_strided_slice %mul3A_641 {offsets = [0, 0], sizes = [512, 256], strides = [1, 1]} : vector<512x512xf32> to vector<512x256xf32>
    %slice3A_643 = vector.extract_strided_slice %mul3A_641 {offsets = [0, 256], sizes = [512, 256], strides = [1, 1]} : vector<512x512xf32> to vector<512x256xf32>
    %add3A_644 = arith.addf %slice3A_642, %slice3A_643 : vector<512x256xf32>
    %slice3A_645 = vector.extract_strided_slice %add3A_644 {offsets = [0, 0], sizes = [512, 128], strides = [1, 1]} : vector<512x256xf32> to vector<512x128xf32>
    %slice3A_646 = vector.extract_strided_slice %add3A_644 {offsets = [0, 128], sizes = [512, 128], strides = [1, 1]} : vector<512x256xf32> to vector<512x128xf32>
    %add3A_647 = arith.addf %slice3A_645, %slice3A_646 : vector<512x128xf32>
    %slice3A_648 = vector.extract_strided_slice %add3A_647 {offsets = [0, 0], sizes = [512, 64], strides = [1, 1]} : vector<512x128xf32> to vector<512x64xf32>
    %slice3A_649 = vector.extract_strided_slice %add3A_647 {offsets = [0, 64], sizes = [512, 64], strides = [1, 1]} : vector<512x128xf32> to vector<512x64xf32>
    %add3A_650 = arith.addf %slice3A_648, %slice3A_649 : vector<512x64xf32>
    %slice3A_651 = vector.extract_strided_slice %add3A_650 {offsets = [0, 0], sizes = [512, 32], strides = [1, 1]} : vector<512x64xf32> to vector<512x32xf32>
    %slice3A_652 = vector.extract_strided_slice %add3A_650 {offsets = [0, 32], sizes = [512, 32], strides = [1, 1]} : vector<512x64xf32> to vector<512x32xf32>
    %add3A_653 = arith.addf %slice3A_651, %slice3A_652 : vector<512x32xf32>
    %slice3A_654 = vector.extract_strided_slice %add3A_583 {offsets = [0, 512], sizes = [512, 512], strides = [1, 1]} : vector<512x1536xf32> to vector<512x512xf32>
    %mul3A_655 = arith.mulf %slice3A_654, %dot_general3A_60 : vector<512x512xf32>
    %slice3A_656 = vector.extract_strided_slice %mul3A_655 {offsets = [0, 0], sizes = [512, 256], strides = [1, 1]} : vector<512x512xf32> to vector<512x256xf32>
    %slice3A_657 = vector.extract_strided_slice %mul3A_655 {offsets = [0, 256], sizes = [512, 256], strides = [1, 1]} : vector<512x512xf32> to vector<512x256xf32>
    %add3A_658 = arith.addf %slice3A_656, %slice3A_657 : vector<512x256xf32>
    %slice3A_659 = vector.extract_strided_slice %add3A_658 {offsets = [0, 0], sizes = [512, 128], strides = [1, 1]} : vector<512x256xf32> to vector<512x128xf32>
    %slice3A_660 = vector.extract_strided_slice %add3A_658 {offsets = [0, 128], sizes = [512, 128], strides = [1, 1]} : vector<512x256xf32> to vector<512x128xf32>
    %add3A_661 = arith.addf %slice3A_659, %slice3A_660 : vector<512x128xf32>
    %slice3A_662 = vector.extract_strided_slice %add3A_661 {offsets = [0, 0], sizes = [512, 64], strides = [1, 1]} : vector<512x128xf32> to vector<512x64xf32>
    %slice3A_663 = vector.extract_strided_slice %add3A_661 {offsets = [0, 64], sizes = [512, 64], strides = [1, 1]} : vector<512x128xf32> to vector<512x64xf32>
    %add3A_664 = arith.addf %slice3A_662, %slice3A_663 : vector<512x64xf32>
    %slice3A_665 = vector.extract_strided_slice %add3A_664 {offsets = [0, 0], sizes = [512, 32], strides = [1, 1]} : vector<512x64xf32> to vector<512x32xf32>
    %slice3A_666 = vector.extract_strided_slice %add3A_664 {offsets = [0, 32], sizes = [512, 32], strides = [1, 1]} : vector<512x64xf32> to vector<512x32xf32>
    %add3A_667 = arith.addf %slice3A_665, %slice3A_666 : vector<512x32xf32>
    %slice3A_668 = vector.extract_strided_slice %add3A_583 {offsets = [0, 1024], sizes = [512, 512], strides = [1, 1]} : vector<512x1536xf32> to vector<512x512xf32>
    %mul3A_669 = arith.mulf %slice3A_668, %dot_general3A_56 : vector<512x512xf32>
    %slice3A_670 = vector.extract_strided_slice %mul3A_669 {offsets = [0, 0], sizes = [512, 256], strides = [1, 1]} : vector<512x512xf32> to vector<512x256xf32>
    %slice3A_671 = vector.extract_strided_slice %mul3A_669 {offsets = [0, 256], sizes = [512, 256], strides = [1, 1]} : vector<512x512xf32> to vector<512x256xf32>
    %add3A_672 = arith.addf %slice3A_670, %slice3A_671 : vector<512x256xf32>
    %slice3A_673 = vector.extract_strided_slice %add3A_672 {offsets = [0, 0], sizes = [512, 128], strides = [1, 1]} : vector<512x256xf32> to vector<512x128xf32>
    %slice3A_674 = vector.extract_strided_slice %add3A_672 {offsets = [0, 128], sizes = [512, 128], strides = [1, 1]} : vector<512x256xf32> to vector<512x128xf32>
    %add3A_675 = arith.addf %slice3A_673, %slice3A_674 : vector<512x128xf32>
    %slice3A_676 = vector.extract_strided_slice %add3A_675 {offsets = [0, 0], sizes = [512, 64], strides = [1, 1]} : vector<512x128xf32> to vector<512x64xf32>
    %slice3A_677 = vector.extract_strided_slice %add3A_675 {offsets = [0, 64], sizes = [512, 64], strides = [1, 1]} : vector<512x128xf32> to vector<512x64xf32>
    %add3A_678 = arith.addf %slice3A_676, %slice3A_677 : vector<512x64xf32>
    %slice3A_679 = vector.extract_strided_slice %add3A_678 {offsets = [0, 0], sizes = [512, 32], strides = [1, 1]} : vector<512x64xf32> to vector<512x32xf32>
    %slice3A_680 = vector.extract_strided_slice %add3A_678 {offsets = [0, 32], sizes = [512, 32], strides = [1, 1]} : vector<512x64xf32> to vector<512x32xf32>
    %add3A_681 = arith.addf %slice3A_679, %slice3A_680 : vector<512x32xf32>
    %slice3A_682 = vector.extract_strided_slice %add3A_583 {offsets = [0, 1024], sizes = [512, 512], strides = [1, 1]} : vector<512x1536xf32> to vector<512x512xf32>
    %mul3A_683 = arith.mulf %slice3A_682, %dot_general3A_58 : vector<512x512xf32>
    %slice3A_684 = vector.extract_strided_slice %mul3A_683 {offsets = [0, 0], sizes = [512, 256], strides = [1, 1]} : vector<512x512xf32> to vector<512x256xf32>
    %slice3A_685 = vector.extract_strided_slice %mul3A_683 {offsets = [0, 256], sizes = [512, 256], strides = [1, 1]} : vector<512x512xf32> to vector<512x256xf32>
    %add3A_686 = arith.addf %slice3A_684, %slice3A_685 : vector<512x256xf32>
    %slice3A_687 = vector.extract_strided_slice %add3A_686 {offsets = [0, 0], sizes = [512, 128], strides = [1, 1]} : vector<512x256xf32> to vector<512x128xf32>
    %slice3A_688 = vector.extract_strided_slice %add3A_686 {offsets = [0, 128], sizes = [512, 128], strides = [1, 1]} : vector<512x256xf32> to vector<512x128xf32>
    %add3A_689 = arith.addf %slice3A_687, %slice3A_688 : vector<512x128xf32>
    %slice3A_690 = vector.extract_strided_slice %add3A_689 {offsets = [0, 0], sizes = [512, 64], strides = [1, 1]} : vector<512x128xf32> to vector<512x64xf32>
    %slice3A_691 = vector.extract_strided_slice %add3A_689 {offsets = [0, 64], sizes = [512, 64], strides = [1, 1]} : vector<512x128xf32> to vector<512x64xf32>
    %add3A_692 = arith.addf %slice3A_690, %slice3A_691 : vector<512x64xf32>
    %slice3A_693 = vector.extract_strided_slice %add3A_692 {offsets = [0, 0], sizes = [512, 32], strides = [1, 1]} : vector<512x64xf32> to vector<512x32xf32>
    %slice3A_694 = vector.extract_strided_slice %add3A_692 {offsets = [0, 32], sizes = [512, 32], strides = [1, 1]} : vector<512x64xf32> to vector<512x32xf32>
    %add3A_695 = arith.addf %slice3A_693, %slice3A_694 : vector<512x32xf32>
    %slice3A_696 = vector.extract_strided_slice %add3A_583 {offsets = [0, 1024], sizes = [512, 512], strides = [1, 1]} : vector<512x1536xf32> to vector<512x512xf32>
    %mul3A_697 = arith.mulf %slice3A_696, %dot_general3A_60 : vector<512x512xf32>
    %slice3A_698 = vector.extract_strided_slice %mul3A_697 {offsets = [0, 0], sizes = [512, 256], strides = [1, 1]} : vector<512x512xf32> to vector<512x256xf32>
    %slice3A_699 = vector.extract_strided_slice %mul3A_697 {offsets = [0, 256], sizes = [512, 256], strides = [1, 1]} : vector<512x512xf32> to vector<512x256xf32>
    %add3A_700 = arith.addf %slice3A_698, %slice3A_699 : vector<512x256xf32>
    %slice3A_701 = vector.extract_strided_slice %add3A_700 {offsets = [0, 0], sizes = [512, 128], strides = [1, 1]} : vector<512x256xf32> to vector<512x128xf32>
    %slice3A_702 = vector.extract_strided_slice %add3A_700 {offsets = [0, 128], sizes = [512, 128], strides = [1, 1]} : vector<512x256xf32> to vector<512x128xf32>
    %add3A_703 = arith.addf %slice3A_701, %slice3A_702 : vector<512x128xf32>
    %slice3A_704 = vector.extract_strided_slice %add3A_703 {offsets = [0, 0], sizes = [512, 64], strides = [1, 1]} : vector<512x128xf32> to vector<512x64xf32>
    %slice3A_705 = vector.extract_strided_slice %add3A_703 {offsets = [0, 64], sizes = [512, 64], strides = [1, 1]} : vector<512x128xf32> to vector<512x64xf32>
    %add3A_706 = arith.addf %slice3A_704, %slice3A_705 : vector<512x64xf32>
    %slice3A_707 = vector.extract_strided_slice %add3A_706 {offsets = [0, 0], sizes = [512, 32], strides = [1, 1]} : vector<512x64xf32> to vector<512x32xf32>
    %slice3A_708 = vector.extract_strided_slice %add3A_706 {offsets = [0, 32], sizes = [512, 32], strides = [1, 1]} : vector<512x64xf32> to vector<512x32xf32>
    %add3A_709 = arith.addf %slice3A_707, %slice3A_708 : vector<512x32xf32>
    %slice3A_710 = vector.extract_strided_slice %get3A_72 {offsets = [0, 0], sizes = [512, 1], strides = [1, 1]} : vector<512x27xf32> to vector<512x1xf32>
    %mul3A_711 = vector.broadcast %slice3A_710 : vector<512x1xf32> to vector<512x32xf32>
    %mul3A_712 = arith.mulf %mul3A_711, %add3A_597 : vector<512x32xf32>
    %add3A_713 = arith.addf %add3A_504, %mul3A_712 : vector<512x32xf32>
    %slice3A_714 = vector.extract_strided_slice %get3A_72 {offsets = [0, 3], sizes = [512, 1], strides = [1, 1]} : vector<512x27xf32> to vector<512x1xf32>
    %mul3A_715 = vector.broadcast %slice3A_714 : vector<512x1xf32> to vector<512x32xf32>
    %mul3A_716 = arith.mulf %mul3A_715, %add3A_611 : vector<512x32xf32>
    %add3A_717 = arith.addf %add3A_713, %mul3A_716 : vector<512x32xf32>
    %slice3A_718 = vector.extract_strided_slice %get3A_72 {offsets = [0, 6], sizes = [512, 1], strides = [1, 1]} : vector<512x27xf32> to vector<512x1xf32>
    %mul3A_719 = vector.broadcast %slice3A_718 : vector<512x1xf32> to vector<512x32xf32>
    %mul3A_720 = arith.mulf %mul3A_719, %add3A_625 : vector<512x32xf32>
    %add3A_721 = arith.addf %add3A_717, %mul3A_720 : vector<512x32xf32>
    %slice3A_722 = vector.extract_strided_slice %get3A_72 {offsets = [0, 1], sizes = [512, 1], strides = [1, 1]} : vector<512x27xf32> to vector<512x1xf32>
    %mul3A_723 = vector.broadcast %slice3A_722 : vector<512x1xf32> to vector<512x32xf32>
    %mul3A_724 = arith.mulf %mul3A_723, %add3A_639 : vector<512x32xf32>
    %add3A_725 = arith.addf %add3A_721, %mul3A_724 : vector<512x32xf32>
    %slice3A_726 = vector.extract_strided_slice %get3A_72 {offsets = [0, 4], sizes = [512, 1], strides = [1, 1]} : vector<512x27xf32> to vector<512x1xf32>
    %mul3A_727 = vector.broadcast %slice3A_726 : vector<512x1xf32> to vector<512x32xf32>
    %mul3A_728 = arith.mulf %mul3A_727, %add3A_653 : vector<512x32xf32>
    %add3A_729 = arith.addf %add3A_725, %mul3A_728 : vector<512x32xf32>
    %slice3A_730 = vector.extract_strided_slice %get3A_72 {offsets = [0, 7], sizes = [512, 1], strides = [1, 1]} : vector<512x27xf32> to vector<512x1xf32>
    %mul3A_731 = vector.broadcast %slice3A_730 : vector<512x1xf32> to vector<512x32xf32>
    %mul3A_732 = arith.mulf %mul3A_731, %add3A_667 : vector<512x32xf32>
    %add3A_733 = arith.addf %add3A_729, %mul3A_732 : vector<512x32xf32>
    %slice3A_734 = vector.extract_strided_slice %get3A_72 {offsets = [0, 2], sizes = [512, 1], strides = [1, 1]} : vector<512x27xf32> to vector<512x1xf32>
    %mul3A_735 = vector.broadcast %slice3A_734 : vector<512x1xf32> to vector<512x32xf32>
    %mul3A_736 = arith.mulf %mul3A_735, %add3A_681 : vector<512x32xf32>
    %add3A_737 = arith.addf %add3A_733, %mul3A_736 : vector<512x32xf32>
    %slice3A_738 = vector.extract_strided_slice %get3A_72 {offsets = [0, 5], sizes = [512, 1], strides = [1, 1]} : vector<512x27xf32> to vector<512x1xf32>
    %mul3A_739 = vector.broadcast %slice3A_738 : vector<512x1xf32> to vector<512x32xf32>
    %mul3A_740 = arith.mulf %mul3A_739, %add3A_695 : vector<512x32xf32>
    %add3A_741 = arith.addf %add3A_737, %mul3A_740 : vector<512x32xf32>
    %slice3A_742 = vector.extract_strided_slice %get3A_72 {offsets = [0, 8], sizes = [512, 1], strides = [1, 1]} : vector<512x27xf32> to vector<512x1xf32>
    %mul3A_743 = vector.broadcast %slice3A_742 : vector<512x1xf32> to vector<512x32xf32>
    %mul3A_744 = arith.mulf %mul3A_743, %add3A_709 : vector<512x32xf32>
    %add3A_745 = arith.addf %add3A_741, %mul3A_744 : vector<512x32xf32>
    %slice3A_746 = vector.extract_strided_slice %get3A_72 {offsets = [0, 9], sizes = [512, 1], strides = [1, 1]} : vector<512x27xf32> to vector<512x1xf32>
    %mul3A_747 = vector.broadcast %slice3A_746 : vector<512x1xf32> to vector<512x32xf32>
    %mul3A_748 = arith.mulf %mul3A_747, %add3A_597 : vector<512x32xf32>
    %add3A_749 = arith.addf %add3A_508, %mul3A_748 : vector<512x32xf32>
    %slice3A_750 = vector.extract_strided_slice %get3A_72 {offsets = [0, 12], sizes = [512, 1], strides = [1, 1]} : vector<512x27xf32> to vector<512x1xf32>
    %mul3A_751 = vector.broadcast %slice3A_750 : vector<512x1xf32> to vector<512x32xf32>
    %mul3A_752 = arith.mulf %mul3A_751, %add3A_611 : vector<512x32xf32>
    %add3A_753 = arith.addf %add3A_749, %mul3A_752 : vector<512x32xf32>
    %slice3A_754 = vector.extract_strided_slice %get3A_72 {offsets = [0, 15], sizes = [512, 1], strides = [1, 1]} : vector<512x27xf32> to vector<512x1xf32>
    %mul3A_755 = vector.broadcast %slice3A_754 : vector<512x1xf32> to vector<512x32xf32>
    %mul3A_756 = arith.mulf %mul3A_755, %add3A_625 : vector<512x32xf32>
    %add3A_757 = arith.addf %add3A_753, %mul3A_756 : vector<512x32xf32>
    %slice3A_758 = vector.extract_strided_slice %get3A_72 {offsets = [0, 10], sizes = [512, 1], strides = [1, 1]} : vector<512x27xf32> to vector<512x1xf32>
    %mul3A_759 = vector.broadcast %slice3A_758 : vector<512x1xf32> to vector<512x32xf32>
    %mul3A_760 = arith.mulf %mul3A_759, %add3A_639 : vector<512x32xf32>
    %add3A_761 = arith.addf %add3A_757, %mul3A_760 : vector<512x32xf32>
    %slice3A_762 = vector.extract_strided_slice %get3A_72 {offsets = [0, 13], sizes = [512, 1], strides = [1, 1]} : vector<512x27xf32> to vector<512x1xf32>
    %mul3A_763 = vector.broadcast %slice3A_762 : vector<512x1xf32> to vector<512x32xf32>
    %mul3A_764 = arith.mulf %mul3A_763, %add3A_653 : vector<512x32xf32>
    %add3A_765 = arith.addf %add3A_761, %mul3A_764 : vector<512x32xf32>
    %slice3A_766 = vector.extract_strided_slice %get3A_72 {offsets = [0, 16], sizes = [512, 1], strides = [1, 1]} : vector<512x27xf32> to vector<512x1xf32>
    %mul3A_767 = vector.broadcast %slice3A_766 : vector<512x1xf32> to vector<512x32xf32>
    %mul3A_768 = arith.mulf %mul3A_767, %add3A_667 : vector<512x32xf32>
    %add3A_769 = arith.addf %add3A_765, %mul3A_768 : vector<512x32xf32>
    %slice3A_770 = vector.extract_strided_slice %get3A_72 {offsets = [0, 11], sizes = [512, 1], strides = [1, 1]} : vector<512x27xf32> to vector<512x1xf32>
    %mul3A_771 = vector.broadcast %slice3A_770 : vector<512x1xf32> to vector<512x32xf32>
    %mul3A_772 = arith.mulf %mul3A_771, %add3A_681 : vector<512x32xf32>
    %add3A_773 = arith.addf %add3A_769, %mul3A_772 : vector<512x32xf32>
    %slice3A_774 = vector.extract_strided_slice %get3A_72 {offsets = [0, 14], sizes = [512, 1], strides = [1, 1]} : vector<512x27xf32> to vector<512x1xf32>
    %mul3A_775 = vector.broadcast %slice3A_774 : vector<512x1xf32> to vector<512x32xf32>
    %mul3A_776 = arith.mulf %mul3A_775, %add3A_695 : vector<512x32xf32>
    %add3A_777 = arith.addf %add3A_773, %mul3A_776 : vector<512x32xf32>
    %slice3A_778 = vector.extract_strided_slice %get3A_72 {offsets = [0, 17], sizes = [512, 1], strides = [1, 1]} : vector<512x27xf32> to vector<512x1xf32>
    %mul3A_779 = vector.broadcast %slice3A_778 : vector<512x1xf32> to vector<512x32xf32>
    %mul3A_780 = arith.mulf %mul3A_779, %add3A_709 : vector<512x32xf32>
    %add3A_781 = arith.addf %add3A_777, %mul3A_780 : vector<512x32xf32>
    %slice3A_782 = vector.extract_strided_slice %get3A_72 {offsets = [0, 18], sizes = [512, 1], strides = [1, 1]} : vector<512x27xf32> to vector<512x1xf32>
    %mul3A_783 = vector.broadcast %slice3A_782 : vector<512x1xf32> to vector<512x32xf32>
    %mul3A_784 = arith.mulf %mul3A_783, %add3A_597 : vector<512x32xf32>
    %add3A_785 = arith.addf %add3A_512, %mul3A_784 : vector<512x32xf32>
    %slice3A_786 = vector.extract_strided_slice %get3A_72 {offsets = [0, 21], sizes = [512, 1], strides = [1, 1]} : vector<512x27xf32> to vector<512x1xf32>
    %mul3A_787 = vector.broadcast %slice3A_786 : vector<512x1xf32> to vector<512x32xf32>
    %mul3A_788 = arith.mulf %mul3A_787, %add3A_611 : vector<512x32xf32>
    %add3A_789 = arith.addf %add3A_785, %mul3A_788 : vector<512x32xf32>
    %slice3A_790 = vector.extract_strided_slice %get3A_72 {offsets = [0, 24], sizes = [512, 1], strides = [1, 1]} : vector<512x27xf32> to vector<512x1xf32>
    %mul3A_791 = vector.broadcast %slice3A_790 : vector<512x1xf32> to vector<512x32xf32>
    %mul3A_792 = arith.mulf %mul3A_791, %add3A_625 : vector<512x32xf32>
    %add3A_793 = arith.addf %add3A_789, %mul3A_792 : vector<512x32xf32>
    %slice3A_794 = vector.extract_strided_slice %get3A_72 {offsets = [0, 19], sizes = [512, 1], strides = [1, 1]} : vector<512x27xf32> to vector<512x1xf32>
    %mul3A_795 = vector.broadcast %slice3A_794 : vector<512x1xf32> to vector<512x32xf32>
    %mul3A_796 = arith.mulf %mul3A_795, %add3A_639 : vector<512x32xf32>
    %add3A_797 = arith.addf %add3A_793, %mul3A_796 : vector<512x32xf32>
    %slice3A_798 = vector.extract_strided_slice %get3A_72 {offsets = [0, 22], sizes = [512, 1], strides = [1, 1]} : vector<512x27xf32> to vector<512x1xf32>
    %mul3A_799 = vector.broadcast %slice3A_798 : vector<512x1xf32> to vector<512x32xf32>
    %mul3A_800 = arith.mulf %mul3A_799, %add3A_653 : vector<512x32xf32>
    %add3A_801 = arith.addf %add3A_797, %mul3A_800 : vector<512x32xf32>
    %slice3A_802 = vector.extract_strided_slice %get3A_72 {offsets = [0, 25], sizes = [512, 1], strides = [1, 1]} : vector<512x27xf32> to vector<512x1xf32>
    %mul3A_803 = vector.broadcast %slice3A_802 : vector<512x1xf32> to vector<512x32xf32>
    %mul3A_804 = arith.mulf %mul3A_803, %add3A_667 : vector<512x32xf32>
    %add3A_805 = arith.addf %add3A_801, %mul3A_804 : vector<512x32xf32>
    %slice3A_806 = vector.extract_strided_slice %get3A_72 {offsets = [0, 20], sizes = [512, 1], strides = [1, 1]} : vector<512x27xf32> to vector<512x1xf32>
    %mul3A_807 = vector.broadcast %slice3A_806 : vector<512x1xf32> to vector<512x32xf32>
    %mul3A_808 = arith.mulf %mul3A_807, %add3A_681 : vector<512x32xf32>
    %add3A_809 = arith.addf %add3A_805, %mul3A_808 : vector<512x32xf32>
    %slice3A_810 = vector.extract_strided_slice %get3A_72 {offsets = [0, 23], sizes = [512, 1], strides = [1, 1]} : vector<512x27xf32> to vector<512x1xf32>
    %mul3A_811 = vector.broadcast %slice3A_810 : vector<512x1xf32> to vector<512x32xf32>
    %mul3A_812 = arith.mulf %mul3A_811, %add3A_695 : vector<512x32xf32>
    %add3A_813 = arith.addf %add3A_809, %mul3A_812 : vector<512x32xf32>
    %slice3A_814 = vector.extract_strided_slice %get3A_72 {offsets = [0, 26], sizes = [512, 1], strides = [1, 1]} : vector<512x27xf32> to vector<512x1xf32>
    %mul3A_815 = vector.broadcast %slice3A_814 : vector<512x1xf32> to vector<512x32xf32>
    %mul3A_816 = arith.mulf %mul3A_815, %add3A_709 : vector<512x32xf32>
    %add3A_817 = arith.addf %add3A_813, %mul3A_816 : vector<512x32xf32>
    %get3A_818 = arith.constant 0 : index
    %get3A_819 = arith.constant 0 : index
    %get3A_820 = vector.load %arg7[%get3A_818, %get3A_819] : memref<512x1xf32, #tpu.memory_space<vmem>>, vector<512x1xf32>
    %get3A_821 = arith.constant 0 : index
    %get3A_822 = arith.constant 0 : index
    %get3A_823 = vector.load %arg8[%get3A_821, %get3A_822] : memref<32x16xf32, #tpu.memory_space<vmem>>, vector<32x16xf32>
    %get3A_824 = arith.constant 0 : index
    %get3A_825 = arith.constant 0 : index
    %get3A_826 = vector.load %arg9[%get3A_824, %get3A_825] : memref<32x48xf32, #tpu.memory_space<vmem>>, vector<32x48xf32>
    %get3A_827 = arith.constant 0 : index
    %get3A_828 = arith.constant 0 : index
    %get3A_829 = vector.load %arg13[%get3A_827, %get3A_828] : memref<16x32xf32, #tpu.memory_space<vmem>>, vector<16x32xf32>
    %dot_general3A_830 = arith.constant dense<0.000000e+00> : vector<32x32xf32>
    %dot_general3A_831 = tpu.matmul %get3A_823, %get3A_829, %dot_general3A_830 {dimension_numbers = #tpu.dot_dimension_numbers<[1], [0], [0], [1], [0, 0, 1, 1], [], []>, precision = #tpu.contract_precision<fp32>, transpose_lhs_hint = false} : vector<32x16xf32>, vector<16x32xf32>, vector<32x32xf32> -> vector<32x32xf32>
    %slice3A_832 = vector.extract_strided_slice %get3A_826 {offsets = [0, 0], sizes = [32, 16], strides = [1, 1]} : vector<32x48xf32> to vector<32x16xf32>
    %get3A_833 = arith.constant 0 : index
    %get3A_834 = arith.constant 0 : index
    %get3A_835 = vector.load %arg14[%get3A_833, %get3A_834] : memref<16x32xf32, #tpu.memory_space<vmem>>, vector<16x32xf32>
    %dot_general3A_836 = arith.constant dense<0.000000e+00> : vector<32x32xf32>
    %dot_general3A_837 = tpu.matmul %slice3A_832, %get3A_835, %dot_general3A_836 {dimension_numbers = #tpu.dot_dimension_numbers<[1], [0], [0], [1], [0, 0, 1, 1], [], []>, precision = #tpu.contract_precision<fp32>, transpose_lhs_hint = false} : vector<32x16xf32>, vector<16x32xf32>, vector<32x32xf32> -> vector<32x32xf32>
    %slice3A_838 = vector.extract_strided_slice %get3A_826 {offsets = [0, 16], sizes = [32, 16], strides = [1, 1]} : vector<32x48xf32> to vector<32x16xf32>
    %get3A_839 = arith.constant 0 : index
    %get3A_840 = arith.constant 0 : index
    %get3A_841 = vector.load %arg14[%get3A_839, %get3A_840] : memref<16x32xf32, #tpu.memory_space<vmem>>, vector<16x32xf32>
    %dot_general3A_842 = arith.constant dense<0.000000e+00> : vector<32x32xf32>
    %dot_general3A_843 = tpu.matmul %slice3A_838, %get3A_841, %dot_general3A_842 {dimension_numbers = #tpu.dot_dimension_numbers<[1], [0], [0], [1], [0, 0, 1, 1], [], []>, precision = #tpu.contract_precision<fp32>, transpose_lhs_hint = false} : vector<32x16xf32>, vector<16x32xf32>, vector<32x32xf32> -> vector<32x32xf32>
    %slice3A_844 = vector.extract_strided_slice %get3A_826 {offsets = [0, 32], sizes = [32, 16], strides = [1, 1]} : vector<32x48xf32> to vector<32x16xf32>
    %get3A_845 = arith.constant 0 : index
    %get3A_846 = arith.constant 0 : index
    %get3A_847 = vector.load %arg14[%get3A_845, %get3A_846] : memref<16x32xf32, #tpu.memory_space<vmem>>, vector<16x32xf32>
    %dot_general3A_848 = arith.constant dense<0.000000e+00> : vector<32x32xf32>
    %dot_general3A_849 = tpu.matmul %slice3A_844, %get3A_847, %dot_general3A_848 {dimension_numbers = #tpu.dot_dimension_numbers<[1], [0], [0], [1], [0, 0, 1, 1], [], []>, precision = #tpu.contract_precision<fp32>, transpose_lhs_hint = false} : vector<32x16xf32>, vector<16x32xf32>, vector<32x32xf32> -> vector<32x32xf32>
    %iota3A_850 = tpu.iota {dimensions = array<i32: 0>} : vector<32x2xi32>
    %jit3A_851 = arith.constant 16 : i32
    %div3A_852 = vector.broadcast %jit3A_851 : i32 to vector<32x2xi32>
    %div3A_853 = arith.divsi %iota3A_850, %div3A_852 : vector<32x2xi32>
    %sign3A_854 = arith.constant 0 : i32
    %sign3A_855 = vector.broadcast %sign3A_854 : i32 to vector<32x2xi32>
    %sign3A_856 = arith.cmpi sgt, %iota3A_850, %sign3A_855 : vector<32x2xi32>
    %sign3A_857 = arith.extui %sign3A_856 : vector<32x2xi1> to vector<32x2xi32>
    %sign3A_858 = arith.constant 0 : i32
    %sign3A_859 = vector.broadcast %sign3A_858 : i32 to vector<32x2xi32>
    %sign3A_860 = arith.cmpi slt, %iota3A_850, %sign3A_859 : vector<32x2xi32>
    %sign3A_861 = arith.extui %sign3A_860 : vector<32x2xi1> to vector<32x2xi32>
    %sign3A_862 = arith.subi %sign3A_857, %sign3A_861 : vector<32x2xi32>
    %sign3A_863 = arith.constant 0 : i32
    %sign3A_864 = arith.cmpi sgt, %jit3A_851, %sign3A_863 : i32
    %sign3A_865 = arith.extui %sign3A_864 : i1 to i32
    %sign3A_866 = arith.constant 0 : i32
    %sign3A_867 = arith.cmpi slt, %jit3A_851, %sign3A_866 : i32
    %sign3A_868 = arith.extui %sign3A_867 : i1 to i32
    %sign3A_869 = arith.subi %sign3A_865, %sign3A_868 : i32
    %ne3A_870 = vector.broadcast %sign3A_869 : i32 to vector<32x2xi32>
    %ne3A_871 = arith.cmpi ne, %sign3A_862, %ne3A_870 : vector<32x2xi32>
    %rem3A_872 = vector.broadcast %jit3A_851 : i32 to vector<32x2xi32>
    %rem3A_873 = arith.remsi %iota3A_850, %rem3A_872 : vector<32x2xi32>
    %ne3A_874 = arith.constant 0 : i32
    %ne3A_875 = vector.broadcast %ne3A_874 : i32 to vector<32x2xi32>
    %ne3A_876 = arith.cmpi ne, %rem3A_873, %ne3A_875 : vector<32x2xi32>
    %and3A_877 = arith.andi %ne3A_871, %ne3A_876 : vector<32x2xi1>
    %sub3A_878 = arith.constant 1 : i32
    %sub3A_879 = vector.broadcast %sub3A_878 : i32 to vector<32x2xi32>
    %sub3A_880 = arith.subi %div3A_853, %sub3A_879 : vector<32x2xi32>
    %select_n3A_881 = arith.select %and3A_877, %sub3A_880, %div3A_853 : vector<32x2xi1>, vector<32x2xi32>
    %iota3A_882 = tpu.iota {dimensions = array<i32: 1>} : vector<32x2xi32>
    %eq3A_883 = arith.cmpi eq, %select_n3A_881, %iota3A_882 : vector<32x2xi32>
    %convert_element_type3A_884 = arith.extui %eq3A_883 : vector<32x2xi1> to vector<32x2xi32>
    %convert_element_type3A_885 = arith.sitofp %convert_element_type3A_884 : vector<32x2xi32> to vector<32x2xf32>
    %iota3A_886 = tpu.iota {dimensions = array<i32: 1>} : vector<32x512xi32>
    %jit3A_887 = arith.constant 16 : i32
    %div3A_888 = vector.broadcast %jit3A_887 : i32 to vector<32x512xi32>
    %div3A_889 = arith.divsi %iota3A_886, %div3A_888 : vector<32x512xi32>
    %sign3A_890 = arith.constant 0 : i32
    %sign3A_891 = vector.broadcast %sign3A_890 : i32 to vector<32x512xi32>
    %sign3A_892 = arith.cmpi sgt, %iota3A_886, %sign3A_891 : vector<32x512xi32>
    %sign3A_893 = arith.extui %sign3A_892 : vector<32x512xi1> to vector<32x512xi32>
    %sign3A_894 = arith.constant 0 : i32
    %sign3A_895 = vector.broadcast %sign3A_894 : i32 to vector<32x512xi32>
    %sign3A_896 = arith.cmpi slt, %iota3A_886, %sign3A_895 : vector<32x512xi32>
    %sign3A_897 = arith.extui %sign3A_896 : vector<32x512xi1> to vector<32x512xi32>
    %sign3A_898 = arith.subi %sign3A_893, %sign3A_897 : vector<32x512xi32>
    %sign3A_899 = arith.constant 0 : i32
    %sign3A_900 = arith.cmpi sgt, %jit3A_887, %sign3A_899 : i32
    %sign3A_901 = arith.extui %sign3A_900 : i1 to i32
    %sign3A_902 = arith.constant 0 : i32
    %sign3A_903 = arith.cmpi slt, %jit3A_887, %sign3A_902 : i32
    %sign3A_904 = arith.extui %sign3A_903 : i1 to i32
    %sign3A_905 = arith.subi %sign3A_901, %sign3A_904 : i32
    %ne3A_906 = vector.broadcast %sign3A_905 : i32 to vector<32x512xi32>
    %ne3A_907 = arith.cmpi ne, %sign3A_898, %ne3A_906 : vector<32x512xi32>
    %rem3A_908 = vector.broadcast %jit3A_887 : i32 to vector<32x512xi32>
    %rem3A_909 = arith.remsi %iota3A_886, %rem3A_908 : vector<32x512xi32>
    %ne3A_910 = arith.constant 0 : i32
    %ne3A_911 = vector.broadcast %ne3A_910 : i32 to vector<32x512xi32>
    %ne3A_912 = arith.cmpi ne, %rem3A_909, %ne3A_911 : vector<32x512xi32>
    %and3A_913 = arith.andi %ne3A_907, %ne3A_912 : vector<32x512xi1>
    %sub3A_914 = arith.constant 1 : i32
    %sub3A_915 = vector.broadcast %sub3A_914 : i32 to vector<32x512xi32>
    %sub3A_916 = arith.subi %div3A_889, %sub3A_915 : vector<32x512xi32>
    %select_n3A_917 = arith.select %and3A_913, %sub3A_916, %div3A_889 : vector<32x512xi1>, vector<32x512xi32>
    %iota3A_918 = tpu.iota {dimensions = array<i32: 0>} : vector<32x512xi32>
    %eq3A_919 = arith.cmpi eq, %select_n3A_917, %iota3A_918 : vector<32x512xi32>
    %convert_element_type3A_920 = arith.extui %eq3A_919 : vector<32x512xi1> to vector<32x512xi32>
    %convert_element_type3A_921 = arith.sitofp %convert_element_type3A_920 : vector<32x512xi32> to vector<32x512xf32>
    %iota3A_922 = tpu.iota {dimensions = array<i32: 0>} : vector<512x32xi32>
    %jit3A_923 = arith.constant 16 : i32
    %div3A_924 = vector.broadcast %jit3A_923 : i32 to vector<512x32xi32>
    %div3A_925 = arith.divsi %iota3A_922, %div3A_924 : vector<512x32xi32>
    %sign3A_926 = arith.constant 0 : i32
    %sign3A_927 = vector.broadcast %sign3A_926 : i32 to vector<512x32xi32>
    %sign3A_928 = arith.cmpi sgt, %iota3A_922, %sign3A_927 : vector<512x32xi32>
    %sign3A_929 = arith.extui %sign3A_928 : vector<512x32xi1> to vector<512x32xi32>
    %sign3A_930 = arith.constant 0 : i32
    %sign3A_931 = vector.broadcast %sign3A_930 : i32 to vector<512x32xi32>
    %sign3A_932 = arith.cmpi slt, %iota3A_922, %sign3A_931 : vector<512x32xi32>
    %sign3A_933 = arith.extui %sign3A_932 : vector<512x32xi1> to vector<512x32xi32>
    %sign3A_934 = arith.subi %sign3A_929, %sign3A_933 : vector<512x32xi32>
    %sign3A_935 = arith.constant 0 : i32
    %sign3A_936 = arith.cmpi sgt, %jit3A_923, %sign3A_935 : i32
    %sign3A_937 = arith.extui %sign3A_936 : i1 to i32
    %sign3A_938 = arith.constant 0 : i32
    %sign3A_939 = arith.cmpi slt, %jit3A_923, %sign3A_938 : i32
    %sign3A_940 = arith.extui %sign3A_939 : i1 to i32
    %sign3A_941 = arith.subi %sign3A_937, %sign3A_940 : i32
    %ne3A_942 = vector.broadcast %sign3A_941 : i32 to vector<512x32xi32>
    %ne3A_943 = arith.cmpi ne, %sign3A_934, %ne3A_942 : vector<512x32xi32>
    %rem3A_944 = vector.broadcast %jit3A_923 : i32 to vector<512x32xi32>
    %rem3A_945 = arith.remsi %iota3A_922, %rem3A_944 : vector<512x32xi32>
    %ne3A_946 = arith.constant 0 : i32
    %ne3A_947 = vector.broadcast %ne3A_946 : i32 to vector<512x32xi32>
    %ne3A_948 = arith.cmpi ne, %rem3A_945, %ne3A_947 : vector<512x32xi32>
    %and3A_949 = arith.andi %ne3A_943, %ne3A_948 : vector<512x32xi1>
    %sub3A_950 = arith.constant 1 : i32
    %sub3A_951 = vector.broadcast %sub3A_950 : i32 to vector<512x32xi32>
    %sub3A_952 = arith.subi %div3A_925, %sub3A_951 : vector<512x32xi32>
    %select_n3A_953 = arith.select %and3A_949, %sub3A_952, %div3A_925 : vector<512x32xi1>, vector<512x32xi32>
    %iota3A_954 = tpu.iota {dimensions = array<i32: 1>} : vector<512x32xi32>
    %eq3A_955 = arith.cmpi eq, %select_n3A_953, %iota3A_954 : vector<512x32xi32>
    %convert_element_type3A_956 = arith.extui %eq3A_955 : vector<512x32xi1> to vector<512x32xi32>
    %convert_element_type3A_957 = arith.sitofp %convert_element_type3A_956 : vector<512x32xi32> to vector<512x32xf32>
    %iota3A_958 = tpu.iota {dimensions = array<i32: 0>} : vector<512x16xi32>
    %jit3A_959 = arith.constant 16 : i32
    %eq3A_960 = arith.constant 0 : i32
    %eq3A_961 = arith.cmpi eq, %jit3A_959, %eq3A_960 : i32
    %jit3A_962 = arith.constant 1 : i32
    %select_n3A_963 = arith.select %eq3A_961, %jit3A_962, %jit3A_959 : i32
    %rem3A_964 = vector.broadcast %select_n3A_963 : i32 to vector<512x16xi32>
    %rem3A_965 = arith.remsi %iota3A_958, %rem3A_964 : vector<512x16xi32>
    %ne3A_966 = arith.constant 0 : i32
    %ne3A_967 = vector.broadcast %ne3A_966 : i32 to vector<512x16xi32>
    %ne3A_968 = arith.cmpi ne, %rem3A_965, %ne3A_967 : vector<512x16xi32>
    %lt3A = arith.constant 0 : i32
    %lt3A_969 = vector.broadcast %lt3A : i32 to vector<512x16xi32>
    %lt3A_970 = arith.cmpi slt, %rem3A_965, %lt3A_969 : vector<512x16xi32>
    %lt3A_971 = arith.constant 0 : i32
    %lt3A_972 = arith.cmpi slt, %select_n3A_963, %lt3A_971 : i32
    %ne3A_973 = vector.broadcast %lt3A_972 : i1 to vector<512x16xi1>
    %ne3A_974 = vector.broadcast %ne3A_973 : vector<512x16xi1> to vector<512x16xi1>
    %ne3A_975 = arith.xori %lt3A_970, %ne3A_974 : vector<512x16xi1>
    %and3A_976 = arith.andi %ne3A_975, %ne3A_968 : vector<512x16xi1>
    %add3A_977 = vector.broadcast %select_n3A_963 : i32 to vector<512x16xi32>
    %add3A_978 = arith.addi %rem3A_965, %add3A_977 : vector<512x16xi32>
    %select_n3A_979 = arith.select %and3A_976, %add3A_978, %rem3A_965 : vector<512x16xi1>, vector<512x16xi32>
    %iota3A_980 = tpu.iota {dimensions = array<i32: 1>} : vector<512x16xi32>
    %eq3A_981 = arith.cmpi eq, %select_n3A_979, %iota3A_980 : vector<512x16xi32>
    %convert_element_type3A_982 = arith.extui %eq3A_981 : vector<512x16xi1> to vector<512x16xi32>
    %convert_element_type3A_983 = arith.sitofp %convert_element_type3A_982 : vector<512x16xi32> to vector<512x16xf32>
    %dot_general3A_984 = arith.constant dense<0.000000e+00> : vector<512x32xf32>
    %dot_general3A_985 = tpu.matmul %convert_element_type3A_957, %dot_general3A_831, %dot_general3A_984 {dimension_numbers = #tpu.dot_dimension_numbers<[1], [0], [0], [1], [0, 0, 1, 1], [], []>, precision = #tpu.contract_precision<fp32>, transpose_lhs_hint = false} : vector<512x32xf32>, vector<32x32xf32>, vector<512x32xf32> -> vector<512x32xf32>
    %dot_general3A_986 = arith.constant dense<0.000000e+00> : vector<512x32xf32>
    %dot_general3A_987 = tpu.matmul %convert_element_type3A_957, %dot_general3A_837, %dot_general3A_986 {dimension_numbers = #tpu.dot_dimension_numbers<[1], [0], [0], [1], [0, 0, 1, 1], [], []>, precision = #tpu.contract_precision<fp32>, transpose_lhs_hint = false} : vector<512x32xf32>, vector<32x32xf32>, vector<512x32xf32> -> vector<512x32xf32>
    %dot_general3A_988 = arith.constant dense<0.000000e+00> : vector<512x32xf32>
    %dot_general3A_989 = tpu.matmul %convert_element_type3A_957, %dot_general3A_843, %dot_general3A_988 {dimension_numbers = #tpu.dot_dimension_numbers<[1], [0], [0], [1], [0, 0, 1, 1], [], []>, precision = #tpu.contract_precision<fp32>, transpose_lhs_hint = false} : vector<512x32xf32>, vector<32x32xf32>, vector<512x32xf32> -> vector<512x32xf32>
    %dot_general3A_990 = arith.constant dense<0.000000e+00> : vector<512x32xf32>
    %dot_general3A_991 = tpu.matmul %convert_element_type3A_957, %dot_general3A_849, %dot_general3A_990 {dimension_numbers = #tpu.dot_dimension_numbers<[1], [0], [0], [1], [0, 0, 1, 1], [], []>, precision = #tpu.contract_precision<fp32>, transpose_lhs_hint = false} : vector<512x32xf32>, vector<32x32xf32>, vector<512x32xf32> -> vector<512x32xf32>
    %mul3A_992 = arith.mulf %dot_general3A_985, %add3A_199 : vector<512x32xf32>
    %dot_general3A_993 = arith.constant dense<0.000000e+00> : vector<512x2xf32>
    %dot_general3A_994 = tpu.matmul %mul3A_992, %convert_element_type3A_885, %dot_general3A_993 {dimension_numbers = #tpu.dot_dimension_numbers<[1], [0], [0], [1], [0, 0, 1, 1], [], []>, precision = #tpu.contract_precision<fp32>, transpose_lhs_hint = false} : vector<512x32xf32>, vector<32x2xf32>, vector<512x2xf32> -> vector<512x2xf32>
    %mul3A_995 = arith.constant 2.500000e-01 : f32
    %mul3A_996 = vector.broadcast %mul3A_995 : f32 to vector<512x2xf32>
    %mul3A_997 = arith.mulf %dot_general3A_994, %mul3A_996 : vector<512x2xf32>
    %add3A_998 = vector.broadcast %get3A_820 : vector<512x1xf32> to vector<512x2xf32>
    %add3A_999 = arith.addf %mul3A_997, %add3A_998 : vector<512x2xf32>
    %slice3A_1000 = vector.extract_strided_slice %add3A_999 {offsets = [0, 0], sizes = [512, 1], strides = [1, 1]} : vector<512x2xf32> to vector<512x1xf32>
    %mul3A_1001 = vector.broadcast %slice3A_1000 : vector<512x1xf32> to vector<512x16xf32>
    %mul3A_1002 = arith.mulf %mul3A_1001, %convert_element_type3A_983 : vector<512x16xf32>
    %dot_general3A_1003 = arith.constant dense<0.000000e+00> : vector<32x16xf32>
    %dot_general3A_1004 = tpu.matmul %convert_element_type3A_921, %mul3A_1002, %dot_general3A_1003 {dimension_numbers = #tpu.dot_dimension_numbers<[1], [0], [0], [1], [0, 0, 1, 1], [], []>, precision = #tpu.contract_precision<fp32>, transpose_lhs_hint = false} : vector<32x512xf32>, vector<512x16xf32>, vector<32x16xf32> -> vector<32x16xf32>
    %reduce_max3A = arith.constant dense<0xFF800000> : vector<32xf32>
    %reduce_max3A_1005 = vector.multi_reduction <maximumf>, %dot_general3A_1004, %reduce_max3A [1] : vector<32x16xf32> to vector<32xf32>
    %broadcast_in_dim3A_1006 = vector.shape_cast %reduce_max3A_1005 : vector<32xf32> to vector<32x1xf32>
    %sub3A_1007 = vector.broadcast %broadcast_in_dim3A_1006 : vector<32x1xf32> to vector<32x16xf32>
    %sub3A_1008 = arith.subf %dot_general3A_1004, %sub3A_1007 : vector<32x16xf32>
    %exp3A = math.exp %sub3A_1008 : vector<32x16xf32>
    %reduce_sum3A = arith.constant dense<0.000000e+00> : vector<32xf32>
    %reduce_sum3A_1009 = vector.multi_reduction <add>, %exp3A, %reduce_sum3A [1] : vector<32x16xf32> to vector<32xf32>
    %broadcast_in_dim3A_1010 = vector.shape_cast %reduce_sum3A_1009 : vector<32xf32> to vector<32x1xf32>
    %div3A_1011 = vector.broadcast %broadcast_in_dim3A_1010 : vector<32x1xf32> to vector<32x16xf32>
    %div3A_1012 = arith.divf %exp3A, %div3A_1011 : vector<32x16xf32>
    %dot_general3A_1013 = arith.constant dense<0.000000e+00> : vector<512x16xf32>
    %dot_general3A_1014 = tpu.matmul %convert_element_type3A_957, %div3A_1012, %dot_general3A_1013 {dimension_numbers = #tpu.dot_dimension_numbers<[1], [0], [0], [1], [0, 0, 1, 1], [], []>, precision = #tpu.contract_precision<fp32>, transpose_lhs_hint = false} : vector<512x32xf32>, vector<32x16xf32>, vector<512x16xf32> -> vector<512x16xf32>
    %mul3A_1015 = arith.mulf %dot_general3A_1014, %convert_element_type3A_983 : vector<512x16xf32>
    %reduce_sum3A_1016 = arith.constant dense<0.000000e+00> : vector<512xf32>
    %reduce_sum3A_1017 = vector.multi_reduction <add>, %mul3A_1015, %reduce_sum3A_1016 [1] : vector<512x16xf32> to vector<512xf32>
    %broadcast_in_dim3A_1018 = vector.shape_cast %reduce_sum3A_1017 : vector<512xf32> to vector<512x1xf32>
    %broadcast_in_dim3A_1019 = vector.shape_cast %broadcast_in_dim3A_1018 : vector<512x1xf32> to vector<512x1xf32>
    %broadcast_in_dim3A_1020 = vector.broadcast %broadcast_in_dim3A_1019 : vector<512x1xf32> to vector<512x16xf32>
    %slice3A_1021 = vector.extract_strided_slice %add3A_999 {offsets = [0, 1], sizes = [512, 1], strides = [1, 1]} : vector<512x2xf32> to vector<512x1xf32>
    %mul3A_1022 = vector.broadcast %slice3A_1021 : vector<512x1xf32> to vector<512x16xf32>
    %mul3A_1023 = arith.mulf %mul3A_1022, %convert_element_type3A_983 : vector<512x16xf32>
    %dot_general3A_1024 = arith.constant dense<0.000000e+00> : vector<32x16xf32>
    %dot_general3A_1025 = tpu.matmul %convert_element_type3A_921, %mul3A_1023, %dot_general3A_1024 {dimension_numbers = #tpu.dot_dimension_numbers<[1], [0], [0], [1], [0, 0, 1, 1], [], []>, precision = #tpu.contract_precision<fp32>, transpose_lhs_hint = false} : vector<32x512xf32>, vector<512x16xf32>, vector<32x16xf32> -> vector<32x16xf32>
    %reduce_max3A_1026 = arith.constant dense<0xFF800000> : vector<32xf32>
    %reduce_max3A_1027 = vector.multi_reduction <maximumf>, %dot_general3A_1025, %reduce_max3A_1026 [1] : vector<32x16xf32> to vector<32xf32>
    %broadcast_in_dim3A_1028 = vector.shape_cast %reduce_max3A_1027 : vector<32xf32> to vector<32x1xf32>
    %sub3A_1029 = vector.broadcast %broadcast_in_dim3A_1028 : vector<32x1xf32> to vector<32x16xf32>
    %sub3A_1030 = arith.subf %dot_general3A_1025, %sub3A_1029 : vector<32x16xf32>
    %exp3A_1031 = math.exp %sub3A_1030 : vector<32x16xf32>
    %reduce_sum3A_1032 = arith.constant dense<0.000000e+00> : vector<32xf32>
    %reduce_sum3A_1033 = vector.multi_reduction <add>, %exp3A_1031, %reduce_sum3A_1032 [1] : vector<32x16xf32> to vector<32xf32>
    %broadcast_in_dim3A_1034 = vector.shape_cast %reduce_sum3A_1033 : vector<32xf32> to vector<32x1xf32>
    %div3A_1035 = vector.broadcast %broadcast_in_dim3A_1034 : vector<32x1xf32> to vector<32x16xf32>
    %div3A_1036 = arith.divf %exp3A_1031, %div3A_1035 : vector<32x16xf32>
    %dot_general3A_1037 = arith.constant dense<0.000000e+00> : vector<512x16xf32>
    %dot_general3A_1038 = tpu.matmul %convert_element_type3A_957, %div3A_1036, %dot_general3A_1037 {dimension_numbers = #tpu.dot_dimension_numbers<[1], [0], [0], [1], [0, 0, 1, 1], [], []>, precision = #tpu.contract_precision<fp32>, transpose_lhs_hint = false} : vector<512x32xf32>, vector<32x16xf32>, vector<512x16xf32> -> vector<512x16xf32>
    %mul3A_1039 = arith.mulf %dot_general3A_1038, %convert_element_type3A_983 : vector<512x16xf32>
    %reduce_sum3A_1040 = arith.constant dense<0.000000e+00> : vector<512xf32>
    %reduce_sum3A_1041 = vector.multi_reduction <add>, %mul3A_1039, %reduce_sum3A_1040 [1] : vector<512x16xf32> to vector<512xf32>
    %broadcast_in_dim3A_1042 = vector.shape_cast %reduce_sum3A_1041 : vector<512xf32> to vector<512x1xf32>
    %broadcast_in_dim3A_1043 = vector.shape_cast %broadcast_in_dim3A_1042 : vector<512x1xf32> to vector<512x1xf32>
    %broadcast_in_dim3A_1044 = vector.broadcast %broadcast_in_dim3A_1043 : vector<512x1xf32> to vector<512x16xf32>
    %concatenate3A = tpu.concatenate %broadcast_in_dim3A_1020, %broadcast_in_dim3A_1044 in 1 : vector<512x16xf32>, vector<512x16xf32> -> vector<512x32xf32>
    %mul3A_1045 = arith.mulf %concatenate3A, %add3A_573 : vector<512x32xf32>
    %dot_general3A_1046 = arith.constant dense<0.000000e+00> : vector<32x32xf32>
    %dot_general3A_1047 = tpu.matmul %convert_element_type3A_921, %mul3A_1045, %dot_general3A_1046 {dimension_numbers = #tpu.dot_dimension_numbers<[1], [0], [0], [1], [0, 0, 1, 1], [], []>, precision = #tpu.contract_precision<fp32>, transpose_lhs_hint = false} : vector<32x512xf32>, vector<512x32xf32>, vector<32x32xf32> -> vector<32x32xf32>
    %get3A_1048 = arith.constant 0 : index
    %get3A_1049 = arith.constant 0 : index
    %get3A_1050 = vector.load %arg15[%get3A_1048, %get3A_1049] : memref<32x16xf32, #tpu.memory_space<vmem>>, vector<32x16xf32>
    %dot_general3A_1051 = arith.constant dense<0.000000e+00> : vector<32x16xf32>
    %dot_general3A_1052 = tpu.matmul %dot_general3A_1047, %get3A_1050, %dot_general3A_1051 {dimension_numbers = #tpu.dot_dimension_numbers<[1], [0], [0], [1], [0, 0, 1, 1], [], []>, precision = #tpu.contract_precision<fp32>, transpose_lhs_hint = false} : vector<32x32xf32>, vector<32x16xf32>, vector<32x16xf32> -> vector<32x16xf32>
    %swap3A = arith.constant 0 : index
    %swap3A_1053 = arith.constant 0 : index
    %swap3A_1054 = vector.load %arg17[%swap3A, %swap3A_1053] : memref<32x16xf32, #tpu.memory_space<vmem>>, vector<32x16xf32>
    tpu.vector_store %arg17[%swap3A, %swap3A_1053], %dot_general3A_1052 {strides = array<i32>} : memref<32x16xf32, #tpu.memory_space<vmem>>, vector<32x16xf32>,
    %mul3A_1055 = arith.mulf %dot_general3A_987, %add3A_371 : vector<512x32xf32>
    %mul3A_1056 = arith.mulf %dot_general3A_989, %add3A_407 : vector<512x32xf32>
    %add3A_1057 = arith.addf %mul3A_1055, %mul3A_1056 : vector<512x32xf32>
    %mul3A_1058 = arith.mulf %dot_general3A_991, %add3A_443 : vector<512x32xf32>
    %add3A_1059 = arith.addf %add3A_1057, %mul3A_1058 : vector<512x32xf32>
    %dot_general3A_1060 = arith.constant dense<0.000000e+00> : vector<512x2xf32>
    %dot_general3A_1061 = tpu.matmul %add3A_1059, %convert_element_type3A_885, %dot_general3A_1060 {dimension_numbers = #tpu.dot_dimension_numbers<[1], [0], [0], [1], [0, 0, 1, 1], [], []>, precision = #tpu.contract_precision<fp32>, transpose_lhs_hint = false} : vector<512x32xf32>, vector<32x2xf32>, vector<512x2xf32> -> vector<512x2xf32>
    %mul3A_1062 = arith.constant 2.500000e-01 : f32
    %mul3A_1063 = vector.broadcast %mul3A_1062 : f32 to vector<512x2xf32>
    %mul3A_1064 = arith.mulf %dot_general3A_1061, %mul3A_1063 : vector<512x2xf32>
    %add3A_1065 = vector.broadcast %get3A_820 : vector<512x1xf32> to vector<512x2xf32>
    %add3A_1066 = arith.addf %mul3A_1064, %add3A_1065 : vector<512x2xf32>
    %slice3A_1067 = vector.extract_strided_slice %add3A_1066 {offsets = [0, 0], sizes = [512, 1], strides = [1, 1]} : vector<512x2xf32> to vector<512x1xf32>
    %mul3A_1068 = vector.broadcast %slice3A_1067 : vector<512x1xf32> to vector<512x16xf32>
    %mul3A_1069 = arith.mulf %mul3A_1068, %convert_element_type3A_983 : vector<512x16xf32>
    %dot_general3A_1070 = arith.constant dense<0.000000e+00> : vector<32x16xf32>
    %dot_general3A_1071 = tpu.matmul %convert_element_type3A_921, %mul3A_1069, %dot_general3A_1070 {dimension_numbers = #tpu.dot_dimension_numbers<[1], [0], [0], [1], [0, 0, 1, 1], [], []>, precision = #tpu.contract_precision<fp32>, transpose_lhs_hint = false} : vector<32x512xf32>, vector<512x16xf32>, vector<32x16xf32> -> vector<32x16xf32>
    %reduce_max3A_1072 = arith.constant dense<0xFF800000> : vector<32xf32>
    %reduce_max3A_1073 = vector.multi_reduction <maximumf>, %dot_general3A_1071, %reduce_max3A_1072 [1] : vector<32x16xf32> to vector<32xf32>
    %broadcast_in_dim3A_1074 = vector.shape_cast %reduce_max3A_1073 : vector<32xf32> to vector<32x1xf32>
    %sub3A_1075 = vector.broadcast %broadcast_in_dim3A_1074 : vector<32x1xf32> to vector<32x16xf32>
    %sub3A_1076 = arith.subf %dot_general3A_1071, %sub3A_1075 : vector<32x16xf32>
    %exp3A_1077 = math.exp %sub3A_1076 : vector<32x16xf32>
    %reduce_sum3A_1078 = arith.constant dense<0.000000e+00> : vector<32xf32>
    %reduce_sum3A_1079 = vector.multi_reduction <add>, %exp3A_1077, %reduce_sum3A_1078 [1] : vector<32x16xf32> to vector<32xf32>
    %broadcast_in_dim3A_1080 = vector.shape_cast %reduce_sum3A_1079 : vector<32xf32> to vector<32x1xf32>
    %div3A_1081 = vector.broadcast %broadcast_in_dim3A_1080 : vector<32x1xf32> to vector<32x16xf32>
    %div3A_1082 = arith.divf %exp3A_1077, %div3A_1081 : vector<32x16xf32>
    %dot_general3A_1083 = arith.constant dense<0.000000e+00> : vector<512x16xf32>
    %dot_general3A_1084 = tpu.matmul %convert_element_type3A_957, %div3A_1082, %dot_general3A_1083 {dimension_numbers = #tpu.dot_dimension_numbers<[1], [0], [0], [1], [0, 0, 1, 1], [], []>, precision = #tpu.contract_precision<fp32>, transpose_lhs_hint = false} : vector<512x32xf32>, vector<32x16xf32>, vector<512x16xf32> -> vector<512x16xf32>
    %mul3A_1085 = arith.mulf %dot_general3A_1084, %convert_element_type3A_983 : vector<512x16xf32>
    %reduce_sum3A_1086 = arith.constant dense<0.000000e+00> : vector<512xf32>
    %reduce_sum3A_1087 = vector.multi_reduction <add>, %mul3A_1085, %reduce_sum3A_1086 [1] : vector<512x16xf32> to vector<512xf32>
    %broadcast_in_dim3A_1088 = vector.shape_cast %reduce_sum3A_1087 : vector<512xf32> to vector<512x1xf32>
    %broadcast_in_dim3A_1089 = vector.shape_cast %broadcast_in_dim3A_1088 : vector<512x1xf32> to vector<512x1xf32>
    %broadcast_in_dim3A_1090 = vector.broadcast %broadcast_in_dim3A_1089 : vector<512x1xf32> to vector<512x16xf32>
    %slice3A_1091 = vector.extract_strided_slice %add3A_1066 {offsets = [0, 1], sizes = [512, 1], strides = [1, 1]} : vector<512x2xf32> to vector<512x1xf32>
    %mul3A_1092 = vector.broadcast %slice3A_1091 : vector<512x1xf32> to vector<512x16xf32>
    %mul3A_1093 = arith.mulf %mul3A_1092, %convert_element_type3A_983 : vector<512x16xf32>
    %dot_general3A_1094 = arith.constant dense<0.000000e+00> : vector<32x16xf32>
    %dot_general3A_1095 = tpu.matmul %convert_element_type3A_921, %mul3A_1093, %dot_general3A_1094 {dimension_numbers = #tpu.dot_dimension_numbers<[1], [0], [0], [1], [0, 0, 1, 1], [], []>, precision = #tpu.contract_precision<fp32>, transpose_lhs_hint = false} : vector<32x512xf32>, vector<512x16xf32>, vector<32x16xf32> -> vector<32x16xf32>
    %reduce_max3A_1096 = arith.constant dense<0xFF800000> : vector<32xf32>
    %reduce_max3A_1097 = vector.multi_reduction <maximumf>, %dot_general3A_1095, %reduce_max3A_1096 [1] : vector<32x16xf32> to vector<32xf32>
    %broadcast_in_dim3A_1098 = vector.shape_cast %reduce_max3A_1097 : vector<32xf32> to vector<32x1xf32>
    %sub3A_1099 = vector.broadcast %broadcast_in_dim3A_1098 : vector<32x1xf32> to vector<32x16xf32>
    %sub3A_1100 = arith.subf %dot_general3A_1095, %sub3A_1099 : vector<32x16xf32>
    %exp3A_1101 = math.exp %sub3A_1100 : vector<32x16xf32>
    %reduce_sum3A_1102 = arith.constant dense<0.000000e+00> : vector<32xf32>
    %reduce_sum3A_1103 = vector.multi_reduction <add>, %exp3A_1101, %reduce_sum3A_1102 [1] : vector<32x16xf32> to vector<32xf32>
    %broadcast_in_dim3A_1104 = vector.shape_cast %reduce_sum3A_1103 : vector<32xf32> to vector<32x1xf32>
    %div3A_1105 = vector.broadcast %broadcast_in_dim3A_1104 : vector<32x1xf32> to vector<32x16xf32>
    %div3A_1106 = arith.divf %exp3A_1101, %div3A_1105 : vector<32x16xf32>
    %dot_general3A_1107 = arith.constant dense<0.000000e+00> : vector<512x16xf32>
    %dot_general3A_1108 = tpu.matmul %convert_element_type3A_957, %div3A_1106, %dot_general3A_1107 {dimension_numbers = #tpu.dot_dimension_numbers<[1], [0], [0], [1], [0, 0, 1, 1], [], []>, precision = #tpu.contract_precision<fp32>, transpose_lhs_hint = false} : vector<512x32xf32>, vector<32x16xf32>, vector<512x16xf32> -> vector<512x16xf32>
    %mul3A_1109 = arith.mulf %dot_general3A_1108, %convert_element_type3A_983 : vector<512x16xf32>
    %reduce_sum3A_1110 = arith.constant dense<0.000000e+00> : vector<512xf32>
    %reduce_sum3A_1111 = vector.multi_reduction <add>, %mul3A_1109, %reduce_sum3A_1110 [1] : vector<512x16xf32> to vector<512xf32>
    %broadcast_in_dim3A_1112 = vector.shape_cast %reduce_sum3A_1111 : vector<512xf32> to vector<512x1xf32>
    %broadcast_in_dim3A_1113 = vector.shape_cast %broadcast_in_dim3A_1112 : vector<512x1xf32> to vector<512x1xf32>
    %broadcast_in_dim3A_1114 = vector.broadcast %broadcast_in_dim3A_1113 : vector<512x1xf32> to vector<512x16xf32>
    %concatenate3A_1115 = tpu.concatenate %broadcast_in_dim3A_1090, %broadcast_in_dim3A_1114 in 1 : vector<512x16xf32>, vector<512x16xf32> -> vector<512x32xf32>
    %mul3A_1116 = arith.mulf %concatenate3A_1115, %add3A_745 : vector<512x32xf32>
    %dot_general3A_1117 = arith.constant dense<0.000000e+00> : vector<32x32xf32>
    %dot_general3A_1118 = tpu.matmul %convert_element_type3A_921, %mul3A_1116, %dot_general3A_1117 {dimension_numbers = #tpu.dot_dimension_numbers<[1], [0], [0], [1], [0, 0, 1, 1], [], []>, precision = #tpu.contract_precision<fp32>, transpose_lhs_hint = false} : vector<32x512xf32>, vector<512x32xf32>, vector<32x32xf32> -> vector<32x32xf32>
    %get3A_1119 = arith.constant 0 : index
    %get3A_1120 = arith.constant 0 : index
    %get3A_1121 = vector.load %arg16[%get3A_1119, %get3A_1120] : memref<32x16xf32, #tpu.memory_space<vmem>>, vector<32x16xf32>
    %dot_general3A_1122 = arith.constant dense<0.000000e+00> : vector<32x16xf32>
    %dot_general3A_1123 = tpu.matmul %dot_general3A_1118, %get3A_1121, %dot_general3A_1122 {dimension_numbers = #tpu.dot_dimension_numbers<[1], [0], [0], [1], [0, 0, 1, 1], [], []>, precision = #tpu.contract_precision<fp32>, transpose_lhs_hint = false} : vector<32x32xf32>, vector<32x16xf32>, vector<32x16xf32> -> vector<32x16xf32>
    %mul3A_1124 = arith.mulf %concatenate3A_1115, %add3A_781 : vector<512x32xf32>
    %dot_general3A_1125 = arith.constant dense<0.000000e+00> : vector<32x32xf32>
    %dot_general3A_1126 = tpu.matmul %convert_element_type3A_921, %mul3A_1124, %dot_general3A_1125 {dimension_numbers = #tpu.dot_dimension_numbers<[1], [0], [0], [1], [0, 0, 1, 1], [], []>, precision = #tpu.contract_precision<fp32>, transpose_lhs_hint = false} : vector<32x512xf32>, vector<512x32xf32>, vector<32x32xf32> -> vector<32x32xf32>
    %get3A_1127 = arith.constant 0 : index
    %get3A_1128 = arith.constant 0 : index
    %get3A_1129 = vector.load %arg16[%get3A_1127, %get3A_1128] : memref<32x16xf32, #tpu.memory_space<vmem>>, vector<32x16xf32>
    %dot_general3A_1130 = arith.constant dense<0.000000e+00> : vector<32x16xf32>
    %dot_general3A_1131 = tpu.matmul %dot_general3A_1126, %get3A_1129, %dot_general3A_1130 {dimension_numbers = #tpu.dot_dimension_numbers<[1], [0], [0], [1], [0, 0, 1, 1], [], []>, precision = #tpu.contract_precision<fp32>, transpose_lhs_hint = false} : vector<32x32xf32>, vector<32x16xf32>, vector<32x16xf32> -> vector<32x16xf32>
    %mul3A_1132 = arith.mulf %concatenate3A_1115, %add3A_817 : vector<512x32xf32>
    %dot_general3A_1133 = arith.constant dense<0.000000e+00> : vector<32x32xf32>
    %dot_general3A_1134 = tpu.matmul %convert_element_type3A_921, %mul3A_1132, %dot_general3A_1133 {dimension_numbers = #tpu.dot_dimension_numbers<[1], [0], [0], [1], [0, 0, 1, 1], [], []>, precision = #tpu.contract_precision<fp32>, transpose_lhs_hint = false} : vector<32x512xf32>, vector<512x32xf32>, vector<32x32xf32> -> vector<32x32xf32>
    %get3A_1135 = arith.constant 0 : index
    %get3A_1136 = arith.constant 0 : index
    %get3A_1137 = vector.load %arg16[%get3A_1135, %get3A_1136] : memref<32x16xf32, #tpu.memory_space<vmem>>, vector<32x16xf32>
    %dot_general3A_1138 = arith.constant dense<0.000000e+00> : vector<32x16xf32>
    %dot_general3A_1139 = tpu.matmul %dot_general3A_1134, %get3A_1137, %dot_general3A_1138 {dimension_numbers = #tpu.dot_dimension_numbers<[1], [0], [0], [1], [0, 0, 1, 1], [], []>, precision = #tpu.contract_precision<fp32>, transpose_lhs_hint = false} : vector<32x32xf32>, vector<32x16xf32>, vector<32x16xf32> -> vector<32x16xf32>
    %concatenate3A_1140 = tpu.concatenate %dot_general3A_1123, %dot_general3A_1131, %dot_general3A_1139 in 1 : vector<32x16xf32>, vector<32x16xf32>, vector<32x16xf32> -> vector<32x48xf32>
    %swap3A_1141 = arith.constant 0 : index
    %swap3A_1142 = arith.constant 0 : index
    %swap3A_1143 = vector.load %arg18[%swap3A_1141, %swap3A_1142] : memref<32x48xf32, #tpu.memory_space<vmem>>, vector<32x48xf32>
    tpu.vector_store %arg18[%swap3A_1141, %swap3A_1142], %concatenate3A_1140 {strides = array<i32>} : memref<32x48xf32, #tpu.memory_space<vmem>>, vector<32x48xf32>,
    return
  }
  func.func @transform_0(%arg0: i32) -> (i32, i32) {
    %c0_i32 = arith.constant 0 : i32
    %c0_i32_0 = arith.constant 0 : i32
    return %arg0, %c0_i32 : i32, i32
  }
  func.func @transform_1(%arg0: i32) -> (i32, i32) {
    %c0_i32 = arith.constant 0 : i32
    %c0_i32_0 = arith.constant 0 : i32
    return %arg0, %c0_i32 : i32, i32
  }
  func.func @transform_2(%arg0: i32) -> (i32, i32) {
    %c0_i32 = arith.constant 0 : i32
    %c0_i32_0 = arith.constant 0 : i32
    return %arg0, %c0_i32 : i32, i32
  }
  func.func @transform_3(%arg0: i32) -> (i32, i32) {
    %c0_i32 = arith.constant 0 : i32
    %c0_i32_0 = arith.constant 0 : i32
    return %arg0, %c0_i32 : i32, i32
  }
  func.func @transform_4(%arg0: i32) -> (i32, i32) {
    %c0_i32 = arith.constant 0 : i32
    %c0_i32_0 = arith.constant 0 : i32
    return %arg0, %c0_i32 : i32, i32
  }
  func.func @transform_5(%arg0: i32) -> (i32, i32) {
    %c0_i32 = arith.constant 0 : i32
    %c0_i32_0 = arith.constant 0 : i32
    return %arg0, %c0_i32 : i32, i32
  }
  func.func @transform_6(%arg0: i32) -> (i32, i32) {
    %c0_i32 = arith.constant 0 : i32
    %c0_i32_0 = arith.constant 0 : i32
    return %arg0, %c0_i32 : i32, i32
  }
  func.func @transform_7(%arg0: i32) -> (i32, i32) {
    %c0_i32 = arith.constant 0 : i32
    %c0_i32_0 = arith.constant 0 : i32
    return %arg0, %c0_i32 : i32, i32
  }
  func.func @transform_8(%arg0: i32) -> (i32, i32) {
    %c0_i32 = arith.constant 0 : i32
    %c0_i32_0 = arith.constant 0 : i32
    return %arg0, %c0_i32 : i32, i32
  }
  func.func @transform_9(%arg0: i32) -> (i32, i32) {
    %c0_i32 = arith.constant 0 : i32
    %c0_i32_0 = arith.constant 0 : i32
    return %arg0, %c0_i32 : i32, i32
  }
  func.func @transform_10(%arg0: i32) -> (i32, i32) {
    %c0_i32 = arith.constant 0 : i32
    %c0_i32_0 = arith.constant 0 : i32
    %c0_i32_1 = arith.constant 0 : i32
    return %c0_i32, %c0_i32_0 : i32, i32
  }
  func.func @transform_11(%arg0: i32) -> (i32, i32) {
    %c0_i32 = arith.constant 0 : i32
    %c0_i32_0 = arith.constant 0 : i32
    %c0_i32_1 = arith.constant 0 : i32
    return %c0_i32, %c0_i32_0 : i32, i32
  }
  func.func @transform_12(%arg0: i32) -> (i32, i32) {
    %c0_i32 = arith.constant 0 : i32
    %c0_i32_0 = arith.constant 0 : i32
    %c0_i32_1 = arith.constant 0 : i32
    return %c0_i32, %c0_i32_0 : i32, i32
  }
  func.func @transform_13(%arg0: i32) -> (i32, i32) {
    %c0_i32 = arith.constant 0 : i32
    %c0_i32_0 = arith.constant 0 : i32
    %c0_i32_1 = arith.constant 0 : i32
    return %c0_i32, %c0_i32_0 : i32, i32
  }
  func.func @transform_14(%arg0: i32) -> (i32, i32) {
    %c0_i32 = arith.constant 0 : i32
    %c0_i32_0 = arith.constant 0 : i32
    %c0_i32_1 = arith.constant 0 : i32
    return %c0_i32, %c0_i32_0 : i32, i32
  }
  func.func @transform_15(%arg0: i32) -> (i32, i32) {
    %c0_i32 = arith.constant 0 : i32
    %c0_i32_0 = arith.constant 0 : i32
    %c0_i32_1 = arith.constant 0 : i32
    return %c0_i32, %c0_i32_0 : i32, i32
  }
  func.func @transform_16(%arg0: i32) -> (i32, i32) {
    %c0_i32 = arith.constant 0 : i32
    %c0_i32_0 = arith.constant 0 : i32
    return %arg0, %c0_i32 : i32, i32
  }
  func.func @transform_17(%arg0: i32) -> (i32, i32) {
    %c0_i32 = arith.constant 0 : i32
    %c0_i32_0 = arith.constant 0 : i32
    return %arg0, %c0_i32 : i32, i32
  }
}

</mosaic_0001>

<sc_bundles>
// kernel: kernel.5.cloned.1.call-start
scs
__scs_entry_jumppad:
0x0: {  	(pc) =	sbr.rel $0x88, $3  }
0x1: {  	(tag) =	ssettag $0x0;
	lr =	simm.s32 $0x1  }
0x2: {  	[smem:$0x3F44] =	sst lr;
	_ =	strace $0xD0000000  }
0x3: {  	_ = 	snop  }
0x4: {  	_ = 	snop  }
0x5: {  	_ = 	snop  }
0x6: {  	_ = 	snop  }
0x7: {  	_ = 	snop  }
__scs_overlays_trampoline_lowered:
0x8: {  	[smem:$0x3F53] =	sst s0  }
0x9: {  	[smem:$0x3F54] =	sst s1  }
0xa: {  	[smem:$0x3F55] =	sst s2  }
0xb: {  	[smem:$0x3F56] =	sst s3  }
0xc: {  	[smem:$0x3F57] =	sst s4  }
0xd: {  	[smem:$0x3F58] =	sst s5  }
0xe: {  	[smem:$0x3F59] =	sst s6  }
0xf: {  	[smem:$0x3F5A] =	sst s7  }
0x10: {  	[smem:$0x3F5B] =	sst s8  }
0x11: {  	[smem:$0x3F5C] =	sst s9;
	s0 =	simm.s32 @!p0 $0x0  }
0x12: {  	s1 =	sld [smem:$0x3F42];
	s0 =	simm.s32 @p0 $0x1  }
0x13: {  	[smem:$0x3F5D] =	sst s0;
	s0 =	simm.s32 @!p1 $0x0  }
0x14: {  	s2 =	sld [smem:$0x3F41];
	s0 =	simm.s32 @p1 $0x1  }
0x15: {  	[smem:$0x3F5E] =	sst s0;
	s0 =	simm.s32 @!p2 $0x0  }
0x16: {  	s3 =	sld [smem:$0x3FDB];
	s0 =	simm.s32 @p2 $0x1  }
0x17: {  	s4 =	simm.s32 $0x1BF5;
	[smem:$0x3F60] =	sst s0  }
0x18: {  	s0 =	sld [smem:$0x3F43];
	_ =	swait.ge [sflag:s4], $0x0  }
0x19: {  	s7 =	sld [smem:$0x3F44]  }
0x1a: {  	s8 =	sadd.s32 $0xFFFFE003, lr  }
0x1b: {  	s9 =	sadd.s32 $0xFFFFFEF7, lr;
	s5 =	simm.s32 $0xFFFFFFFF;
	p2 =	slt.u32 s8, $0xFFFFF086  }
0x1c: {  	p1 =	slt.u32 s9, $0xF7A;
	s5 =	simm.s32 @!p2 $0x0  }
0x1d: {  	s5 =	simm.s32 @p1 $0x1;
	p0 =	seq.s32 s7, s2  }
0x1e: {  	s7 =	smul.u32 @!p0 $0xF7A, s2;
	p2 =	seq.s32 @!p0 s5, $0x0  }
0x1f: {  	s9 =	smul.u32 $0xF7A, s1;
	s8 =	simm.s32 @!p0 $0x1BF5;
	p2 =	por !p2, p0  }
0x20: {  	[sflag:s8] =	ssyncset.s32 @!p0 $0xFFFFF086;
	s6 =	sadd.s32 @!p0 s3, s7;
	s7 =	simm.s32 @!p0 $0x108  }
0x21: {  	s3 =	sadd.s32 s3, s9;
	s6 =	sadd.s32 @!p0 $0x88, s6;
	s7 =	simm.s32 @p2 $0x1082  }
0x22: {  	[simem:s7], [sflag:s8] =	dma.local @!p0 [hbm:s6], $0xF7A  }
0x23: {  	s9 =	sor.u32 $0xD0000000, s2;
	s6 =	simm.s32 $0x108;
	_ =	swait.ge @!p0 [sflag:s8], $0x0  }
0x24: {  	s3 =	sadd.s32 $0x88, s3;
	s6 =	simm.s32 @!p1 $0x1082;
	[sflag:s4] =	ssyncset.s32 $0xFFFFF086  }
0x25: {  	[simem:s6], [sflag:s4] =	dma.local [hbm:s3], $0xF7A  }
0x26: {  	[smem:$0x3F44] =	sst s1;
	(tag) =	ssettag s2;
	_ =	strace s9  }
0x27: {  	s1 =	sld [smem:$0x3F54]  }
0x28: {  	s2 =	sld [smem:$0x3F55]  }
0x29: {  	s4 =	sld [smem:$0x3F57]  }
0x2a: {  	p0 =	seq.s32 s5, $0x0;
	s5 =	sld [smem:$0x3F58]  }
0x2b: {  	s6 =	sld [smem:$0x3F59]  }
0x2c: {  	s7 =	sld [smem:$0x3F5A]  }
0x2d: {  	s3 =	simm.s32 $0x108;
	s8 =	sld [smem:$0x3F5B]  }
0x2e: {  	s3 =	simm.s32 @!p0 $0x1082;
	s9 =	sld [smem:$0x3F5C]  }
0x2f: {  	lr =	sadd.s32 s0, s3;
	s0 =	sld [smem:$0x3F53]  }
0x30: {  	s3 =	sld [smem:$0x3F56]  }
0x31: {  	[smem:$0x3F5F] =	sst s10  }
0x32: {  	s10 =	sld [smem:$0x3F5D];
	_ =	sdelay $0x3  }
0x33: {  	p0 =	seq.s32 s10, $0x1;
	s10 =	sld [smem:$0x3F5F];
	_ =	sdelay $0x3  }
0x34: {  	[smem:$0x3F5F] =	sst s10  }
0x35: {  	s10 =	sld [smem:$0x3F5E];
	_ =	sdelay $0x3  }
0x36: {  	p1 =	seq.s32 s10, $0x1;
	s10 =	sld [smem:$0x3F5F];
	_ =	sdelay $0x3  }
0x37: {  	[smem:$0x3F5F] =	sst s10  }
0x38: {  	s10 =	sld [smem:$0x3F60]  }
0x39: {  	_ = 	snop;
	(pc) =	sbr.ind lr, $3  }
0x3a: {  	_ = 	snop  }
0x3b: {  	_ = 	snop  }
0x3c: {  	p2 =	seq.s32 s10, $0x1;
	s10 =	sld [smem:$0x3F5F]  }
0x3d: {  	_ =	shalt  }
0x3e: {  	_ =	shalt  }
0x3f: {  	_ =	shalt  }
0x40: {  	_ =	shalt  }
0x41: {  	_ =	shalt  }
0x42: {  	_ =	shalt  }
0x43: {  	_ =	shalt  }
0x44: {  	_ =	shalt  }
0x45: {  	_ =	shalt  }
0x46: {  	_ =	shalt  }
0x47: {  	_ =	shalt  }
0x48: {  	_ =	shalt  }
0x49: {  	_ =	shalt  }
0x4a: {  	_ =	shalt  }
0x4b: {  	_ =	shalt  }
0x4c: {  	_ =	shalt  }
0x4d: {  	_ =	shalt  }
0x4e: {  	_ =	shalt  }
0x4f: {  	_ =	shalt  }
0x50: {  	_ =	shalt  }
0x51: {  	_ =	shalt  }
0x52: {  	_ =	shalt  }
0x53: {  	_ =	shalt  }
0x54: {  	_ =	shalt  }
0x55: {  	_ =	shalt  }
0x56: {  	_ =	shalt  }
0x57: {  	_ =	shalt  }
0x58: {  	_ =	shalt  }
0x59: {  	_ =	shalt  }
0x5a: {  	_ =	shalt  }
0x5b: {  	_ =	shalt  }
0x5c: {  	_ =	shalt  }
0x5d: {  	_ =	shalt  }
0x5e: {  	_ =	shalt  }
0x5f: {  	_ =	shalt  }
0x60: {  	_ =	shalt  }
0x61: {  	_ =	shalt  }
0x62: {  	_ =	shalt  }
0x63: {  	_ =	shalt  }
0x64: {  	_ =	shalt  }
0x65: {  	_ =	shalt  }
0x66: {  	_ =	shalt  }
0x67: {  	_ =	shalt  }
0x68: {  	_ =	shalt  }
0x69: {  	_ =	shalt  }
0x6a: {  	_ =	shalt  }
0x6b: {  	_ =	shalt  }
0x6c: {  	_ =	shalt  }
0x6d: {  	_ =	shalt  }
0x6e: {  	_ =	shalt  }
0x6f: {  	_ =	shalt  }
0x70: {  	_ =	shalt  }
0x71: {  	_ =	shalt  }
0x72: {  	_ =	shalt  }
0x73: {  	_ =	shalt  }
0x74: {  	_ =	shalt  }
0x75: {  	_ =	shalt  }
0x76: {  	_ =	shalt  }
0x77: {  	_ =	shalt  }
0x78: {  	_ =	shalt  }
0x79: {  	_ =	shalt  }
0x7a: {  	_ =	shalt  }
0x7b: {  	_ =	shalt  }
0x7c: {  	_ =	shalt  }
0x7d: {  	_ =	shalt  }
0x7e: {  	_ =	shalt  }
0x7f: {  	_ =	shalt  }
0x80: {  	_ =	shalt  }
0x81: {  	_ =	shalt  }
0x82: {  	_ =	shalt  }
0x83: {  	_ =	shalt  }
0x84: {  	_ =	shalt  }
0x85: {  	_ =	shalt  }
0x86: {  	_ =	shalt  }
0x87: {  	_ =	shalt  }
.Lfunc_end0:
.L_simem_size_0:
called_computation_lowered:
.L_overlay_start_0:
0x88: {  	s2 =	sld [smem:$0x3FD9]  }
0x89: {  	s3 =	sld [smem:$0x3FFE];
	_ =	sdelay $0x1  }
0x8a: {  	s1 =	srdreg.scid  }
0x8b: {  	s0 =	sand.u32 $0x1, s1  }
0x8c: {  	s14 =	sshll.u32 s0, $0xA;
	s2 =	sadd.s32 s3, s2  }
0x8d: {  	s2 =	sadd.s32 s2, s14  }
0x8e: {  	[smem:$0x3F6B] =	sst s2  }
0x8f: {  	_ = 	snop  }
0x90: {  	s2 =	sld [smem:$0x3FD0];
	_ =	sdelay $0x2  }
0x91: {  	s15 =	simm.s32 $0xA;
	s4 =	simm.s32 $0x10  }
0x92: {  	[smem:s4], [sflag:s15] =	dma.local [hbm:s2], $0x1  }
0x93: {  	_ =	swait.eq [sflag:s15], $0x1  }
0x94: {  	[sflag:s15] =	ssyncset.done $0x0  }
0x95: {  	[sflag:s15] =	ssyncadd.s32 $0xFFFFFFFF  }
0x96: {  	s16 =	sld [smem:$0x10];
	(tm) =	ssettm $0x1  }
0x97: {  	s17 =	sld [smem:$0x3FFB];
	_ =	sdelay $0x3  }
0x98: {  	_ =	strace s17  }
0x99: {  	s3 =	sld [smem:$0x3FFC];
	_ =	sdelay $0x3  }
0x9a: {  	_ =	strace s3  }
0x9b: {  	s3 =	sld [smem:$0x3FFD];
	_ =	sdelay $0x3  }
0x9c: {  	_ =	strace s3  }
0x9d: {  	_ =	strace $0x8FFFFFFF  }
0x9e: {  	s18 =	sld [smem:$0x3FDB];
	_ =	sdelay $0x1  }
0x9f: {  	s19 =	simm.s32 $_scs_section_size  }
0xa0: {  	s5 =	simm.s32 $_size__tile_overlayer_lowered;
	s6 =	simm.s32 $_tile_overlayer_lowered  }
0xa1: {  	s22 =	simm.s32 $0x1BFF;
	s21 =	sshll.u32 s6, $0x1;
	s3 =	sadd.s32 s19, s18  }
0xa2: {  	s7 =	simm.s32 $0x0;
	s20 =	sshll.u32 s5, $0x1;
	s5 =	sadd.s32 s21, s3  }
0xa3: {  	[timem:s7], [sflag:s22] =	dma.local [hbm:s5], s20  }
0xa4: {  	_ =	swait.ge [sflag:s22], s20  }
0xa5: {  	s4 =	ssub.s32 $0x0, s20;
	[sflag:s22] =	ssyncset.done $0x0  }
0xa6: {  	[sflag:s22] =	ssyncadd.s32 s4;
	_ =	sdelay $0x1  }
0xa7: {  	s23 =	simm.s32 $0x1B8B  }
0xa8: {  	_ =	swait.ge [sflag:s23], $0x1  }
0xa9: {  	[sflag:s23] =	ssyncset.done $0x0  }
0xaa: {  	s25 =	simm.s32 $0x1B8E;
	s24 =	sld [smem:$0x3FFE];
	[sflag:s23] =	ssyncadd.s32 $0xFFFFFFFF  }
0xab: {  	s26 =	simm.s32 $execute0_lowered;
	[smem:$0x3FD2] =	sst s25  }
0xac: {  	s5 =	sshll.u32 s26, $0x1;
	_ =	strace $0x80000046;
	[dreg:$0x1] =	wrdreg $0xFFFFFFFF  }
0xad: {  	s28 =	simm.s32 $_size_execute0_lowered;
	s3 =	sadd.s32 s3, s5;
	[dreg:$0x0] =	wrdreg $0x0  }
0xae: {  	s5 =	sshll.u32 s28, $0x1;
	[dreg:$0x2] =	wrdreg s3  }
0xaf: {  	[dreg:$0x3] =	wrdreg s5  }
0xb0: {  	[dreg:$0x4] =	wrdreg $0xC0  }
0xb1: {  	_ =	task [dreg:s7], $0x5FFFF  }
0xb2: {  	[dreg:$0x1] =	wrdreg $0xFFFFFFFF  }
0xb3: {  	[dreg:$0x0] =	wrdreg $0x60  }
0xb4: {  	[dreg:$0x2] =	wrdreg s24  }
0xb5: {  	[dreg:$0x3] =	wrdreg s16  }
0xb6: {  	[dreg:$0x4] =	wrdreg $0x9  }
0xb7: {  	_ =	task.clear_ibuf [dreg:s7], $0x5FFFF;
	_ =	strace $0x90000046  }
0xb8: {  	s29 =	simm.s32 $0x9;
	_ =	strace $0x80000048  }
0xb9: {  	_ =	swait.ge [sflag:s29], $0x1  }
0xba: {  	[sflag:s29] =	ssyncadd.s32 $0xFFFFFFFF  }
0xbb: {  	_ =	strace $0x90000048  }
0xbc: {  	_ =	sfence  }
0xbd: {  	s30 =	sld [smem:$0x0];
	_ =	sdelay $0x2  }
0xbe: {  	s31 =	sshll.u32 s1, $0xD;
	s1 =	sshrl.u32 s1, $0x2  }
0xbf: {  	s3 =	sand.u32 $0x4000, s31;
	s1 =	sadd.s32 s1, s30  }
0xc0: {  	s0 =	sor.u32 s3, s0;
	s1 =	sshll.u32 s1, $0x11  }
0xc1: {  	s0 =	sor.u32 s1, s0  }
0xc2: {  	s0 =	sadd.s32 $0x8F2B, s0  }
0xc3: {  	[sflag:s0] =	ssyncadd.remote.s32 $0x1  }
0xc4: {  	_ =	sfence.sel $0xFFFF  }
0xc5: {  	[dreg:$0x0] =	wrdreg $0xFFFFFFFF;
	(pc) =	sbr.abs _section_cstart, $3  }
0xc6: {  	[dreg:$0x1] =	wrdreg $0xFFFFFFFF  }
0xc7: {  	_ =	task.clear_ibuf [dreg:s7], $0x2FFFF;
	_ =	strace $0x9FFFFFFF  }
0xc8: {  	(tm) =	ssettm $0x7FFFFFFF  }
0xc9: {  	_ =	shalt  }
tec
execute0_lowered:
.L_overlay_start_1:
0x0: {  	(tag) =	ssettag $0x1  }
0x1: {  	s1 =	srdreg.scid  }
0x2: {  	s8 =	rddreg [dreg:$0x0];
	s0 =	stileid.u32  }
0x3: {  	s3 =	rddreg [dreg:$0x1];
	s2 =	simm.s32 $0x0;
	s6 =	sand.u32 $0x1, s1  }
0x4: {  	s4 =	sshll.u32 s0, $0x8;
	s1 =	rddreg [dreg:$0x2];
	s5 =	sshll.u32 s6, $0x7  }
0x5: {  	s7 =	simm.s32 $0x1;
	[smem:$0x7FF] =	sst s2;
	s9 =	sor.u32 s5, s4  }
0x6: {  	_ =	strace $0x80000047;
	s10 =	ssub.s32 $0x2, s6;
	s4 =	sshrl.u32 s9, $0x3  }
0x7: {  	s6 =	simm.s32 $0x80;
	s4 =	sadd.s32 s3, s4;
	s3 =	simm.s32 $0x2  }
0x8: {  	[tilespmem:s2], [sflag:$0x2] =	stream.linear.gather [hbm4b:s4+s2], $0x80, $0x38;
	[tilespmem:$0x4080] =	vst v63  }
0x9: {  	s5 =	sadd.s32 $0x7800, s8;
	s11 =	sshrl.u32 s10, $0x1;
	_ =	swait.ge [sflag:s3], $0x80  }
0xa: {  	s9 =	sshll.u32 s9, $0x4;
	s31 =	ssub.s32 s10, s11;
	[sflag:s3] =	ssyncset.done $0x0  }
0xb: {  	s8 =	sadd.s32 s9, s8;
	s9 =	smax.u32 s31, $0x1;
	[sflag:s3] =	ssyncadd.s32 $0xFFFFFF80  }
0xc: {  	[tilespmem:s6], [sflag:$0x1] =	stream.indirect.gather [hbm4b:s5+s6], $0x80, s2, s6, $0xb8;
	[tilespmem:$0x4080] =	vst v63  }
0xd: {  	p0 =	sne.s32 s9, $0x1;
	_ =	swait.ge [sflag:s7], $0x4000  }
.Ltmp0:
0xe: {  	[sflag:s7] =	ssyncset.done $0x0;
	(pc) =	sbr.rel @!p0 .LBB2_2-.Ltmp0, $4  }
0xf: {  	s8 =	sadd.s32 $0x8800, s8;
	[sflag:s7] =	ssyncadd.s32 $0xFFFFC000  }
0x10: {  	[hbm4b:s8+s2] =	stream.linear.scatter [tilespmem:s6], [sflag:$0x2], $0x4000, $0x38;
	[tilespmem:$0x4080] =	vst v63  }
0x11: {  	_ =	swait.ge [sflag:s3], $0x4000  }
0x12: {  	s9 =	sadd.s32 $0xFFFFFFFF, s9;
	[sflag:s3] =	ssyncset.done $0x0  }
.LBB2_1:
0x13: {  	p0 =	sne.s32 s9, $0x1;
	s9 =	sadd.s32 $0xFFFFFFFF, s9;
	[sflag:s3] =	ssyncadd.s32 $0xFFFFC000  }
0x14: {  	[tilespmem:s2], [sflag:$0x2] =	stream.linear.gather [hbm4b:s4+s2], $0x80, $0x38;
	[tilespmem:$0x4080] =	vst v63  }
0x15: {  	_ =	swait.ge [sflag:s3], $0x80  }
0x16: {  	[sflag:s3] =	ssyncset.done $0x0  }
0x17: {  	[sflag:s3] =	ssyncadd.s32 $0xFFFFFF80  }
0x18: {  	[tilespmem:s6], [sflag:$0x1] =	stream.indirect.gather [hbm4b:s5+s6], $0x80, s2, s6, $0xb8;
	[tilespmem:$0x4080] =	vst v63  }
0x19: {  	_ =	swait.ge [sflag:s7], $0x4000  }
.Ltmp1:
0x1a: {  	[sflag:s7] =	ssyncset.done $0x0;
	(pc) =	sbr.rel @p0 .LBB2_1-.Ltmp1, $4  }
0x1b: {  	[sflag:s7] =	ssyncadd.s32 $0xFFFFC000  }
0x1c: {  	[hbm4b:s8+s2] =	stream.linear.scatter [tilespmem:s6], [sflag:$0x2], $0x4000, $0x38;
	[tilespmem:$0x4080] =	vst v63  }
0x1d: {  	_ =	swait.ge [sflag:s3], $0x4000  }
0x1e: {  	[sflag:s3] =	ssyncset.done $0x0  }
.LBB2_2:
0x1f: {  	[sflag:s3] =	ssyncadd.s32 $0xFFFFC000  }
0x20: {  	_ =	sfence.sel $0x180000  }
0x21: {  	[bflag:$0x0] =	sbarrier.arrive $0xFFFF  }
0x22: {  	p0 =	sne.s32 s0, $0x0;
	_ =	strace $0x90000047  }
0x23: {  	s0 =	sadd.s32 @!p0 $0x100000, s1;
	[bflag:$0x2] =	sbarrier.arrive $0xFFFF  }
0x24: {  	[sflag:s0] =	ssyncadd.tile.s32 @!p0 $0x1;
	_ =	shalt  }
.Lfunc_end2:
_tile_overlayer_lowered:
.L_overlay_start_2:
0x25: {  	(tag) =	ssettag $0x2  }
0x26: {  	s0 =	rddreg [dreg:$0x0];
	s2 =	stileid.u32  }
0x27: {  	s1 =	rddreg [dreg:$0x1];
	p0 =	sne.s32 s2, $0x0  }
0x28: {  	s3 =	rddreg [dreg:$0x2];
	[bflag:$0x3] =	sbarrier.arrive $0xFFFF;
	s2 =	simm.s32 @!p0 $0x1C02  }
0x29: {  	[timem:s3], [sflag:s2] =	dma.local @!p0 [hbm:s0], s1  }
0x2a: {  	s0 =	simm.s32 @!p0 $0x2  }
0x2b: {  	_ =	swait.ge @!p0 [sflag:s0], s1  }
0x2c: {  	s1 =	ssub.s32 @!p0 $0x0, s1;
	[sflag:s0] =	ssyncset.done @!p0 $0x0  }
0x2d: {  	[sflag:s0] =	ssyncadd.s32 @!p0 s1  }
0x2e: {  	[bflag:$0x3] =	sbarrier.arrive $0xFFFF  }
0x2f: {  	_ =	shalt  }

</sc_bundles>
